<compile_context>
chip_gen: v7x
topology: tpu7x:2x2x1
jax: 0.10.2.dev20260603
libtpu: 0.0.44.dev20260713+nightly
codegen_flags: <defaults>
</compile_context>

<pallas_src>
import functools

import jax
import jax.numpy as jnp
from jax import lax
from jax.experimental import pallas as pl
from jax.experimental.pallas import tpu as pltpu
from jax.experimental.pallas import tpu_sc as plsc

_B, _N, _K, _R = 8, 2048, 16, 2
_M = 512
_NBLK = _N // _M
_D = 128
_NW = 32
_TOT = _B * _N * _K
_PW = _TOT // _NW
_CH = 128
_NCH = _PW // _CH



def _topk_cell(xyz_ref, xyzT_ref,
               W1T_ref, b1_ref, W2T_ref, b2_ref,
               idx_ref, tbl_ref, kk_ref):
    b = pl.program_id(0)
    m = pl.program_id(1)
    f32 = jnp.float32
    x3 = xyz_ref[0]
    Q = xyzT_ref[0, pl.ds(m * _M, _M), :]

    P1 = jnp.maximum(jnp.dot(Q, W1T_ref[...], preferred_element_type=f32)
                     + b1_ref[...], 0.0)
    fq = jnp.maximum(jnp.dot(P1, W2T_ref[...], preferred_element_type=f32)
                     + b2_ref[...], 0.0)
    tbl_ref[0] = jnp.concatenate(
        [fq, Q, jnp.zeros((_M, _D - 67), f32)], axis=1)

    sq_all = jnp.sum(x3 * x3, axis=0, keepdims=True)
    sq_q = jnp.sum(Q * Q, axis=1, keepdims=True)
    dotQ = jnp.dot(Q, x3, preferred_element_type=f32)
    lane = lax.broadcasted_iota(jnp.int32, (_M, 128), 1)
    rid = lax.broadcasted_iota(jnp.int32, (_M, 1), 0) + m * _M
    nch = _N // 128

    base = b * _N
    self_col = rid + base
    inf = jnp.float32(jnp.inf)

    def exid(mv):
        return (lax.bitcast_convert_type(mv, jnp.int32) & 2047) + base

    def glob2(a1, a2):
        m1 = jnp.min(a1, axis=1, keepdims=True)
        m2 = jnp.min(jnp.where(a1 == m1, a2, a1), axis=1, keepdims=True)
        return m1, m2

    a1 = a2 = None
    for j in range(nch):
        sl = pl.ds(j * 128, 128)
        lo, hi = j * 128, (j + 1) * 128
        d2c = sq_q + sq_all[:, lo:hi] - 2.0 * dotQ[:, lo:hi]
        d2c = jnp.maximum(d2c, 0.0) + 1.0
        lj = lane + (j * 128)
        bch = lax.bitcast_convert_type(
            (lax.bitcast_convert_type(d2c, jnp.int32) & jnp.int32(-2048)) | lj,
            jnp.float32)
        bch = jnp.where(lj == rid, inf, bch)
        kk_ref[:, sl] = bch
        if a1 is None:
            a1, a2 = bch, jnp.full_like(bch, inf)
        else:
            t = jnp.maximum(a1, bch)
            a1 = jnp.minimum(a1, bch)
            a2 = jnp.minimum(a2, t)
    m1, m2 = glob2(a1, a2)
    cols = [self_col, exid(m1), exid(m2)]
    for _ in range(6):
        prev2 = m2
        a1 = a2 = None
        for j in range(nch):
            sl = pl.ds(j * 128, 128)
            c = kk_ref[:, sl]
            c = jnp.where(c <= prev2, inf, c)
            if a1 is None:
                a1, a2 = c, jnp.full_like(c, inf)
            else:
                t = jnp.maximum(a1, c)
                a1 = jnp.minimum(a1, c)
                a2 = jnp.minimum(a2, t)
        m1, m2 = glob2(a1, a2)
        cols.append(exid(m1))
        cols.append(exid(m2))
    prev2 = m2
    macc = None
    for j in range(nch):
        c = kk_ref[:, pl.ds(j * 128, 128)]
        c = jnp.where(c <= prev2, inf, c)
        macc = c if macc is None else jnp.minimum(macc, c)
    mlast = jnp.min(macc, axis=1, keepdims=True)
    cols.append(exid(mlast))
    idx_ref[0] = jnp.concatenate(cols, axis=1)



def _make_sc_gather(pw, nch):
  def _sc_gather(tbl_hbm, idx_hbm, out_hbm, idx_v, buf0, buf1, sem0, sem1):
    wid = lax.axis_index("s") * 2 + lax.axis_index("c")
    base = wid * pw
    pltpu.sync_copy(idx_hbm.at[pl.ds(base, pw)], idx_v)

    def start(st, buf, sem):
        pltpu.async_copy(tbl_hbm.at[idx_v.at[pl.ds(st, _CH)]], buf, sem)

    def wait(buf, sem):
        pltpu.make_async_copy(tbl_hbm.at[pl.ds(0, _CH)], buf, sem).wait()

    def out(st, buf):
        pltpu.sync_copy(buf, out_hbm.at[pl.ds(base + st, _CH)])

    start(0, buf0, sem0)

    def body(i, carry):
        st = 2 * i * _CH
        start(st + _CH, buf1, sem1)
        wait(buf0, sem0)
        out(st, buf0)
        start(st + 2 * _CH, buf0, sem0)
        wait(buf1, sem1)
        out(st + _CH, buf1)
        return carry

    lax.fori_loop(0, nch // 2 - 1, body, 0)
    st = (nch - 2) * _CH
    start(st + _CH, buf1, sem1)
    wait(buf0, sem0)
    out(st, buf0)
    wait(buf1, sem1)
    out(st + _CH, buf1)
  return _sc_gather



def _mlp_cell(g_ref,
              WpT_ref, WsT_ref, bs_ref,
              Wa1T_ref, ba1_ref, Wa2T_ref, ba2_ref,
              Wm1aT_ref, Wm1bT_ref, bm1_ref, Wm2T_ref, bm2_ref,
              out_ref):
    f32 = jnp.float32
    Gb = g_ref[...]
    nb0 = Gb[0, 0]
    fq = nb0[:, 0:64]
    Q = nb0[:, 64:67]

    WpT = WpT_ref[...]
    Wa1T = Wa1T_ref[...]
    ba1 = ba1_ref[...]
    Wa2T = Wa2T_ref[...]
    ba2 = ba2_ref[...]

    lg0 = jnp.dot(jnp.maximum(ba1, 0.0), Wa2T, preferred_element_type=f32) + ba2

    logits = [lg0]
    fks = []
    planes = None
    for k in range(1, _K):
        nb = Gb[k, 0]
        nbf = nb[:, 0:64]
        nbx = nb[:, 64:67]

        fk = nbf - fq
        a = jnp.maximum(jnp.dot(fk, Wa1T, preferred_element_type=f32) + ba1, 0.0)
        lg = jnp.dot(a, Wa2T, preferred_element_type=f32) + ba2
        logits.append(lg)
        fks.append(fk)

        v = nbx - Q
        rn = 1.0 / (jnp.sqrt(jnp.sum(v * v, axis=1, keepdims=True)) + 1e-8)
        p = jnp.dot(v, WpT, preferred_element_type=f32)
        c = p * jnp.abs(p) * rn
        planes = c if planes is None else jnp.maximum(planes, c)

    mx = functools.reduce(jnp.maximum, logits)
    den = jnp.exp(jnp.broadcast_to(logits[0], mx.shape) - mx)
    num = None
    for k in range(1, _K):
        e = jnp.exp(logits[k] - mx)
        den = den + e
        t = e * fks[k - 1]
        num = t if num is None else num + t
    f_att = num / den

    f_shapes = jnp.dot(planes, WsT_ref[...], preferred_element_type=f32) + bs_ref[...]

    h = jnp.maximum(jnp.dot(f_att, Wm1aT_ref[...], preferred_element_type=f32)
                    + jnp.dot(f_shapes, Wm1bT_ref[...], preferred_element_type=f32)
                    + bm1_ref[...], 0.0)
    o = jnp.dot(h, Wm2T_ref[...], preferred_element_type=f32) + bm2_ref[...]

    Qe = jnp.concatenate([Q[:, 0:1], Q[:, 0:1], Q[:, 1:2], Q[:, 1:2],
                          Q[:, 2:3], Q[:, 2:3]], axis=1)
    out_ref[0] = Qe + 0.15 * o


def kernel(xyz, Wp, Ws, bs, W1, b1, W2, b2, Wa1, ba1, Wa2, ba2, Wm1, bm1, Wm2, bm2):
    Bsz, C, Np = xyz.shape
    f32 = jnp.float32
    xyzT = jnp.transpose(xyz, (0, 2, 1))

    row = lambda v: v.reshape(1, -1)
    wsA = [W1.T, row(b1), W2.T, row(b2)]
    wspecsA = [pl.BlockSpec(w.shape, lambda b, m: (0,) * w.ndim) for w in wsA]
    wsC = [Wp.T, Ws.T, row(bs), Wa1.T, row(ba1), Wa2.T, row(ba2),
           Wm1[:, :64].T, Wm1[:, 64:].T, row(bm1), Wm2.T, row(bm2)]
    wspecsC = [pl.BlockSpec(w.shape, lambda b, m: (0,) * w.ndim) for w in wsC]
    mesh = plsc.VectorSubcoreMesh(core_axis_name="c", subcore_axis_name="s")

    _NG = 2
    nb = _B // _NG
    tot = nb * _N * _K
    pw = tot // _NW
    nch = pw // _CH
    sc_gather = _make_sc_gather(pw, nch)

    outs = []
    for g in range(_NG):
        xyz_g = xyz[g * nb:(g + 1) * nb]
        xyzT_g = xyzT[g * nb:(g + 1) * nb]

        idxg, tblA = pl.pallas_call(
            _topk_cell,
            grid=(nb, _NBLK),
            in_specs=[
                pl.BlockSpec((1, 3, _N), lambda b, m: (b, 0, 0)),
                pl.BlockSpec((1, _N, 3), lambda b, m: (b, 0, 0)),
            ] + wspecsA,
            out_specs=[
                pl.BlockSpec((1, _M, _K), lambda b, m: (b, m, 0)),
                pl.BlockSpec((1, _M, _D), lambda b, m: (b, m, 0)),
            ],
            out_shape=[
                jax.ShapeDtypeStruct((nb, _N, _K), jnp.int32),
                jax.ShapeDtypeStruct((nb, _N, _D), f32),
            ],
            scratch_shapes=[pltpu.VMEM((_M, _N), jnp.float32)],
        )(xyz_g, xyzT_g, *wsA)

        tbl = tblA.reshape(nb * _N, _D)
        idx_flat = jnp.transpose(idxg, (2, 0, 1)).reshape(tot)

        G = pl.kernel(
            sc_gather,
            mesh=mesh,
            out_type=jax.ShapeDtypeStruct((tot, _D), f32),
            scratch_types=[
                pltpu.VMEM((pw,), jnp.int32),
                pltpu.VMEM((_CH, _D), f32),
                pltpu.VMEM((_CH, _D), f32),
                pltpu.SemaphoreType.DMA,
                pltpu.SemaphoreType.DMA,
            ],
        )(tbl, idx_flat)

        G4 = G.reshape(_K, nb, _N, _D)
        out_pm = pl.pallas_call(
            _mlp_cell,
            grid=(nb, _NBLK),
            in_specs=[
                pl.BlockSpec((_K, 1, _M, _D), lambda b, m: (0, b, m, 0)),
            ] + wspecsC,
            out_specs=pl.BlockSpec((1, _M, 6), lambda b, m: (b, m, 0)),
            out_shape=jax.ShapeDtypeStruct((nb, _N, 6), f32),
        )(G4, *wsC)
        outs.append(out_pm)

    out_all = jnp.concatenate(outs, axis=0)
    return out_all.transpose(0, 2, 1).reshape(Bsz, 3, _R * Np)

# --- scband reference (transcript-rebuilt; emitter-appended) ---
"""Pipeline reference for scband-re-12146167513655 (READ-ONLY COPY).

The authoritative reference and input builder live on the scoring server;
editing this copy changes nothing except your own understanding.
"""

import jax, jax.numpy as jnp
import numpy as np

B, N, K, R = 8, 2048, 16, 2

def _mm1d(W, b, x):
    # pointwise Conv1d: x [B,C,N] -> [B,O,N]
    y = jnp.einsum('oc,bcn->bon', W, x)
    if b is not None:
        y = y + b[None, :, None]
    return y

def _mm2d(W, b, x):
    # pointwise Conv2d (1,1): x [B,C,N,K] -> [B,O,N,K]
    y = jnp.einsum('oc,bcnk->bonk', W, x)
    if b is not None:
        y = y + b[None, :, None, None]
    return y

def _group_points(points, idx):
    # points [B,C,N], idx [B,M,Kk] -> [B,C,M,Kk]
    return jax.vmap(lambda p, i: p[:, i])(points, idx)

def _knn_idx(xyz_bnc, k):
    # brute-force kNN of xyz_bnc (queries) within xyz_bnc (database)
    sq = jnp.sum(xyz_bnc * xyz_bnc, axis=-1)
    d2 = sq[:, :, None] + sq[:, None, :] - 2.0 * jnp.einsum('bnd,bmd->bnm', xyz_bnc, xyz_bnc)
    _, idx = jax.lax.top_k(-d2, k)
    return idx


def setup_inputs(seed: int = 0) -> dict:
    key = jax.random.key(seed)
    ks = jax.random.split(key, 16)
    def w(kk, shape, fan_in):
        return jax.random.normal(kk, shape, dtype=jnp.float32) * (1.0 / np.sqrt(fan_in))
    return {
        'xyz': jax.random.normal(ks[0], (B, 3, N), dtype=jnp.float32),
        # LocalShape params
        'Wp': w(ks[1], (64, 3), 3),                 # mlp_planes Conv2d(3->64, 1x1, bias=False)
        'Ws': w(ks[2], (64, 64), 64),               # mlp_shapes [64->64]
        'bs': jnp.zeros((64,), jnp.float32),
        # mlp1 [3->32->64], last_act=True
        'W1': w(ks[3], (32, 3), 3), 'b1': jnp.zeros((32,), jnp.float32),
        'W2': w(ks[4], (64, 32), 32), 'b2': jnp.zeros((64,), jnp.float32),
        # attention 2D [64->128->64], last_act=False
        'Wa1': w(ks[5], (128, 64), 64), 'ba1': jnp.zeros((128,), jnp.float32),
        'Wa2': w(ks[6], (64, 128), 128), 'ba2': jnp.zeros((64,), jnp.float32),
        # mlp3 [128->128->3*r], last_act=False
        'Wm1': w(ks[7], (128, 128), 128), 'bm1': jnp.zeros((128,), jnp.float32),
        'Wm2': w(ks[8], (3 * R, 128), 128), 'bm2': jnp.zeros((3 * R,), jnp.float32),
    }


def reference(xyz, Wp, Ws, bs, W1, b1, W2, b2, Wa1, ba1, Wa2, ba2, Wm1, bm1, Wm2, bm2):
    Bsz, C, Np = xyz.shape
    xyz_bnc = jnp.transpose(xyz, (0, 2, 1))  # [B,N,3]
    # knnSearch(xyz, xyz_new=xyz, k) -> idx [B,N,K] (first neighbor is self)
    idx = _knn_idx(xyz_bnc, K)
    # ---- LocalShape ----
    knn_pts = _group_points(xyz, idx[:, :, 1:]) - xyz[:, :, :, None]          # [B,3,N,K-1]
    nrm = jnp.linalg.norm(knn_pts, axis=1, keepdims=True) + 1e-8              # [B,1,N,K-1]
    planes = _mm2d(Wp, None, knn_pts) / nrm                                   # [B,64,N,K-1]
    planes = jnp.max(nrm * planes * jnp.abs(planes), axis=-1)                 # [B,64,N]
    f_shapes = _mm1d(Ws, bs, planes)                                          # [B,64,N]
    # ---- main branch ----
    f = jax.nn.relu(_mm1d(W1, b1, xyz))
    f = jax.nn.relu(_mm1d(W2, b2, f))                                         # [B,64,N]
    f_knn = _group_points(f, idx) - f[:, :, :, None]                          # [B,64,N,K]
    a = jax.nn.relu(_mm2d(Wa1, ba1, f_knn))
    wgt = jax.nn.softmax(_mm2d(Wa2, ba2, a), axis=-1)                         # [B,64,N,K]
    f = jnp.sum(wgt * f_knn, axis=-1)                                         # [B,64,N]
    f = jnp.concatenate([f, f_shapes], axis=1)                                # [B,128,N]
    h = jax.nn.relu(_mm1d(Wm1, bm1, f))
    out3 = _mm1d(Wm2, bm2, h)                                                 # [B,3r,N]
    out3 = out3.reshape(Bsz, 3, R * Np)                                       # view(B,-1,r*N)
    return jnp.tile(xyz, (1, 1, R)) + 0.15 * out3                             # [B,3,r*N]

if __name__ == "__main__":
    import jax
    _d = setup_inputs()
    print(jax.jit(kernel)(*tuple(_d.values())))

</pallas_src>

<mosaic_0001>
#map = affine_map<(d0, d1) -> (0, 0)>
#map1 = affine_map<(d0, d1) -> (0)>
module attributes {stable_mosaic.version = 14 : i64} {
  func.func @_sc_gather(%arg0: i32, %arg1: i32, %arg2: memref<8192x128xf32, #tpu.memory_space<hbm>>, %arg3: memref<131072xi32, #tpu.memory_space<hbm>>, %arg4: memref<131072x128xf32, #tpu.memory_space<hbm>>, %arg5: memref<4096xi32, #tpu.memory_space<vmem>>, %arg6: memref<128x128xf32, #tpu.memory_space<vmem>>, %arg7: memref<128x128xf32, #tpu.memory_space<vmem>>, %arg8: memref<!tpu.dma_semaphore, #tpu.memory_space<semaphore_mem>>, %arg9: memref<!tpu.dma_semaphore, #tpu.memory_space<semaphore_mem>>) attributes {dimension_semantics = [#tpu.dimension_semantics<core_parallel>, #tpu.dimension_semantics<subcore_parallel>], iteration_bounds = array<i64: 2, 16>, scalar_prefetch = 0 : i64, scratch_operands = 5 : i64, tpu.core_type = #tpu.core_type<sc_vector_subcore>, window_params = [{transform_indices = #map}, {transform_indices = #map1}, {transform_indices = #map}]} {
    %mul3A = arith.constant 2 : i32
    %mul3A_0 = arith.muli %arg1, %mul3A : i32
    %add3A = arith.addi %mul3A_0, %arg0 : i32
    %mul3A_1 = arith.constant 4096 : i32
    %mul3A_2 = arith.muli %add3A, %mul3A_1 : i32
    "tpu.region"() ({
      %run_scoped3A = tpu.sem_alloc : memref<!tpu.dma_semaphore, #tpu.memory_space<semaphore_mem>>
      %dma_start3A_32 = tpu.memref_slice %arg3[%mul3A_2] : memref<131072xi32, #tpu.memory_space<hbm>> -> memref<4096xi32, #tpu.memory_space<hbm>>
      %dma_start3A_33 = tpu.memref_slice %arg3[%mul3A_2] : memref<131072xi32, #tpu.memory_space<hbm>> -> memref<4096xi32, #tpu.memory_space<hbm>>
      tpu.enqueue_dma source(%dma_start3A_33 : memref<4096xi32, #tpu.memory_space<hbm>>) target(%arg5 : memref<4096xi32, #tpu.memory_space<vmem>>) target_semaphore(%run_scoped3A : memref<!tpu.dma_semaphore, #tpu.memory_space<semaphore_mem>>)
      %dma_wait3A_34 = tpu.memref_slice %arg3[%mul3A_2] : memref<131072xi32, #tpu.memory_space<hbm>> -> memref<4096xi32, #tpu.memory_space<hbm>>
      %dma_wait3A_35 = tpu.memref_slice %arg3[%mul3A_2] : memref<131072xi32, #tpu.memory_space<hbm>> -> memref<4096xi32, #tpu.memory_space<hbm>>
      tpu.wait_dma2 semaphore(%run_scoped3A : memref<!tpu.dma_semaphore, #tpu.memory_space<semaphore_mem>>) src(%dma_wait3A_35 : memref<4096xi32, #tpu.memory_space<hbm>>) dst(%arg5 : memref<4096xi32, #tpu.memory_space<vmem>>)
      tpu.yield
    }) : () -> ()
    %dma_start3A = arith.constant 0 : i32
    %dma_start3A_3 = tpu.memref_slice %arg5[%dma_start3A] : memref<4096xi32, #tpu.memory_space<vmem>> -> memref<128xi32, #tpu.memory_space<vmem>>
    %dma_start3A_4 = arith.constant 0 : i32
    %dma_start3A_5 = arith.constant 0 : i32
    %dma_start3A_6 = tpu.memref_slice %arg2[%dma_start3A_4, %dma_start3A_5] : memref<8192x128xf32, #tpu.memory_space<hbm>> -> memref<8192x128xf32, #tpu.memory_space<hbm>>
    tpu.enqueue_indirect_dma source(%dma_start3A_6 : memref<8192x128xf32, #tpu.memory_space<hbm>>) target(%arg6 : memref<128x128xf32, #tpu.memory_space<vmem>>) offsets(%dma_start3A_3 : memref<128xi32, #tpu.memory_space<vmem>>) semaphore(%arg8 : memref<!tpu.dma_semaphore, #tpu.memory_space<semaphore_mem>>)
    %scan3A = arith.constant 0 : i32
    %scan3A_7 = arith.constant 0 : i32
    %scan3A_8 = arith.constant 15 : i32
    %scan3A_9 = arith.addi %scan3A_7, %scan3A_8 : i32
    %scan3A_10 = arith.constant 1 : i32
    scf.for %scan3A_32 = %scan3A_7 to %scan3A_9 step %scan3A_10  : i32 {
      %mul3A_33 = arith.constant 2 : i32
      %mul3A_34 = arith.muli %mul3A_33, %scan3A_32 : i32
      %mul3A_35 = arith.constant 128 : i32
      %mul3A_36 = arith.muli %mul3A_34, %mul3A_35 : i32
      %add3A_37 = arith.constant 128 : i32
      %add3A_38 = arith.addi %mul3A_36, %add3A_37 : i32
      %dma_start3A_39 = tpu.memref_slice %arg5[%add3A_38] : memref<4096xi32, #tpu.memory_space<vmem>> -> memref<128xi32, #tpu.memory_space<vmem>>
      %dma_start3A_40 = arith.constant 0 : i32
      %dma_start3A_41 = arith.constant 0 : i32
      %dma_start3A_42 = tpu.memref_slice %arg2[%dma_start3A_40, %dma_start3A_41] : memref<8192x128xf32, #tpu.memory_space<hbm>> -> memref<8192x128xf32, #tpu.memory_space<hbm>>
      tpu.enqueue_indirect_dma source(%dma_start3A_42 : memref<8192x128xf32, #tpu.memory_space<hbm>>) target(%arg7 : memref<128x128xf32, #tpu.memory_space<vmem>>) offsets(%dma_start3A_39 : memref<128xi32, #tpu.memory_space<vmem>>) semaphore(%arg9 : memref<!tpu.dma_semaphore, #tpu.memory_space<semaphore_mem>>)
      %dma_wait3A_43 = arith.constant 0 : i32
      %dma_wait3A_44 = arith.constant 0 : i32
      %dma_wait3A_45 = tpu.memref_slice %arg2[%dma_wait3A_43, %dma_wait3A_44] : memref<8192x128xf32, #tpu.memory_space<hbm>> -> memref<128x128xf32, #tpu.memory_space<hbm>>
      %dma_wait3A_46 = arith.constant 0 : i32
      %dma_wait3A_47 = arith.constant 0 : i32
      %dma_wait3A_48 = tpu.memref_slice %arg2[%dma_wait3A_46, %dma_wait3A_47] : memref<8192x128xf32, #tpu.memory_space<hbm>> -> memref<128x128xf32, #tpu.memory_space<hbm>>
      tpu.wait_dma2 semaphore(%arg8 : memref<!tpu.dma_semaphore, #tpu.memory_space<semaphore_mem>>) src(%dma_wait3A_48 : memref<128x128xf32, #tpu.memory_space<hbm>>) dst(%arg6 : memref<128x128xf32, #tpu.memory_space<vmem>>)
      %add3A_49 = arith.addi %mul3A_2, %mul3A_36 : i32
      "tpu.region"() ({
        %run_scoped3A = tpu.sem_alloc : memref<!tpu.dma_semaphore, #tpu.memory_space<semaphore_mem>>
        %dma_start3A_65 = arith.constant 0 : i32
        %dma_start3A_66 = tpu.memref_slice %arg4[%add3A_49, %dma_start3A_65] : memref<131072x128xf32, #tpu.memory_space<hbm>> -> memref<128x128xf32, #tpu.memory_space<hbm>>
        %dma_start3A_67 = arith.constant 0 : i32
        %dma_start3A_68 = tpu.memref_slice %arg4[%add3A_49, %dma_start3A_67] : memref<131072x128xf32, #tpu.memory_space<hbm>> -> memref<128x128xf32, #tpu.memory_space<hbm>>
        tpu.enqueue_dma source(%arg6 : memref<128x128xf32, #tpu.memory_space<vmem>>) target(%dma_start3A_68 : memref<128x128xf32, #tpu.memory_space<hbm>>) target_semaphore(%run_scoped3A : memref<!tpu.dma_semaphore, #tpu.memory_space<semaphore_mem>>)
        %dma_wait3A_69 = arith.constant 0 : i32
        %dma_wait3A_70 = tpu.memref_slice %arg4[%add3A_49, %dma_wait3A_69] : memref<131072x128xf32, #tpu.memory_space<hbm>> -> memref<128x128xf32, #tpu.memory_space<hbm>>
        %dma_wait3A_71 = arith.constant 0 : i32
        %dma_wait3A_72 = tpu.memref_slice %arg4[%add3A_49, %dma_wait3A_71] : memref<131072x128xf32, #tpu.memory_space<hbm>> -> memref<128x128xf32, #tpu.memory_space<hbm>>
        tpu.wait_dma2 semaphore(%run_scoped3A : memref<!tpu.dma_semaphore, #tpu.memory_space<semaphore_mem>>) src(%arg6 : memref<128x128xf32, #tpu.memory_space<vmem>>) dst(%dma_wait3A_72 : memref<128x128xf32, #tpu.memory_space<hbm>>)
        tpu.yield
      }) : () -> ()
      %add3A_50 = arith.constant 256 : i32
      %add3A_51 = arith.addi %mul3A_36, %add3A_50 : i32
      %dma_start3A_52 = tpu.memref_slice %arg5[%add3A_51] : memref<4096xi32, #tpu.memory_space<vmem>> -> memref<128xi32, #tpu.memory_space<vmem>>
      %dma_start3A_53 = arith.constant 0 : i32
      %dma_start3A_54 = arith.constant 0 : i32
      %dma_start3A_55 = tpu.memref_slice %arg2[%dma_start3A_53, %dma_start3A_54] : memref<8192x128xf32, #tpu.memory_space<hbm>> -> memref<8192x128xf32, #tpu.memory_space<hbm>>
      tpu.enqueue_indirect_dma source(%dma_start3A_55 : memref<8192x128xf32, #tpu.memory_space<hbm>>) target(%arg6 : memref<128x128xf32, #tpu.memory_space<vmem>>) offsets(%dma_start3A_52 : memref<128xi32, #tpu.memory_space<vmem>>) semaphore(%arg8 : memref<!tpu.dma_semaphore, #tpu.memory_space<semaphore_mem>>)
      %dma_wait3A_56 = arith.constant 0 : i32
      %dma_wait3A_57 = arith.constant 0 : i32
      %dma_wait3A_58 = tpu.memref_slice %arg2[%dma_wait3A_56, %dma_wait3A_57] : memref<8192x128xf32, #tpu.memory_space<hbm>> -> memref<128x128xf32, #tpu.memory_space<hbm>>
      %dma_wait3A_59 = arith.constant 0 : i32
      %dma_wait3A_60 = arith.constant 0 : i32
      %dma_wait3A_61 = tpu.memref_slice %arg2[%dma_wait3A_59, %dma_wait3A_60] : memref<8192x128xf32, #tpu.memory_space<hbm>> -> memref<128x128xf32, #tpu.memory_space<hbm>>
      tpu.wait_dma2 semaphore(%arg9 : memref<!tpu.dma_semaphore, #tpu.memory_space<semaphore_mem>>) src(%dma_wait3A_61 : memref<128x128xf32, #tpu.memory_space<hbm>>) dst(%arg7 : memref<128x128xf32, #tpu.memory_space<vmem>>)
      %add3A_62 = arith.constant 128 : i32
      %add3A_63 = arith.addi %mul3A_36, %add3A_62 : i32
      %add3A_64 = arith.addi %mul3A_2, %add3A_63 : i32
      "tpu.region"() ({
        %run_scoped3A = tpu.sem_alloc : memref<!tpu.dma_semaphore, #tpu.memory_space<semaphore_mem>>
        %dma_start3A_65 = arith.constant 0 : i32
        %dma_start3A_66 = tpu.memref_slice %arg4[%add3A_64, %dma_start3A_65] : memref<131072x128xf32, #tpu.memory_space<hbm>> -> memref<128x128xf32, #tpu.memory_space<hbm>>
        %dma_start3A_67 = arith.constant 0 : i32
        %dma_start3A_68 = tpu.memref_slice %arg4[%add3A_64, %dma_start3A_67] : memref<131072x128xf32, #tpu.memory_space<hbm>> -> memref<128x128xf32, #tpu.memory_space<hbm>>
        tpu.enqueue_dma source(%arg7 : memref<128x128xf32, #tpu.memory_space<vmem>>) target(%dma_start3A_68 : memref<128x128xf32, #tpu.memory_space<hbm>>) target_semaphore(%run_scoped3A : memref<!tpu.dma_semaphore, #tpu.memory_space<semaphore_mem>>)
        %dma_wait3A_69 = arith.constant 0 : i32
        %dma_wait3A_70 = tpu.memref_slice %arg4[%add3A_64, %dma_wait3A_69] : memref<131072x128xf32, #tpu.memory_space<hbm>> -> memref<128x128xf32, #tpu.memory_space<hbm>>
        %dma_wait3A_71 = arith.constant 0 : i32
        %dma_wait3A_72 = tpu.memref_slice %arg4[%add3A_64, %dma_wait3A_71] : memref<131072x128xf32, #tpu.memory_space<hbm>> -> memref<128x128xf32, #tpu.memory_space<hbm>>
        tpu.wait_dma2 semaphore(%run_scoped3A : memref<!tpu.dma_semaphore, #tpu.memory_space<semaphore_mem>>) src(%arg7 : memref<128x128xf32, #tpu.memory_space<vmem>>) dst(%dma_wait3A_72 : memref<128x128xf32, #tpu.memory_space<hbm>>)
        tpu.yield
      }) : () -> ()
    }
    %scan3A_11 = arith.constant 15 : i32
    %dma_start3A_12 = arith.constant 3968 : i32
    %dma_start3A_13 = tpu.memref_slice %arg5[%dma_start3A_12] : memref<4096xi32, #tpu.memory_space<vmem>> -> memref<128xi32, #tpu.memory_space<vmem>>
    %dma_start3A_14 = arith.constant 0 : i32
    %dma_start3A_15 = arith.constant 0 : i32
    %dma_start3A_16 = tpu.memref_slice %arg2[%dma_start3A_14, %dma_start3A_15] : memref<8192x128xf32, #tpu.memory_space<hbm>> -> memref<8192x128xf32, #tpu.memory_space<hbm>>
    tpu.enqueue_indirect_dma source(%dma_start3A_16 : memref<8192x128xf32, #tpu.memory_space<hbm>>) target(%arg7 : memref<128x128xf32, #tpu.memory_space<vmem>>) offsets(%dma_start3A_13 : memref<128xi32, #tpu.memory_space<vmem>>) semaphore(%arg9 : memref<!tpu.dma_semaphore, #tpu.memory_space<semaphore_mem>>)
    %dma_wait3A = arith.constant 0 : i32
    %dma_wait3A_17 = arith.constant 0 : i32
    %dma_wait3A_18 = tpu.memref_slice %arg2[%dma_wait3A, %dma_wait3A_17] : memref<8192x128xf32, #tpu.memory_space<hbm>> -> memref<128x128xf32, #tpu.memory_space<hbm>>
    %dma_wait3A_19 = arith.constant 0 : i32
    %dma_wait3A_20 = arith.constant 0 : i32
    %dma_wait3A_21 = tpu.memref_slice %arg2[%dma_wait3A_19, %dma_wait3A_20] : memref<8192x128xf32, #tpu.memory_space<hbm>> -> memref<128x128xf32, #tpu.memory_space<hbm>>
    tpu.wait_dma2 semaphore(%arg8 : memref<!tpu.dma_semaphore, #tpu.memory_space<semaphore_mem>>) src(%dma_wait3A_21 : memref<128x128xf32, #tpu.memory_space<hbm>>) dst(%arg6 : memref<128x128xf32, #tpu.memory_space<vmem>>)
    %add3A_22 = arith.constant 3840 : i32
    %add3A_23 = arith.addi %mul3A_2, %add3A_22 : i32
    "tpu.region"() ({
      %run_scoped3A = tpu.sem_alloc : memref<!tpu.dma_semaphore, #tpu.memory_space<semaphore_mem>>
      %dma_start3A_32 = arith.constant 0 : i32
      %dma_start3A_33 = tpu.memref_slice %arg4[%add3A_23, %dma_start3A_32] : memref<131072x128xf32, #tpu.memory_space<hbm>> -> memref<128x128xf32, #tpu.memory_space<hbm>>
      %dma_start3A_34 = arith.constant 0 : i32
      %dma_start3A_35 = tpu.memref_slice %arg4[%add3A_23, %dma_start3A_34] : memref<131072x128xf32, #tpu.memory_space<hbm>> -> memref<128x128xf32, #tpu.memory_space<hbm>>
      tpu.enqueue_dma source(%arg6 : memref<128x128xf32, #tpu.memory_space<vmem>>) target(%dma_start3A_35 : memref<128x128xf32, #tpu.memory_space<hbm>>) target_semaphore(%run_scoped3A : memref<!tpu.dma_semaphore, #tpu.memory_space<semaphore_mem>>)
      %dma_wait3A_36 = arith.constant 0 : i32
      %dma_wait3A_37 = tpu.memref_slice %arg4[%add3A_23, %dma_wait3A_36] : memref<131072x128xf32, #tpu.memory_space<hbm>> -> memref<128x128xf32, #tpu.memory_space<hbm>>
      %dma_wait3A_38 = arith.constant 0 : i32
      %dma_wait3A_39 = tpu.memref_slice %arg4[%add3A_23, %dma_wait3A_38] : memref<131072x128xf32, #tpu.memory_space<hbm>> -> memref<128x128xf32, #tpu.memory_space<hbm>>
      tpu.wait_dma2 semaphore(%run_scoped3A : memref<!tpu.dma_semaphore, #tpu.memory_space<semaphore_mem>>) src(%arg6 : memref<128x128xf32, #tpu.memory_space<vmem>>) dst(%dma_wait3A_39 : memref<128x128xf32, #tpu.memory_space<hbm>>)
      tpu.yield
    }) : () -> ()
    %dma_wait3A_24 = arith.constant 0 : i32
    %dma_wait3A_25 = arith.constant 0 : i32
    %dma_wait3A_26 = tpu.memref_slice %arg2[%dma_wait3A_24, %dma_wait3A_25] : memref<8192x128xf32, #tpu.memory_space<hbm>> -> memref<128x128xf32, #tpu.memory_space<hbm>>
    %dma_wait3A_27 = arith.constant 0 : i32
    %dma_wait3A_28 = arith.constant 0 : i32
    %dma_wait3A_29 = tpu.memref_slice %arg2[%dma_wait3A_27, %dma_wait3A_28] : memref<8192x128xf32, #tpu.memory_space<hbm>> -> memref<128x128xf32, #tpu.memory_space<hbm>>
    tpu.wait_dma2 semaphore(%arg9 : memref<!tpu.dma_semaphore, #tpu.memory_space<semaphore_mem>>) src(%dma_wait3A_29 : memref<128x128xf32, #tpu.memory_space<hbm>>) dst(%arg7 : memref<128x128xf32, #tpu.memory_space<vmem>>)
    %add3A_30 = arith.constant 3968 : i32
    %add3A_31 = arith.addi %mul3A_2, %add3A_30 : i32
    "tpu.region"() ({
      %run_scoped3A = tpu.sem_alloc : memref<!tpu.dma_semaphore, #tpu.memory_space<semaphore_mem>>
      %dma_start3A_32 = arith.constant 0 : i32
      %dma_start3A_33 = tpu.memref_slice %arg4[%add3A_31, %dma_start3A_32] : memref<131072x128xf32, #tpu.memory_space<hbm>> -> memref<128x128xf32, #tpu.memory_space<hbm>>
      %dma_start3A_34 = arith.constant 0 : i32
      %dma_start3A_35 = tpu.memref_slice %arg4[%add3A_31, %dma_start3A_34] : memref<131072x128xf32, #tpu.memory_space<hbm>> -> memref<128x128xf32, #tpu.memory_space<hbm>>
      tpu.enqueue_dma source(%arg7 : memref<128x128xf32, #tpu.memory_space<vmem>>) target(%dma_start3A_35 : memref<128x128xf32, #tpu.memory_space<hbm>>) target_semaphore(%run_scoped3A : memref<!tpu.dma_semaphore, #tpu.memory_space<semaphore_mem>>)
      %dma_wait3A_36 = arith.constant 0 : i32
      %dma_wait3A_37 = tpu.memref_slice %arg4[%add3A_31, %dma_wait3A_36] : memref<131072x128xf32, #tpu.memory_space<hbm>> -> memref<128x128xf32, #tpu.memory_space<hbm>>
      %dma_wait3A_38 = arith.constant 0 : i32
      %dma_wait3A_39 = tpu.memref_slice %arg4[%add3A_31, %dma_wait3A_38] : memref<131072x128xf32, #tpu.memory_space<hbm>> -> memref<128x128xf32, #tpu.memory_space<hbm>>
      tpu.wait_dma2 semaphore(%run_scoped3A : memref<!tpu.dma_semaphore, #tpu.memory_space<semaphore_mem>>) src(%arg7 : memref<128x128xf32, #tpu.memory_space<vmem>>) dst(%dma_wait3A_39 : memref<128x128xf32, #tpu.memory_space<hbm>>)
      tpu.yield
    }) : () -> ()
    return
  }
}

#map = affine_map<(d0, d1) -> (0, 0)>
#map1 = affine_map<(d0, d1) -> (0)>
module attributes {stable_mosaic.version = 14 : i64} {
  func.func @_sc_gather(%arg0: i32, %arg1: i32, %arg2: memref<8192x128xf32, #tpu.memory_space<hbm>>, %arg3: memref<131072xi32, #tpu.memory_space<hbm>>, %arg4: memref<131072x128xf32, #tpu.memory_space<hbm>>, %arg5: memref<4096xi32, #tpu.memory_space<vmem>>, %arg6: memref<128x128xf32, #tpu.memory_space<vmem>>, %arg7: memref<128x128xf32, #tpu.memory_space<vmem>>, %arg8: memref<!tpu.dma_semaphore, #tpu.memory_space<semaphore_mem>>, %arg9: memref<!tpu.dma_semaphore, #tpu.memory_space<semaphore_mem>>) attributes {dimension_semantics = [#tpu.dimension_semantics<core_parallel>, #tpu.dimension_semantics<subcore_parallel>], iteration_bounds = array<i64: 2, 16>, scalar_prefetch = 0 : i64, scratch_operands = 5 : i64, tpu.core_type = #tpu.core_type<sc_vector_subcore>, window_params = [{transform_indices = #map}, {transform_indices = #map1}, {transform_indices = #map}]} {
    %mul3A = arith.constant 2 : i32
    %mul3A_0 = arith.muli %arg1, %mul3A : i32
    %add3A = arith.addi %mul3A_0, %arg0 : i32
    %mul3A_1 = arith.constant 4096 : i32
    %mul3A_2 = arith.muli %add3A, %mul3A_1 : i32
    "tpu.region"() ({
      %run_scoped3A = tpu.sem_alloc : memref<!tpu.dma_semaphore, #tpu.memory_space<semaphore_mem>>
      %dma_start3A_32 = tpu.memref_slice %arg3[%mul3A_2] : memref<131072xi32, #tpu.memory_space<hbm>> -> memref<4096xi32, #tpu.memory_space<hbm>>
      %dma_start3A_33 = tpu.memref_slice %arg3[%mul3A_2] : memref<131072xi32, #tpu.memory_space<hbm>> -> memref<4096xi32, #tpu.memory_space<hbm>>
      tpu.enqueue_dma source(%dma_start3A_33 : memref<4096xi32, #tpu.memory_space<hbm>>) target(%arg5 : memref<4096xi32, #tpu.memory_space<vmem>>) target_semaphore(%run_scoped3A : memref<!tpu.dma_semaphore, #tpu.memory_space<semaphore_mem>>)
      %dma_wait3A_34 = tpu.memref_slice %arg3[%mul3A_2] : memref<131072xi32, #tpu.memory_space<hbm>> -> memref<4096xi32, #tpu.memory_space<hbm>>
      %dma_wait3A_35 = tpu.memref_slice %arg3[%mul3A_2] : memref<131072xi32, #tpu.memory_space<hbm>> -> memref<4096xi32, #tpu.memory_space<hbm>>
      tpu.wait_dma2 semaphore(%run_scoped3A : memref<!tpu.dma_semaphore, #tpu.memory_space<semaphore_mem>>) src(%dma_wait3A_35 : memref<4096xi32, #tpu.memory_space<hbm>>) dst(%arg5 : memref<4096xi32, #tpu.memory_space<vmem>>)
      tpu.yield
    }) : () -> ()
    %dma_start3A = arith.constant 0 : i32
    %dma_start3A_3 = tpu.memref_slice %arg5[%dma_start3A] : memref<4096xi32, #tpu.memory_space<vmem>> -> memref<128xi32, #tpu.memory_space<vmem>>
    %dma_start3A_4 = arith.constant 0 : i32
    %dma_start3A_5 = arith.constant 0 : i32
    %dma_start3A_6 = tpu.memref_slice %arg2[%dma_start3A_4, %dma_start3A_5] : memref<8192x128xf32, #tpu.memory_space<hbm>> -> memref<8192x128xf32, #tpu.memory_space<hbm>>
    tpu.enqueue_indirect_dma source(%dma_start3A_6 : memref<8192x128xf32, #tpu.memory_space<hbm>>) target(%arg6 : memref<128x128xf32, #tpu.memory_space<vmem>>) offsets(%dma_start3A_3 : memref<128xi32, #tpu.memory_space<vmem>>) semaphore(%arg8 : memref<!tpu.dma_semaphore, #tpu.memory_space<semaphore_mem>>)
    %scan3A = arith.constant 0 : i32
    %scan3A_7 = arith.constant 0 : i32
    %scan3A_8 = arith.constant 15 : i32
    %scan3A_9 = arith.addi %scan3A_7, %scan3A_8 : i32
    %scan3A_10 = arith.constant 1 : i32
    scf.for %scan3A_32 = %scan3A_7 to %scan3A_9 step %scan3A_10  : i32 {
      %mul3A_33 = arith.constant 2 : i32
      %mul3A_34 = arith.muli %mul3A_33, %scan3A_32 : i32
      %mul3A_35 = arith.constant 128 : i32
      %mul3A_36 = arith.muli %mul3A_34, %mul3A_35 : i32
      %add3A_37 = arith.constant 128 : i32
      %add3A_38 = arith.addi %mul3A_36, %add3A_37 : i32
      %dma_start3A_39 = tpu.memref_slice %arg5[%add3A_38] : memref<4096xi32, #tpu.memory_space<vmem>> -> memref<128xi32, #tpu.memory_space<vmem>>
      %dma_start3A_40 = arith.constant 0 : i32
      %dma_start3A_41 = arith.constant 0 : i32
      %dma_start3A_42 = tpu.memref_slice %arg2[%dma_start3A_40, %dma_start3A_41] : memref<8192x128xf32, #tpu.memory_space<hbm>> -> memref<8192x128xf32, #tpu.memory_space<hbm>>
      tpu.enqueue_indirect_dma source(%dma_start3A_42 : memref<8192x128xf32, #tpu.memory_space<hbm>>) target(%arg7 : memref<128x128xf32, #tpu.memory_space<vmem>>) offsets(%dma_start3A_39 : memref<128xi32, #tpu.memory_space<vmem>>) semaphore(%arg9 : memref<!tpu.dma_semaphore, #tpu.memory_space<semaphore_mem>>)
      %dma_wait3A_43 = arith.constant 0 : i32
      %dma_wait3A_44 = arith.constant 0 : i32
      %dma_wait3A_45 = tpu.memref_slice %arg2[%dma_wait3A_43, %dma_wait3A_44] : memref<8192x128xf32, #tpu.memory_space<hbm>> -> memref<128x128xf32, #tpu.memory_space<hbm>>
      %dma_wait3A_46 = arith.constant 0 : i32
      %dma_wait3A_47 = arith.constant 0 : i32
      %dma_wait3A_48 = tpu.memref_slice %arg2[%dma_wait3A_46, %dma_wait3A_47] : memref<8192x128xf32, #tpu.memory_space<hbm>> -> memref<128x128xf32, #tpu.memory_space<hbm>>
      tpu.wait_dma2 semaphore(%arg8 : memref<!tpu.dma_semaphore, #tpu.memory_space<semaphore_mem>>) src(%dma_wait3A_48 : memref<128x128xf32, #tpu.memory_space<hbm>>) dst(%arg6 : memref<128x128xf32, #tpu.memory_space<vmem>>)
      %add3A_49 = arith.addi %mul3A_2, %mul3A_36 : i32
      "tpu.region"() ({
        %run_scoped3A = tpu.sem_alloc : memref<!tpu.dma_semaphore, #tpu.memory_space<semaphore_mem>>
        %dma_start3A_65 = arith.constant 0 : i32
        %dma_start3A_66 = tpu.memref_slice %arg4[%add3A_49, %dma_start3A_65] : memref<131072x128xf32, #tpu.memory_space<hbm>> -> memref<128x128xf32, #tpu.memory_space<hbm>>
        %dma_start3A_67 = arith.constant 0 : i32
        %dma_start3A_68 = tpu.memref_slice %arg4[%add3A_49, %dma_start3A_67] : memref<131072x128xf32, #tpu.memory_space<hbm>> -> memref<128x128xf32, #tpu.memory_space<hbm>>
        tpu.enqueue_dma source(%arg6 : memref<128x128xf32, #tpu.memory_space<vmem>>) target(%dma_start3A_68 : memref<128x128xf32, #tpu.memory_space<hbm>>) target_semaphore(%run_scoped3A : memref<!tpu.dma_semaphore, #tpu.memory_space<semaphore_mem>>)
        %dma_wait3A_69 = arith.constant 0 : i32
        %dma_wait3A_70 = tpu.memref_slice %arg4[%add3A_49, %dma_wait3A_69] : memref<131072x128xf32, #tpu.memory_space<hbm>> -> memref<128x128xf32, #tpu.memory_space<hbm>>
        %dma_wait3A_71 = arith.constant 0 : i32
        %dma_wait3A_72 = tpu.memref_slice %arg4[%add3A_49, %dma_wait3A_71] : memref<131072x128xf32, #tpu.memory_space<hbm>> -> memref<128x128xf32, #tpu.memory_space<hbm>>
        tpu.wait_dma2 semaphore(%run_scoped3A : memref<!tpu.dma_semaphore, #tpu.memory_space<semaphore_mem>>) src(%arg6 : memref<128x128xf32, #tpu.memory_space<vmem>>) dst(%dma_wait3A_72 : memref<128x128xf32, #tpu.memory_space<hbm>>)
        tpu.yield
      }) : () -> ()
      %add3A_50 = arith.constant 256 : i32
      %add3A_51 = arith.addi %mul3A_36, %add3A_50 : i32
      %dma_start3A_52 = tpu.memref_slice %arg5[%add3A_51] : memref<4096xi32, #tpu.memory_space<vmem>> -> memref<128xi32, #tpu.memory_space<vmem>>
      %dma_start3A_53 = arith.constant 0 : i32
      %dma_start3A_54 = arith.constant 0 : i32
      %dma_start3A_55 = tpu.memref_slice %arg2[%dma_start3A_53, %dma_start3A_54] : memref<8192x128xf32, #tpu.memory_space<hbm>> -> memref<8192x128xf32, #tpu.memory_space<hbm>>
      tpu.enqueue_indirect_dma source(%dma_start3A_55 : memref<8192x128xf32, #tpu.memory_space<hbm>>) target(%arg6 : memref<128x128xf32, #tpu.memory_space<vmem>>) offsets(%dma_start3A_52 : memref<128xi32, #tpu.memory_space<vmem>>) semaphore(%arg8 : memref<!tpu.dma_semaphore, #tpu.memory_space<semaphore_mem>>)
      %dma_wait3A_56 = arith.constant 0 : i32
      %dma_wait3A_57 = arith.constant 0 : i32
      %dma_wait3A_58 = tpu.memref_slice %arg2[%dma_wait3A_56, %dma_wait3A_57] : memref<8192x128xf32, #tpu.memory_space<hbm>> -> memref<128x128xf32, #tpu.memory_space<hbm>>
      %dma_wait3A_59 = arith.constant 0 : i32
      %dma_wait3A_60 = arith.constant 0 : i32
      %dma_wait3A_61 = tpu.memref_slice %arg2[%dma_wait3A_59, %dma_wait3A_60] : memref<8192x128xf32, #tpu.memory_space<hbm>> -> memref<128x128xf32, #tpu.memory_space<hbm>>
      tpu.wait_dma2 semaphore(%arg9 : memref<!tpu.dma_semaphore, #tpu.memory_space<semaphore_mem>>) src(%dma_wait3A_61 : memref<128x128xf32, #tpu.memory_space<hbm>>) dst(%arg7 : memref<128x128xf32, #tpu.memory_space<vmem>>)
      %add3A_62 = arith.constant 128 : i32
      %add3A_63 = arith.addi %mul3A_36, %add3A_62 : i32
      %add3A_64 = arith.addi %mul3A_2, %add3A_63 : i32
      "tpu.region"() ({
        %run_scoped3A = tpu.sem_alloc : memref<!tpu.dma_semaphore, #tpu.memory_space<semaphore_mem>>
        %dma_start3A_65 = arith.constant 0 : i32
        %dma_start3A_66 = tpu.memref_slice %arg4[%add3A_64, %dma_start3A_65] : memref<131072x128xf32, #tpu.memory_space<hbm>> -> memref<128x128xf32, #tpu.memory_space<hbm>>
        %dma_start3A_67 = arith.constant 0 : i32
        %dma_start3A_68 = tpu.memref_slice %arg4[%add3A_64, %dma_start3A_67] : memref<131072x128xf32, #tpu.memory_space<hbm>> -> memref<128x128xf32, #tpu.memory_space<hbm>>
        tpu.enqueue_dma source(%arg7 : memref<128x128xf32, #tpu.memory_space<vmem>>) target(%dma_start3A_68 : memref<128x128xf32, #tpu.memory_space<hbm>>) target_semaphore(%run_scoped3A : memref<!tpu.dma_semaphore, #tpu.memory_space<semaphore_mem>>)
        %dma_wait3A_69 = arith.constant 0 : i32
        %dma_wait3A_70 = tpu.memref_slice %arg4[%add3A_64, %dma_wait3A_69] : memref<131072x128xf32, #tpu.memory_space<hbm>> -> memref<128x128xf32, #tpu.memory_space<hbm>>
        %dma_wait3A_71 = arith.constant 0 : i32
        %dma_wait3A_72 = tpu.memref_slice %arg4[%add3A_64, %dma_wait3A_71] : memref<131072x128xf32, #tpu.memory_space<hbm>> -> memref<128x128xf32, #tpu.memory_space<hbm>>
        tpu.wait_dma2 semaphore(%run_scoped3A : memref<!tpu.dma_semaphore, #tpu.memory_space<semaphore_mem>>) src(%arg7 : memref<128x128xf32, #tpu.memory_space<vmem>>) dst(%dma_wait3A_72 : memref<128x128xf32, #tpu.memory_space<hbm>>)
        tpu.yield
      }) : () -> ()
    }
    %scan3A_11 = arith.constant 15 : i32
    %dma_start3A_12 = arith.constant 3968 : i32
    %dma_start3A_13 = tpu.memref_slice %arg5[%dma_start3A_12] : memref<4096xi32, #tpu.memory_space<vmem>> -> memref<128xi32, #tpu.memory_space<vmem>>
    %dma_start3A_14 = arith.constant 0 : i32
    %dma_start3A_15 = arith.constant 0 : i32
    %dma_start3A_16 = tpu.memref_slice %arg2[%dma_start3A_14, %dma_start3A_15] : memref<8192x128xf32, #tpu.memory_space<hbm>> -> memref<8192x128xf32, #tpu.memory_space<hbm>>
    tpu.enqueue_indirect_dma source(%dma_start3A_16 : memref<8192x128xf32, #tpu.memory_space<hbm>>) target(%arg7 : memref<128x128xf32, #tpu.memory_space<vmem>>) offsets(%dma_start3A_13 : memref<128xi32, #tpu.memory_space<vmem>>) semaphore(%arg9 : memref<!tpu.dma_semaphore, #tpu.memory_space<semaphore_mem>>)
    %dma_wait3A = arith.constant 0 : i32
    %dma_wait3A_17 = arith.constant 0 : i32
    %dma_wait3A_18 = tpu.memref_slice %arg2[%dma_wait3A, %dma_wait3A_17] : memref<8192x128xf32, #tpu.memory_space<hbm>> -> memref<128x128xf32, #tpu.memory_space<hbm>>
    %dma_wait3A_19 = arith.constant 0 : i32
    %dma_wait3A_20 = arith.constant 0 : i32
    %dma_wait3A_21 = tpu.memref_slice %arg2[%dma_wait3A_19, %dma_wait3A_20] : memref<8192x128xf32, #tpu.memory_space<hbm>> -> memref<128x128xf32, #tpu.memory_space<hbm>>
    tpu.wait_dma2 semaphore(%arg8 : memref<!tpu.dma_semaphore, #tpu.memory_space<semaphore_mem>>) src(%dma_wait3A_21 : memref<128x128xf32, #tpu.memory_space<hbm>>) dst(%arg6 : memref<128x128xf32, #tpu.memory_space<vmem>>)
    %add3A_22 = arith.constant 3840 : i32
    %add3A_23 = arith.addi %mul3A_2, %add3A_22 : i32
    "tpu.region"() ({
      %run_scoped3A = tpu.sem_alloc : memref<!tpu.dma_semaphore, #tpu.memory_space<semaphore_mem>>
      %dma_start3A_32 = arith.constant 0 : i32
      %dma_start3A_33 = tpu.memref_slice %arg4[%add3A_23, %dma_start3A_32] : memref<131072x128xf32, #tpu.memory_space<hbm>> -> memref<128x128xf32, #tpu.memory_space<hbm>>
      %dma_start3A_34 = arith.constant 0 : i32
      %dma_start3A_35 = tpu.memref_slice %arg4[%add3A_23, %dma_start3A_34] : memref<131072x128xf32, #tpu.memory_space<hbm>> -> memref<128x128xf32, #tpu.memory_space<hbm>>
      tpu.enqueue_dma source(%arg6 : memref<128x128xf32, #tpu.memory_space<vmem>>) target(%dma_start3A_35 : memref<128x128xf32, #tpu.memory_space<hbm>>) target_semaphore(%run_scoped3A : memref<!tpu.dma_semaphore, #tpu.memory_space<semaphore_mem>>)
      %dma_wait3A_36 = arith.constant 0 : i32
      %dma_wait3A_37 = tpu.memref_slice %arg4[%add3A_23, %dma_wait3A_36] : memref<131072x128xf32, #tpu.memory_space<hbm>> -> memref<128x128xf32, #tpu.memory_space<hbm>>
      %dma_wait3A_38 = arith.constant 0 : i32
      %dma_wait3A_39 = tpu.memref_slice %arg4[%add3A_23, %dma_wait3A_38] : memref<131072x128xf32, #tpu.memory_space<hbm>> -> memref<128x128xf32, #tpu.memory_space<hbm>>
      tpu.wait_dma2 semaphore(%run_scoped3A : memref<!tpu.dma_semaphore, #tpu.memory_space<semaphore_mem>>) src(%arg6 : memref<128x128xf32, #tpu.memory_space<vmem>>) dst(%dma_wait3A_39 : memref<128x128xf32, #tpu.memory_space<hbm>>)
      tpu.yield
    }) : () -> ()
    %dma_wait3A_24 = arith.constant 0 : i32
    %dma_wait3A_25 = arith.constant 0 : i32
    %dma_wait3A_26 = tpu.memref_slice %arg2[%dma_wait3A_24, %dma_wait3A_25] : memref<8192x128xf32, #tpu.memory_space<hbm>> -> memref<128x128xf32, #tpu.memory_space<hbm>>
    %dma_wait3A_27 = arith.constant 0 : i32
    %dma_wait3A_28 = arith.constant 0 : i32
    %dma_wait3A_29 = tpu.memref_slice %arg2[%dma_wait3A_27, %dma_wait3A_28] : memref<8192x128xf32, #tpu.memory_space<hbm>> -> memref<128x128xf32, #tpu.memory_space<hbm>>
    tpu.wait_dma2 semaphore(%arg9 : memref<!tpu.dma_semaphore, #tpu.memory_space<semaphore_mem>>) src(%dma_wait3A_29 : memref<128x128xf32, #tpu.memory_space<hbm>>) dst(%arg7 : memref<128x128xf32, #tpu.memory_space<vmem>>)
    %add3A_30 = arith.constant 3968 : i32
    %add3A_31 = arith.addi %mul3A_2, %add3A_30 : i32
    "tpu.region"() ({
      %run_scoped3A = tpu.sem_alloc : memref<!tpu.dma_semaphore, #tpu.memory_space<semaphore_mem>>
      %dma_start3A_32 = arith.constant 0 : i32
      %dma_start3A_33 = tpu.memref_slice %arg4[%add3A_31, %dma_start3A_32] : memref<131072x128xf32, #tpu.memory_space<hbm>> -> memref<128x128xf32, #tpu.memory_space<hbm>>
      %dma_start3A_34 = arith.constant 0 : i32
      %dma_start3A_35 = tpu.memref_slice %arg4[%add3A_31, %dma_start3A_34] : memref<131072x128xf32, #tpu.memory_space<hbm>> -> memref<128x128xf32, #tpu.memory_space<hbm>>
      tpu.enqueue_dma source(%arg7 : memref<128x128xf32, #tpu.memory_space<vmem>>) target(%dma_start3A_35 : memref<128x128xf32, #tpu.memory_space<hbm>>) target_semaphore(%run_scoped3A : memref<!tpu.dma_semaphore, #tpu.memory_space<semaphore_mem>>)
      %dma_wait3A_36 = arith.constant 0 : i32
      %dma_wait3A_37 = tpu.memref_slice %arg4[%add3A_31, %dma_wait3A_36] : memref<131072x128xf32, #tpu.memory_space<hbm>> -> memref<128x128xf32, #tpu.memory_space<hbm>>
      %dma_wait3A_38 = arith.constant 0 : i32
      %dma_wait3A_39 = tpu.memref_slice %arg4[%add3A_31, %dma_wait3A_38] : memref<131072x128xf32, #tpu.memory_space<hbm>> -> memref<128x128xf32, #tpu.memory_space<hbm>>
      tpu.wait_dma2 semaphore(%run_scoped3A : memref<!tpu.dma_semaphore, #tpu.memory_space<semaphore_mem>>) src(%arg7 : memref<128x128xf32, #tpu.memory_space<vmem>>) dst(%dma_wait3A_39 : memref<128x128xf32, #tpu.memory_space<hbm>>)
      tpu.yield
    }) : () -> ()
    return
  }
}

module attributes {stable_mosaic.version = 14 : i64} {
  func.func @_topk_cell(%arg0: i32, %arg1: i32, %arg2: memref<1x3x2048xf32, #tpu.memory_space<vmem>>, %arg3: memref<1x2048x3xf32, #tpu.memory_space<vmem>>, %arg4: memref<3x32xf32, #tpu.memory_space<vmem>>, %arg5: memref<1x32xf32, #tpu.memory_space<vmem>>, %arg6: memref<32x64xf32, #tpu.memory_space<vmem>>, %arg7: memref<1x64xf32, #tpu.memory_space<vmem>>, %arg8: memref<1x512x16xi32, #tpu.memory_space<vmem>>, %arg9: memref<1x512x128xf32, #tpu.memory_space<vmem>>, %arg10: memref<512x2048xf32, #tpu.memory_space<vmem>>) attributes {dimension_semantics = [#tpu.dimension_semantics<arbitrary>, #tpu.dimension_semantics<arbitrary>], iteration_bounds = array<i64: 4, 4>, scalar_prefetch = 0 : i64, scratch_operands = 1 : i64, tpu.core_type = #tpu.core_type<tc>, window_params = [{transform_indices = @transform_0, window_bounds = array<i64: 1, 3, 2048>}, {transform_indices = @transform_1, window_bounds = array<i64: 1, 2048, 3>}, {pipeline_mode = #tpu.pipeline_mode<synchronous>, transform_indices = @transform_2, window_bounds = array<i64: 3, 32>}, {pipeline_mode = #tpu.pipeline_mode<synchronous>, transform_indices = @transform_3, window_bounds = array<i64: 1, 32>}, {pipeline_mode = #tpu.pipeline_mode<synchronous>, transform_indices = @transform_4, window_bounds = array<i64: 32, 64>}, {pipeline_mode = #tpu.pipeline_mode<synchronous>, transform_indices = @transform_5, window_bounds = array<i64: 1, 64>}, {transform_indices = @transform_6, window_bounds = array<i64: 1, 512, 16>}, {transform_indices = @transform_7, window_bounds = array<i64: 1, 512, 128>}]} {
    %get3A = arith.constant 0 : index
    %get3A_0 = arith.constant 0 : index
    %get3A_1 = arith.constant 0 : index
    %get3A_2 = vector.load %arg2[%get3A, %get3A_0, %get3A_1] : memref<1x3x2048xf32, #tpu.memory_space<vmem>>, vector<1x3x2048xf32>
    %get3A_3 = vector.shape_cast %get3A_2 : vector<1x3x2048xf32> to vector<3x2048xf32>
    %mul3A = arith.constant 512 : i32
    %mul3A_4 = arith.muli %arg1, %mul3A : i32
    %get3A_5 = arith.constant 0 : index
    %get3A_6 = arith.index_cast %mul3A_4 : i32 to index
    %get3A_7 = arith.constant 0 : index
    %get3A_8 = vector.load %arg3[%get3A_5, %get3A_6, %get3A_7] : memref<1x2048x3xf32, #tpu.memory_space<vmem>>, vector<1x512x3xf32>
    %get3A_9 = vector.shape_cast %get3A_8 : vector<1x512x3xf32> to vector<512x3xf32>
    %get3A_10 = arith.constant 0 : index
    %get3A_11 = arith.constant 0 : index
    %get3A_12 = vector.load %arg4[%get3A_10, %get3A_11] : memref<3x32xf32, #tpu.memory_space<vmem>>, vector<3x32xf32>
    %dot_general3A = arith.constant dense<0.000000e+00> : vector<512x32xf32>
    %dot_general3A_13 = tpu.matmul %get3A_9, %get3A_12, %dot_general3A {dimension_numbers = #tpu.dot_dimension_numbers<[1], [0], [0], [1], [0, 0, 1, 1], [], []>, transpose_lhs_hint = false} : vector<512x3xf32>, vector<3x32xf32>, vector<512x32xf32> -> vector<512x32xf32>
    %get3A_14 = arith.constant 0 : index
    %get3A_15 = arith.constant 0 : index
    %get3A_16 = vector.load %arg5[%get3A_14, %get3A_15] : memref<1x32xf32, #tpu.memory_space<vmem>>, vector<1x32xf32>
    %add3A = vector.broadcast %get3A_16 : vector<1x32xf32> to vector<512x32xf32>
    %add3A_17 = arith.addf %dot_general3A_13, %add3A : vector<512x32xf32>
    %max3A = arith.constant 0.000000e+00 : f32
    %max3A_18 = vector.broadcast %max3A : f32 to vector<512x32xf32>
    %max3A_19 = arith.maximumf %add3A_17, %max3A_18 : vector<512x32xf32>
    %get3A_20 = arith.constant 0 : index
    %get3A_21 = arith.constant 0 : index
    %get3A_22 = vector.load %arg6[%get3A_20, %get3A_21] : memref<32x64xf32, #tpu.memory_space<vmem>>, vector<32x64xf32>
    %dot_general3A_23 = arith.constant dense<0.000000e+00> : vector<512x64xf32>
    %dot_general3A_24 = tpu.matmul %max3A_19, %get3A_22, %dot_general3A_23 {dimension_numbers = #tpu.dot_dimension_numbers<[1], [0], [0], [1], [0, 0, 1, 1], [], []>, transpose_lhs_hint = false} : vector<512x32xf32>, vector<32x64xf32>, vector<512x64xf32> -> vector<512x64xf32>
    %get3A_25 = arith.constant 0 : index
    %get3A_26 = arith.constant 0 : index
    %get3A_27 = vector.load %arg7[%get3A_25, %get3A_26] : memref<1x64xf32, #tpu.memory_space<vmem>>, vector<1x64xf32>
    %add3A_28 = vector.broadcast %get3A_27 : vector<1x64xf32> to vector<512x64xf32>
    %add3A_29 = arith.addf %dot_general3A_24, %add3A_28 : vector<512x64xf32>
    %max3A_30 = arith.constant 0.000000e+00 : f32
    %max3A_31 = vector.broadcast %max3A_30 : f32 to vector<512x64xf32>
    %max3A_32 = arith.maximumf %add3A_29, %max3A_31 : vector<512x64xf32>
    %broadcast_in_dim3A = arith.constant 0.000000e+00 : f32
    %broadcast_in_dim3A_33 = vector.broadcast %broadcast_in_dim3A : f32 to vector<512x61xf32>
    %concatenate3A = tpu.concatenate %max3A_32, %get3A_9, %broadcast_in_dim3A_33 in 1 : vector<512x64xf32>, vector<512x3xf32>, vector<512x61xf32> -> vector<512x128xf32>
    %swap3A = arith.constant 0 : index
    %swap3A_34 = arith.constant 0 : index
    %swap3A_35 = arith.constant 0 : index
    %swap3A_36 = vector.load %arg9[%swap3A, %swap3A_34, %swap3A_35] : memref<1x512x128xf32, #tpu.memory_space<vmem>>, vector<1x512x128xf32>
    %swap3A_37 = vector.shape_cast %swap3A_36 : vector<1x512x128xf32> to vector<512x128xf32>
    %swap3A_38 = vector.shape_cast %concatenate3A : vector<512x128xf32> to vector<1x512x128xf32>
    tpu.vector_store %arg9[%swap3A, %swap3A_34, %swap3A_35], %swap3A_38 {strides = array<i32>} : memref<1x512x128xf32, #tpu.memory_space<vmem>>, vector<1x512x128xf32>,
    %mul3A_39 = arith.mulf %get3A_3, %get3A_3 : vector<3x2048xf32>
    %reduce_sum3A = arith.constant dense<0.000000e+00> : vector<2048xf32>
    %reduce_sum3A_40 = vector.multi_reduction <add>, %mul3A_39, %reduce_sum3A [0] : vector<3x2048xf32> to vector<2048xf32>
    %broadcast_in_dim3A_41 = vector.shape_cast %reduce_sum3A_40 : vector<2048xf32> to vector<1x2048xf32>
    %mul3A_42 = arith.mulf %get3A_9, %get3A_9 : vector<512x3xf32>
    %reduce_sum3A_43 = arith.constant dense<0.000000e+00> : vector<512xf32>
    %reduce_sum3A_44 = vector.multi_reduction <add>, %mul3A_42, %reduce_sum3A_43 [1] : vector<512x3xf32> to vector<512xf32>
    %broadcast_in_dim3A_45 = vector.shape_cast %reduce_sum3A_44 : vector<512xf32> to vector<512x1xf32>
    %dot_general3A_46 = arith.constant dense<0.000000e+00> : vector<512x2048xf32>
    %dot_general3A_47 = tpu.matmul %get3A_9, %get3A_3, %dot_general3A_46 {dimension_numbers = #tpu.dot_dimension_numbers<[1], [0], [0], [1], [0, 0, 1, 1], [], []>, transpose_lhs_hint = false} : vector<512x3xf32>, vector<3x2048xf32>, vector<512x2048xf32> -> vector<512x2048xf32>
    %iota3A = tpu.iota {dimensions = array<i32: 1>} : vector<512x128xi32>
    %iota3A_48 = tpu.iota {dimensions = array<i32: 0>} : vector<512x1xi32>
    %mul3A_49 = arith.constant 512 : i32
    %mul3A_50 = arith.muli %arg1, %mul3A_49 : i32
    %add3A_51 = vector.broadcast %mul3A_50 : i32 to vector<512x1xi32>
    %add3A_52 = arith.addi %iota3A_48, %add3A_51 : vector<512x1xi32>
    %mul3A_53 = arith.constant 2048 : i32
    %mul3A_54 = arith.muli %arg0, %mul3A_53 : i32
    %add3A_55 = vector.broadcast %mul3A_54 : i32 to vector<512x1xi32>
    %add3A_56 = arith.addi %add3A_52, %add3A_55 : vector<512x1xi32>
    %slice3A = vector.extract_strided_slice %broadcast_in_dim3A_41 {offsets = [0, 0], sizes = [1, 128], strides = [1, 1]} : vector<1x2048xf32> to vector<1x128xf32>
    %add3A_57 = vector.broadcast %broadcast_in_dim3A_45 : vector<512x1xf32> to vector<512x128xf32>
    %add3A_58 = vector.broadcast %slice3A : vector<1x128xf32> to vector<512x128xf32>
    %add3A_59 = arith.addf %add3A_57, %add3A_58 : vector<512x128xf32>
    %slice3A_60 = vector.extract_strided_slice %dot_general3A_47 {offsets = [0, 0], sizes = [512, 128], strides = [1, 1]} : vector<512x2048xf32> to vector<512x128xf32>
    %mul3A_61 = arith.constant 2.000000e+00 : f32
    %mul3A_62 = vector.broadcast %mul3A_61 : f32 to vector<512x128xf32>
    %mul3A_63 = arith.mulf %mul3A_62, %slice3A_60 : vector<512x128xf32>
    %sub3A = arith.subf %add3A_59, %mul3A_63 : vector<512x128xf32>
    %max3A_64 = arith.constant 0.000000e+00 : f32
    %max3A_65 = vector.broadcast %max3A_64 : f32 to vector<512x128xf32>
    %max3A_66 = arith.maximumf %sub3A, %max3A_65 : vector<512x128xf32>
    %add3A_67 = arith.constant 1.000000e+00 : f32
    %add3A_68 = vector.broadcast %add3A_67 : f32 to vector<512x128xf32>
    %add3A_69 = arith.addf %max3A_66, %add3A_68 : vector<512x128xf32>
    %add3A_70 = arith.constant 0 : i32
    %add3A_71 = vector.broadcast %add3A_70 : i32 to vector<512x128xi32>
    %add3A_72 = arith.addi %iota3A, %add3A_71 : vector<512x128xi32>
    %bitcast_convert_type3A = tpu.bitcast %add3A_69 : vector<512x128xf32> -> vector<512x128xi32>
    %and3A = arith.constant -2048 : i32
    %and3A_73 = vector.broadcast %and3A : i32 to vector<512x128xi32>
    %and3A_74 = arith.andi %bitcast_convert_type3A, %and3A_73 : vector<512x128xi32>
    %or3A = arith.ori %and3A_74, %add3A_72 : vector<512x128xi32>
    %bitcast_convert_type3A_75 = tpu.bitcast %or3A : vector<512x128xi32> -> vector<512x128xf32>
    %eq3A = vector.broadcast %add3A_52 : vector<512x1xi32> to vector<512x128xi32>
    %eq3A_76 = arith.cmpi eq, %add3A_72, %eq3A : vector<512x128xi32>
    %jit3A = arith.constant 0x7F800000 : f32
    %broadcast_in_dim3A_77 = vector.broadcast %jit3A : f32 to vector<512x128xf32>
    %select_n3A = arith.select %eq3A_76, %broadcast_in_dim3A_77, %bitcast_convert_type3A_75 : vector<512x128xi1>, vector<512x128xf32>
    %swap3A_78 = arith.constant 0 : index
    %swap3A_79 = arith.constant 0 : index
    %swap3A_80 = vector.load %arg10[%swap3A_78, %swap3A_79] : memref<512x2048xf32, #tpu.memory_space<vmem>>, vector<512x128xf32>
    tpu.vector_store %arg10[%swap3A_78, %swap3A_79], %select_n3A {strides = array<i32>} : memref<512x2048xf32, #tpu.memory_space<vmem>>, vector<512x128xf32>,
    %broadcast_in_dim3A_81 = arith.constant 0x7F800000 : f32
    %broadcast_in_dim3A_82 = vector.broadcast %broadcast_in_dim3A_81 : f32 to vector<512x128xf32>
    %slice3A_83 = vector.extract_strided_slice %broadcast_in_dim3A_41 {offsets = [0, 128], sizes = [1, 128], strides = [1, 1]} : vector<1x2048xf32> to vector<1x128xf32>
    %add3A_84 = vector.broadcast %broadcast_in_dim3A_45 : vector<512x1xf32> to vector<512x128xf32>
    %add3A_85 = vector.broadcast %slice3A_83 : vector<1x128xf32> to vector<512x128xf32>
    %add3A_86 = arith.addf %add3A_84, %add3A_85 : vector<512x128xf32>
    %slice3A_87 = vector.extract_strided_slice %dot_general3A_47 {offsets = [0, 128], sizes = [512, 128], strides = [1, 1]} : vector<512x2048xf32> to vector<512x128xf32>
    %mul3A_88 = arith.constant 2.000000e+00 : f32
    %mul3A_89 = vector.broadcast %mul3A_88 : f32 to vector<512x128xf32>
    %mul3A_90 = arith.mulf %mul3A_89, %slice3A_87 : vector<512x128xf32>
    %sub3A_91 = arith.subf %add3A_86, %mul3A_90 : vector<512x128xf32>
    %max3A_92 = arith.constant 0.000000e+00 : f32
    %max3A_93 = vector.broadcast %max3A_92 : f32 to vector<512x128xf32>
    %max3A_94 = arith.maximumf %sub3A_91, %max3A_93 : vector<512x128xf32>
    %add3A_95 = arith.constant 1.000000e+00 : f32
    %add3A_96 = vector.broadcast %add3A_95 : f32 to vector<512x128xf32>
    %add3A_97 = arith.addf %max3A_94, %add3A_96 : vector<512x128xf32>
    %add3A_98 = arith.constant 128 : i32
    %add3A_99 = vector.broadcast %add3A_98 : i32 to vector<512x128xi32>
    %add3A_100 = arith.addi %iota3A, %add3A_99 : vector<512x128xi32>
    %bitcast_convert_type3A_101 = tpu.bitcast %add3A_97 : vector<512x128xf32> -> vector<512x128xi32>
    %and3A_102 = arith.constant -2048 : i32
    %and3A_103 = vector.broadcast %and3A_102 : i32 to vector<512x128xi32>
    %and3A_104 = arith.andi %bitcast_convert_type3A_101, %and3A_103 : vector<512x128xi32>
    %or3A_105 = arith.ori %and3A_104, %add3A_100 : vector<512x128xi32>
    %bitcast_convert_type3A_106 = tpu.bitcast %or3A_105 : vector<512x128xi32> -> vector<512x128xf32>
    %eq3A_107 = vector.broadcast %add3A_52 : vector<512x1xi32> to vector<512x128xi32>
    %eq3A_108 = arith.cmpi eq, %add3A_100, %eq3A_107 : vector<512x128xi32>
    %jit3A_109 = arith.constant 0x7F800000 : f32
    %broadcast_in_dim3A_110 = vector.broadcast %jit3A_109 : f32 to vector<512x128xf32>
    %select_n3A_111 = arith.select %eq3A_108, %broadcast_in_dim3A_110, %bitcast_convert_type3A_106 : vector<512x128xi1>, vector<512x128xf32>
    %swap3A_112 = arith.constant 0 : index
    %swap3A_113 = arith.constant 128 : index
    %swap3A_114 = vector.load %arg10[%swap3A_112, %swap3A_113] : memref<512x2048xf32, #tpu.memory_space<vmem>>, vector<512x128xf32>
    tpu.vector_store %arg10[%swap3A_112, %swap3A_113], %select_n3A_111 {strides = array<i32>} : memref<512x2048xf32, #tpu.memory_space<vmem>>, vector<512x128xf32>,
    %max3A_115 = arith.maximumf %select_n3A, %select_n3A_111 : vector<512x128xf32>
    %min3A = arith.minimumf %select_n3A, %select_n3A_111 : vector<512x128xf32>
    %min3A_116 = arith.minimumf %broadcast_in_dim3A_82, %max3A_115 : vector<512x128xf32>
    %slice3A_117 = vector.extract_strided_slice %broadcast_in_dim3A_41 {offsets = [0, 256], sizes = [1, 128], strides = [1, 1]} : vector<1x2048xf32> to vector<1x128xf32>
    %add3A_118 = vector.broadcast %broadcast_in_dim3A_45 : vector<512x1xf32> to vector<512x128xf32>
    %add3A_119 = vector.broadcast %slice3A_117 : vector<1x128xf32> to vector<512x128xf32>
    %add3A_120 = arith.addf %add3A_118, %add3A_119 : vector<512x128xf32>
    %slice3A_121 = vector.extract_strided_slice %dot_general3A_47 {offsets = [0, 256], sizes = [512, 128], strides = [1, 1]} : vector<512x2048xf32> to vector<512x128xf32>
    %mul3A_122 = arith.constant 2.000000e+00 : f32
    %mul3A_123 = vector.broadcast %mul3A_122 : f32 to vector<512x128xf32>
    %mul3A_124 = arith.mulf %mul3A_123, %slice3A_121 : vector<512x128xf32>
    %sub3A_125 = arith.subf %add3A_120, %mul3A_124 : vector<512x128xf32>
    %max3A_126 = arith.constant 0.000000e+00 : f32
    %max3A_127 = vector.broadcast %max3A_126 : f32 to vector<512x128xf32>
    %max3A_128 = arith.maximumf %sub3A_125, %max3A_127 : vector<512x128xf32>
    %add3A_129 = arith.constant 1.000000e+00 : f32
    %add3A_130 = vector.broadcast %add3A_129 : f32 to vector<512x128xf32>
    %add3A_131 = arith.addf %max3A_128, %add3A_130 : vector<512x128xf32>
    %add3A_132 = arith.constant 256 : i32
    %add3A_133 = vector.broadcast %add3A_132 : i32 to vector<512x128xi32>
    %add3A_134 = arith.addi %iota3A, %add3A_133 : vector<512x128xi32>
    %bitcast_convert_type3A_135 = tpu.bitcast %add3A_131 : vector<512x128xf32> -> vector<512x128xi32>
    %and3A_136 = arith.constant -2048 : i32
    %and3A_137 = vector.broadcast %and3A_136 : i32 to vector<512x128xi32>
    %and3A_138 = arith.andi %bitcast_convert_type3A_135, %and3A_137 : vector<512x128xi32>
    %or3A_139 = arith.ori %and3A_138, %add3A_134 : vector<512x128xi32>
    %bitcast_convert_type3A_140 = tpu.bitcast %or3A_139 : vector<512x128xi32> -> vector<512x128xf32>
    %eq3A_141 = vector.broadcast %add3A_52 : vector<512x1xi32> to vector<512x128xi32>
    %eq3A_142 = arith.cmpi eq, %add3A_134, %eq3A_141 : vector<512x128xi32>
    %jit3A_143 = arith.constant 0x7F800000 : f32
    %broadcast_in_dim3A_144 = vector.broadcast %jit3A_143 : f32 to vector<512x128xf32>
    %select_n3A_145 = arith.select %eq3A_142, %broadcast_in_dim3A_144, %bitcast_convert_type3A_140 : vector<512x128xi1>, vector<512x128xf32>
    %swap3A_146 = arith.constant 0 : index
    %swap3A_147 = arith.constant 256 : index
    %swap3A_148 = vector.load %arg10[%swap3A_146, %swap3A_147] : memref<512x2048xf32, #tpu.memory_space<vmem>>, vector<512x128xf32>
    tpu.vector_store %arg10[%swap3A_146, %swap3A_147], %select_n3A_145 {strides = array<i32>} : memref<512x2048xf32, #tpu.memory_space<vmem>>, vector<512x128xf32>,
    %max3A_149 = arith.maximumf %min3A, %select_n3A_145 : vector<512x128xf32>
    %min3A_150 = arith.minimumf %min3A, %select_n3A_145 : vector<512x128xf32>
    %min3A_151 = arith.minimumf %min3A_116, %max3A_149 : vector<512x128xf32>
    %slice3A_152 = vector.extract_strided_slice %broadcast_in_dim3A_41 {offsets = [0, 384], sizes = [1, 128], strides = [1, 1]} : vector<1x2048xf32> to vector<1x128xf32>
    %add3A_153 = vector.broadcast %broadcast_in_dim3A_45 : vector<512x1xf32> to vector<512x128xf32>
    %add3A_154 = vector.broadcast %slice3A_152 : vector<1x128xf32> to vector<512x128xf32>
    %add3A_155 = arith.addf %add3A_153, %add3A_154 : vector<512x128xf32>
    %slice3A_156 = vector.extract_strided_slice %dot_general3A_47 {offsets = [0, 384], sizes = [512, 128], strides = [1, 1]} : vector<512x2048xf32> to vector<512x128xf32>
    %mul3A_157 = arith.constant 2.000000e+00 : f32
    %mul3A_158 = vector.broadcast %mul3A_157 : f32 to vector<512x128xf32>
    %mul3A_159 = arith.mulf %mul3A_158, %slice3A_156 : vector<512x128xf32>
    %sub3A_160 = arith.subf %add3A_155, %mul3A_159 : vector<512x128xf32>
    %max3A_161 = arith.constant 0.000000e+00 : f32
    %max3A_162 = vector.broadcast %max3A_161 : f32 to vector<512x128xf32>
    %max3A_163 = arith.maximumf %sub3A_160, %max3A_162 : vector<512x128xf32>
    %add3A_164 = arith.constant 1.000000e+00 : f32
    %add3A_165 = vector.broadcast %add3A_164 : f32 to vector<512x128xf32>
    %add3A_166 = arith.addf %max3A_163, %add3A_165 : vector<512x128xf32>
    %add3A_167 = arith.constant 384 : i32
    %add3A_168 = vector.broadcast %add3A_167 : i32 to vector<512x128xi32>
    %add3A_169 = arith.addi %iota3A, %add3A_168 : vector<512x128xi32>
    %bitcast_convert_type3A_170 = tpu.bitcast %add3A_166 : vector<512x128xf32> -> vector<512x128xi32>
    %and3A_171 = arith.constant -2048 : i32
    %and3A_172 = vector.broadcast %and3A_171 : i32 to vector<512x128xi32>
    %and3A_173 = arith.andi %bitcast_convert_type3A_170, %and3A_172 : vector<512x128xi32>
    %or3A_174 = arith.ori %and3A_173, %add3A_169 : vector<512x128xi32>
    %bitcast_convert_type3A_175 = tpu.bitcast %or3A_174 : vector<512x128xi32> -> vector<512x128xf32>
    %eq3A_176 = vector.broadcast %add3A_52 : vector<512x1xi32> to vector<512x128xi32>
    %eq3A_177 = arith.cmpi eq, %add3A_169, %eq3A_176 : vector<512x128xi32>
    %jit3A_178 = arith.constant 0x7F800000 : f32
    %broadcast_in_dim3A_179 = vector.broadcast %jit3A_178 : f32 to vector<512x128xf32>
    %select_n3A_180 = arith.select %eq3A_177, %broadcast_in_dim3A_179, %bitcast_convert_type3A_175 : vector<512x128xi1>, vector<512x128xf32>
    %swap3A_181 = arith.constant 0 : index
    %swap3A_182 = arith.constant 384 : index
    %swap3A_183 = vector.load %arg10[%swap3A_181, %swap3A_182] : memref<512x2048xf32, #tpu.memory_space<vmem>>, vector<512x128xf32>
    tpu.vector_store %arg10[%swap3A_181, %swap3A_182], %select_n3A_180 {strides = array<i32>} : memref<512x2048xf32, #tpu.memory_space<vmem>>, vector<512x128xf32>,
    %max3A_184 = arith.maximumf %min3A_150, %select_n3A_180 : vector<512x128xf32>
    %min3A_185 = arith.minimumf %min3A_150, %select_n3A_180 : vector<512x128xf32>
    %min3A_186 = arith.minimumf %min3A_151, %max3A_184 : vector<512x128xf32>
    %slice3A_187 = vector.extract_strided_slice %broadcast_in_dim3A_41 {offsets = [0, 512], sizes = [1, 128], strides = [1, 1]} : vector<1x2048xf32> to vector<1x128xf32>
    %add3A_188 = vector.broadcast %broadcast_in_dim3A_45 : vector<512x1xf32> to vector<512x128xf32>
    %add3A_189 = vector.broadcast %slice3A_187 : vector<1x128xf32> to vector<512x128xf32>
    %add3A_190 = arith.addf %add3A_188, %add3A_189 : vector<512x128xf32>
    %slice3A_191 = vector.extract_strided_slice %dot_general3A_47 {offsets = [0, 512], sizes = [512, 128], strides = [1, 1]} : vector<512x2048xf32> to vector<512x128xf32>
    %mul3A_192 = arith.constant 2.000000e+00 : f32
    %mul3A_193 = vector.broadcast %mul3A_192 : f32 to vector<512x128xf32>
    %mul3A_194 = arith.mulf %mul3A_193, %slice3A_191 : vector<512x128xf32>
    %sub3A_195 = arith.subf %add3A_190, %mul3A_194 : vector<512x128xf32>
    %max3A_196 = arith.constant 0.000000e+00 : f32
    %max3A_197 = vector.broadcast %max3A_196 : f32 to vector<512x128xf32>
    %max3A_198 = arith.maximumf %sub3A_195, %max3A_197 : vector<512x128xf32>
    %add3A_199 = arith.constant 1.000000e+00 : f32
    %add3A_200 = vector.broadcast %add3A_199 : f32 to vector<512x128xf32>
    %add3A_201 = arith.addf %max3A_198, %add3A_200 : vector<512x128xf32>
    %add3A_202 = arith.constant 512 : i32
    %add3A_203 = vector.broadcast %add3A_202 : i32 to vector<512x128xi32>
    %add3A_204 = arith.addi %iota3A, %add3A_203 : vector<512x128xi32>
    %bitcast_convert_type3A_205 = tpu.bitcast %add3A_201 : vector<512x128xf32> -> vector<512x128xi32>
    %and3A_206 = arith.constant -2048 : i32
    %and3A_207 = vector.broadcast %and3A_206 : i32 to vector<512x128xi32>
    %and3A_208 = arith.andi %bitcast_convert_type3A_205, %and3A_207 : vector<512x128xi32>
    %or3A_209 = arith.ori %and3A_208, %add3A_204 : vector<512x128xi32>
    %bitcast_convert_type3A_210 = tpu.bitcast %or3A_209 : vector<512x128xi32> -> vector<512x128xf32>
    %eq3A_211 = vector.broadcast %add3A_52 : vector<512x1xi32> to vector<512x128xi32>
    %eq3A_212 = arith.cmpi eq, %add3A_204, %eq3A_211 : vector<512x128xi32>
    %jit3A_213 = arith.constant 0x7F800000 : f32
    %broadcast_in_dim3A_214 = vector.broadcast %jit3A_213 : f32 to vector<512x128xf32>
    %select_n3A_215 = arith.select %eq3A_212, %broadcast_in_dim3A_214, %bitcast_convert_type3A_210 : vector<512x128xi1>, vector<512x128xf32>
    %swap3A_216 = arith.constant 0 : index
    %swap3A_217 = arith.constant 512 : index
    %swap3A_218 = vector.load %arg10[%swap3A_216, %swap3A_217] : memref<512x2048xf32, #tpu.memory_space<vmem>>, vector<512x128xf32>
    tpu.vector_store %arg10[%swap3A_216, %swap3A_217], %select_n3A_215 {strides = array<i32>} : memref<512x2048xf32, #tpu.memory_space<vmem>>, vector<512x128xf32>,
    %max3A_219 = arith.maximumf %min3A_185, %select_n3A_215 : vector<512x128xf32>
    %min3A_220 = arith.minimumf %min3A_185, %select_n3A_215 : vector<512x128xf32>
    %min3A_221 = arith.minimumf %min3A_186, %max3A_219 : vector<512x128xf32>
    %slice3A_222 = vector.extract_strided_slice %broadcast_in_dim3A_41 {offsets = [0, 640], sizes = [1, 128], strides = [1, 1]} : vector<1x2048xf32> to vector<1x128xf32>
    %add3A_223 = vector.broadcast %broadcast_in_dim3A_45 : vector<512x1xf32> to vector<512x128xf32>
    %add3A_224 = vector.broadcast %slice3A_222 : vector<1x128xf32> to vector<512x128xf32>
    %add3A_225 = arith.addf %add3A_223, %add3A_224 : vector<512x128xf32>
    %slice3A_226 = vector.extract_strided_slice %dot_general3A_47 {offsets = [0, 640], sizes = [512, 128], strides = [1, 1]} : vector<512x2048xf32> to vector<512x128xf32>
    %mul3A_227 = arith.constant 2.000000e+00 : f32
    %mul3A_228 = vector.broadcast %mul3A_227 : f32 to vector<512x128xf32>
    %mul3A_229 = arith.mulf %mul3A_228, %slice3A_226 : vector<512x128xf32>
    %sub3A_230 = arith.subf %add3A_225, %mul3A_229 : vector<512x128xf32>
    %max3A_231 = arith.constant 0.000000e+00 : f32
    %max3A_232 = vector.broadcast %max3A_231 : f32 to vector<512x128xf32>
    %max3A_233 = arith.maximumf %sub3A_230, %max3A_232 : vector<512x128xf32>
    %add3A_234 = arith.constant 1.000000e+00 : f32
    %add3A_235 = vector.broadcast %add3A_234 : f32 to vector<512x128xf32>
    %add3A_236 = arith.addf %max3A_233, %add3A_235 : vector<512x128xf32>
    %add3A_237 = arith.constant 640 : i32
    %add3A_238 = vector.broadcast %add3A_237 : i32 to vector<512x128xi32>
    %add3A_239 = arith.addi %iota3A, %add3A_238 : vector<512x128xi32>
    %bitcast_convert_type3A_240 = tpu.bitcast %add3A_236 : vector<512x128xf32> -> vector<512x128xi32>
    %and3A_241 = arith.constant -2048 : i32
    %and3A_242 = vector.broadcast %and3A_241 : i32 to vector<512x128xi32>
    %and3A_243 = arith.andi %bitcast_convert_type3A_240, %and3A_242 : vector<512x128xi32>
    %or3A_244 = arith.ori %and3A_243, %add3A_239 : vector<512x128xi32>
    %bitcast_convert_type3A_245 = tpu.bitcast %or3A_244 : vector<512x128xi32> -> vector<512x128xf32>
    %eq3A_246 = vector.broadcast %add3A_52 : vector<512x1xi32> to vector<512x128xi32>
    %eq3A_247 = arith.cmpi eq, %add3A_239, %eq3A_246 : vector<512x128xi32>
    %jit3A_248 = arith.constant 0x7F800000 : f32
    %broadcast_in_dim3A_249 = vector.broadcast %jit3A_248 : f32 to vector<512x128xf32>
    %select_n3A_250 = arith.select %eq3A_247, %broadcast_in_dim3A_249, %bitcast_convert_type3A_245 : vector<512x128xi1>, vector<512x128xf32>
    %swap3A_251 = arith.constant 0 : index
    %swap3A_252 = arith.constant 640 : index
    %swap3A_253 = vector.load %arg10[%swap3A_251, %swap3A_252] : memref<512x2048xf32, #tpu.memory_space<vmem>>, vector<512x128xf32>
    tpu.vector_store %arg10[%swap3A_251, %swap3A_252], %select_n3A_250 {strides = array<i32>} : memref<512x2048xf32, #tpu.memory_space<vmem>>, vector<512x128xf32>,
    %max3A_254 = arith.maximumf %min3A_220, %select_n3A_250 : vector<512x128xf32>
    %min3A_255 = arith.minimumf %min3A_220, %select_n3A_250 : vector<512x128xf32>
    %min3A_256 = arith.minimumf %min3A_221, %max3A_254 : vector<512x128xf32>
    %slice3A_257 = vector.extract_strided_slice %broadcast_in_dim3A_41 {offsets = [0, 768], sizes = [1, 128], strides = [1, 1]} : vector<1x2048xf32> to vector<1x128xf32>
    %add3A_258 = vector.broadcast %broadcast_in_dim3A_45 : vector<512x1xf32> to vector<512x128xf32>
    %add3A_259 = vector.broadcast %slice3A_257 : vector<1x128xf32> to vector<512x128xf32>
    %add3A_260 = arith.addf %add3A_258, %add3A_259 : vector<512x128xf32>
    %slice3A_261 = vector.extract_strided_slice %dot_general3A_47 {offsets = [0, 768], sizes = [512, 128], strides = [1, 1]} : vector<512x2048xf32> to vector<512x128xf32>
    %mul3A_262 = arith.constant 2.000000e+00 : f32
    %mul3A_263 = vector.broadcast %mul3A_262 : f32 to vector<512x128xf32>
    %mul3A_264 = arith.mulf %mul3A_263, %slice3A_261 : vector<512x128xf32>
    %sub3A_265 = arith.subf %add3A_260, %mul3A_264 : vector<512x128xf32>
    %max3A_266 = arith.constant 0.000000e+00 : f32
    %max3A_267 = vector.broadcast %max3A_266 : f32 to vector<512x128xf32>
    %max3A_268 = arith.maximumf %sub3A_265, %max3A_267 : vector<512x128xf32>
    %add3A_269 = arith.constant 1.000000e+00 : f32
    %add3A_270 = vector.broadcast %add3A_269 : f32 to vector<512x128xf32>
    %add3A_271 = arith.addf %max3A_268, %add3A_270 : vector<512x128xf32>
    %add3A_272 = arith.constant 768 : i32
    %add3A_273 = vector.broadcast %add3A_272 : i32 to vector<512x128xi32>
    %add3A_274 = arith.addi %iota3A, %add3A_273 : vector<512x128xi32>
    %bitcast_convert_type3A_275 = tpu.bitcast %add3A_271 : vector<512x128xf32> -> vector<512x128xi32>
    %and3A_276 = arith.constant -2048 : i32
    %and3A_277 = vector.broadcast %and3A_276 : i32 to vector<512x128xi32>
    %and3A_278 = arith.andi %bitcast_convert_type3A_275, %and3A_277 : vector<512x128xi32>
    %or3A_279 = arith.ori %and3A_278, %add3A_274 : vector<512x128xi32>
    %bitcast_convert_type3A_280 = tpu.bitcast %or3A_279 : vector<512x128xi32> -> vector<512x128xf32>
    %eq3A_281 = vector.broadcast %add3A_52 : vector<512x1xi32> to vector<512x128xi32>
    %eq3A_282 = arith.cmpi eq, %add3A_274, %eq3A_281 : vector<512x128xi32>
    %jit3A_283 = arith.constant 0x7F800000 : f32
    %broadcast_in_dim3A_284 = vector.broadcast %jit3A_283 : f32 to vector<512x128xf32>
    %select_n3A_285 = arith.select %eq3A_282, %broadcast_in_dim3A_284, %bitcast_convert_type3A_280 : vector<512x128xi1>, vector<512x128xf32>
    %swap3A_286 = arith.constant 0 : index
    %swap3A_287 = arith.constant 768 : index
    %swap3A_288 = vector.load %arg10[%swap3A_286, %swap3A_287] : memref<512x2048xf32, #tpu.memory_space<vmem>>, vector<512x128xf32>
    tpu.vector_store %arg10[%swap3A_286, %swap3A_287], %select_n3A_285 {strides = array<i32>} : memref<512x2048xf32, #tpu.memory_space<vmem>>, vector<512x128xf32>,
    %max3A_289 = arith.maximumf %min3A_255, %select_n3A_285 : vector<512x128xf32>
    %min3A_290 = arith.minimumf %min3A_255, %select_n3A_285 : vector<512x128xf32>
    %min3A_291 = arith.minimumf %min3A_256, %max3A_289 : vector<512x128xf32>
    %slice3A_292 = vector.extract_strided_slice %broadcast_in_dim3A_41 {offsets = [0, 896], sizes = [1, 128], strides = [1, 1]} : vector<1x2048xf32> to vector<1x128xf32>
    %add3A_293 = vector.broadcast %broadcast_in_dim3A_45 : vector<512x1xf32> to vector<512x128xf32>
    %add3A_294 = vector.broadcast %slice3A_292 : vector<1x128xf32> to vector<512x128xf32>
    %add3A_295 = arith.addf %add3A_293, %add3A_294 : vector<512x128xf32>
    %slice3A_296 = vector.extract_strided_slice %dot_general3A_47 {offsets = [0, 896], sizes = [512, 128], strides = [1, 1]} : vector<512x2048xf32> to vector<512x128xf32>
    %mul3A_297 = arith.constant 2.000000e+00 : f32
    %mul3A_298 = vector.broadcast %mul3A_297 : f32 to vector<512x128xf32>
    %mul3A_299 = arith.mulf %mul3A_298, %slice3A_296 : vector<512x128xf32>
    %sub3A_300 = arith.subf %add3A_295, %mul3A_299 : vector<512x128xf32>
    %max3A_301 = arith.constant 0.000000e+00 : f32
    %max3A_302 = vector.broadcast %max3A_301 : f32 to vector<512x128xf32>
    %max3A_303 = arith.maximumf %sub3A_300, %max3A_302 : vector<512x128xf32>
    %add3A_304 = arith.constant 1.000000e+00 : f32
    %add3A_305 = vector.broadcast %add3A_304 : f32 to vector<512x128xf32>
    %add3A_306 = arith.addf %max3A_303, %add3A_305 : vector<512x128xf32>
    %add3A_307 = arith.constant 896 : i32
    %add3A_308 = vector.broadcast %add3A_307 : i32 to vector<512x128xi32>
    %add3A_309 = arith.addi %iota3A, %add3A_308 : vector<512x128xi32>
    %bitcast_convert_type3A_310 = tpu.bitcast %add3A_306 : vector<512x128xf32> -> vector<512x128xi32>
    %and3A_311 = arith.constant -2048 : i32
    %and3A_312 = vector.broadcast %and3A_311 : i32 to vector<512x128xi32>
    %and3A_313 = arith.andi %bitcast_convert_type3A_310, %and3A_312 : vector<512x128xi32>
    %or3A_314 = arith.ori %and3A_313, %add3A_309 : vector<512x128xi32>
    %bitcast_convert_type3A_315 = tpu.bitcast %or3A_314 : vector<512x128xi32> -> vector<512x128xf32>
    %eq3A_316 = vector.broadcast %add3A_52 : vector<512x1xi32> to vector<512x128xi32>
    %eq3A_317 = arith.cmpi eq, %add3A_309, %eq3A_316 : vector<512x128xi32>
    %jit3A_318 = arith.constant 0x7F800000 : f32
    %broadcast_in_dim3A_319 = vector.broadcast %jit3A_318 : f32 to vector<512x128xf32>
    %select_n3A_320 = arith.select %eq3A_317, %broadcast_in_dim3A_319, %bitcast_convert_type3A_315 : vector<512x128xi1>, vector<512x128xf32>
    %swap3A_321 = arith.constant 0 : index
    %swap3A_322 = arith.constant 896 : index
    %swap3A_323 = vector.load %arg10[%swap3A_321, %swap3A_322] : memref<512x2048xf32, #tpu.memory_space<vmem>>, vector<512x128xf32>
    tpu.vector_store %arg10[%swap3A_321, %swap3A_322], %select_n3A_320 {strides = array<i32>} : memref<512x2048xf32, #tpu.memory_space<vmem>>, vector<512x128xf32>,
    %max3A_324 = arith.maximumf %min3A_290, %select_n3A_320 : vector<512x128xf32>
    %min3A_325 = arith.minimumf %min3A_290, %select_n3A_320 : vector<512x128xf32>
    %min3A_326 = arith.minimumf %min3A_291, %max3A_324 : vector<512x128xf32>
    %slice3A_327 = vector.extract_strided_slice %broadcast_in_dim3A_41 {offsets = [0, 1024], sizes = [1, 128], strides = [1, 1]} : vector<1x2048xf32> to vector<1x128xf32>
    %add3A_328 = vector.broadcast %broadcast_in_dim3A_45 : vector<512x1xf32> to vector<512x128xf32>
    %add3A_329 = vector.broadcast %slice3A_327 : vector<1x128xf32> to vector<512x128xf32>
    %add3A_330 = arith.addf %add3A_328, %add3A_329 : vector<512x128xf32>
    %slice3A_331 = vector.extract_strided_slice %dot_general3A_47 {offsets = [0, 1024], sizes = [512, 128], strides = [1, 1]} : vector<512x2048xf32> to vector<512x128xf32>
    %mul3A_332 = arith.constant 2.000000e+00 : f32
    %mul3A_333 = vector.broadcast %mul3A_332 : f32 to vector<512x128xf32>
    %mul3A_334 = arith.mulf %mul3A_333, %slice3A_331 : vector<512x128xf32>
    %sub3A_335 = arith.subf %add3A_330, %mul3A_334 : vector<512x128xf32>
    %max3A_336 = arith.constant 0.000000e+00 : f32
    %max3A_337 = vector.broadcast %max3A_336 : f32 to vector<512x128xf32>
    %max3A_338 = arith.maximumf %sub3A_335, %max3A_337 : vector<512x128xf32>
    %add3A_339 = arith.constant 1.000000e+00 : f32
    %add3A_340 = vector.broadcast %add3A_339 : f32 to vector<512x128xf32>
    %add3A_341 = arith.addf %max3A_338, %add3A_340 : vector<512x128xf32>
    %add3A_342 = arith.constant 1024 : i32
    %add3A_343 = vector.broadcast %add3A_342 : i32 to vector<512x128xi32>
    %add3A_344 = arith.addi %iota3A, %add3A_343 : vector<512x128xi32>
    %bitcast_convert_type3A_345 = tpu.bitcast %add3A_341 : vector<512x128xf32> -> vector<512x128xi32>
    %and3A_346 = arith.constant -2048 : i32
    %and3A_347 = vector.broadcast %and3A_346 : i32 to vector<512x128xi32>
    %and3A_348 = arith.andi %bitcast_convert_type3A_345, %and3A_347 : vector<512x128xi32>
    %or3A_349 = arith.ori %and3A_348, %add3A_344 : vector<512x128xi32>
    %bitcast_convert_type3A_350 = tpu.bitcast %or3A_349 : vector<512x128xi32> -> vector<512x128xf32>
    %eq3A_351 = vector.broadcast %add3A_52 : vector<512x1xi32> to vector<512x128xi32>
    %eq3A_352 = arith.cmpi eq, %add3A_344, %eq3A_351 : vector<512x128xi32>
    %jit3A_353 = arith.constant 0x7F800000 : f32
    %broadcast_in_dim3A_354 = vector.broadcast %jit3A_353 : f32 to vector<512x128xf32>
    %select_n3A_355 = arith.select %eq3A_352, %broadcast_in_dim3A_354, %bitcast_convert_type3A_350 : vector<512x128xi1>, vector<512x128xf32>
    %swap3A_356 = arith.constant 0 : index
    %swap3A_357 = arith.constant 1024 : index
    %swap3A_358 = vector.load %arg10[%swap3A_356, %swap3A_357] : memref<512x2048xf32, #tpu.memory_space<vmem>>, vector<512x128xf32>
    tpu.vector_store %arg10[%swap3A_356, %swap3A_357], %select_n3A_355 {strides = array<i32>} : memref<512x2048xf32, #tpu.memory_space<vmem>>, vector<512x128xf32>,
    %max3A_359 = arith.maximumf %min3A_325, %select_n3A_355 : vector<512x128xf32>
    %min3A_360 = arith.minimumf %min3A_325, %select_n3A_355 : vector<512x128xf32>
    %min3A_361 = arith.minimumf %min3A_326, %max3A_359 : vector<512x128xf32>
    %slice3A_362 = vector.extract_strided_slice %broadcast_in_dim3A_41 {offsets = [0, 1152], sizes = [1, 128], strides = [1, 1]} : vector<1x2048xf32> to vector<1x128xf32>
    %add3A_363 = vector.broadcast %broadcast_in_dim3A_45 : vector<512x1xf32> to vector<512x128xf32>
    %add3A_364 = vector.broadcast %slice3A_362 : vector<1x128xf32> to vector<512x128xf32>
    %add3A_365 = arith.addf %add3A_363, %add3A_364 : vector<512x128xf32>
    %slice3A_366 = vector.extract_strided_slice %dot_general3A_47 {offsets = [0, 1152], sizes = [512, 128], strides = [1, 1]} : vector<512x2048xf32> to vector<512x128xf32>
    %mul3A_367 = arith.constant 2.000000e+00 : f32
    %mul3A_368 = vector.broadcast %mul3A_367 : f32 to vector<512x128xf32>
    %mul3A_369 = arith.mulf %mul3A_368, %slice3A_366 : vector<512x128xf32>
    %sub3A_370 = arith.subf %add3A_365, %mul3A_369 : vector<512x128xf32>
    %max3A_371 = arith.constant 0.000000e+00 : f32
    %max3A_372 = vector.broadcast %max3A_371 : f32 to vector<512x128xf32>
    %max3A_373 = arith.maximumf %sub3A_370, %max3A_372 : vector<512x128xf32>
    %add3A_374 = arith.constant 1.000000e+00 : f32
    %add3A_375 = vector.broadcast %add3A_374 : f32 to vector<512x128xf32>
    %add3A_376 = arith.addf %max3A_373, %add3A_375 : vector<512x128xf32>
    %add3A_377 = arith.constant 1152 : i32
    %add3A_378 = vector.broadcast %add3A_377 : i32 to vector<512x128xi32>
    %add3A_379 = arith.addi %iota3A, %add3A_378 : vector<512x128xi32>
    %bitcast_convert_type3A_380 = tpu.bitcast %add3A_376 : vector<512x128xf32> -> vector<512x128xi32>
    %and3A_381 = arith.constant -2048 : i32
    %and3A_382 = vector.broadcast %and3A_381 : i32 to vector<512x128xi32>
    %and3A_383 = arith.andi %bitcast_convert_type3A_380, %and3A_382 : vector<512x128xi32>
    %or3A_384 = arith.ori %and3A_383, %add3A_379 : vector<512x128xi32>
    %bitcast_convert_type3A_385 = tpu.bitcast %or3A_384 : vector<512x128xi32> -> vector<512x128xf32>
    %eq3A_386 = vector.broadcast %add3A_52 : vector<512x1xi32> to vector<512x128xi32>
    %eq3A_387 = arith.cmpi eq, %add3A_379, %eq3A_386 : vector<512x128xi32>
    %jit3A_388 = arith.constant 0x7F800000 : f32
    %broadcast_in_dim3A_389 = vector.broadcast %jit3A_388 : f32 to vector<512x128xf32>
    %select_n3A_390 = arith.select %eq3A_387, %broadcast_in_dim3A_389, %bitcast_convert_type3A_385 : vector<512x128xi1>, vector<512x128xf32>
    %swap3A_391 = arith.constant 0 : index
    %swap3A_392 = arith.constant 1152 : index
    %swap3A_393 = vector.load %arg10[%swap3A_391, %swap3A_392] : memref<512x2048xf32, #tpu.memory_space<vmem>>, vector<512x128xf32>
    tpu.vector_store %arg10[%swap3A_391, %swap3A_392], %select_n3A_390 {strides = array<i32>} : memref<512x2048xf32, #tpu.memory_space<vmem>>, vector<512x128xf32>,
    %max3A_394 = arith.maximumf %min3A_360, %select_n3A_390 : vector<512x128xf32>
    %min3A_395 = arith.minimumf %min3A_360, %select_n3A_390 : vector<512x128xf32>
    %min3A_396 = arith.minimumf %min3A_361, %max3A_394 : vector<512x128xf32>
    %slice3A_397 = vector.extract_strided_slice %broadcast_in_dim3A_41 {offsets = [0, 1280], sizes = [1, 128], strides = [1, 1]} : vector<1x2048xf32> to vector<1x128xf32>
    %add3A_398 = vector.broadcast %broadcast_in_dim3A_45 : vector<512x1xf32> to vector<512x128xf32>
    %add3A_399 = vector.broadcast %slice3A_397 : vector<1x128xf32> to vector<512x128xf32>
    %add3A_400 = arith.addf %add3A_398, %add3A_399 : vector<512x128xf32>
    %slice3A_401 = vector.extract_strided_slice %dot_general3A_47 {offsets = [0, 1280], sizes = [512, 128], strides = [1, 1]} : vector<512x2048xf32> to vector<512x128xf32>
    %mul3A_402 = arith.constant 2.000000e+00 : f32
    %mul3A_403 = vector.broadcast %mul3A_402 : f32 to vector<512x128xf32>
    %mul3A_404 = arith.mulf %mul3A_403, %slice3A_401 : vector<512x128xf32>
    %sub3A_405 = arith.subf %add3A_400, %mul3A_404 : vector<512x128xf32>
    %max3A_406 = arith.constant 0.000000e+00 : f32
    %max3A_407 = vector.broadcast %max3A_406 : f32 to vector<512x128xf32>
    %max3A_408 = arith.maximumf %sub3A_405, %max3A_407 : vector<512x128xf32>
    %add3A_409 = arith.constant 1.000000e+00 : f32
    %add3A_410 = vector.broadcast %add3A_409 : f32 to vector<512x128xf32>
    %add3A_411 = arith.addf %max3A_408, %add3A_410 : vector<512x128xf32>
    %add3A_412 = arith.constant 1280 : i32
    %add3A_413 = vector.broadcast %add3A_412 : i32 to vector<512x128xi32>
    %add3A_414 = arith.addi %iota3A, %add3A_413 : vector<512x128xi32>
    %bitcast_convert_type3A_415 = tpu.bitcast %add3A_411 : vector<512x128xf32> -> vector<512x128xi32>
    %and3A_416 = arith.constant -2048 : i32
    %and3A_417 = vector.broadcast %and3A_416 : i32 to vector<512x128xi32>
    %and3A_418 = arith.andi %bitcast_convert_type3A_415, %and3A_417 : vector<512x128xi32>
    %or3A_419 = arith.ori %and3A_418, %add3A_414 : vector<512x128xi32>
    %bitcast_convert_type3A_420 = tpu.bitcast %or3A_419 : vector<512x128xi32> -> vector<512x128xf32>
    %eq3A_421 = vector.broadcast %add3A_52 : vector<512x1xi32> to vector<512x128xi32>
    %eq3A_422 = arith.cmpi eq, %add3A_414, %eq3A_421 : vector<512x128xi32>
    %jit3A_423 = arith.constant 0x7F800000 : f32
    %broadcast_in_dim3A_424 = vector.broadcast %jit3A_423 : f32 to vector<512x128xf32>
    %select_n3A_425 = arith.select %eq3A_422, %broadcast_in_dim3A_424, %bitcast_convert_type3A_420 : vector<512x128xi1>, vector<512x128xf32>
    %swap3A_426 = arith.constant 0 : index
    %swap3A_427 = arith.constant 1280 : index
    %swap3A_428 = vector.load %arg10[%swap3A_426, %swap3A_427] : memref<512x2048xf32, #tpu.memory_space<vmem>>, vector<512x128xf32>
    tpu.vector_store %arg10[%swap3A_426, %swap3A_427], %select_n3A_425 {strides = array<i32>} : memref<512x2048xf32, #tpu.memory_space<vmem>>, vector<512x128xf32>,
    %max3A_429 = arith.maximumf %min3A_395, %select_n3A_425 : vector<512x128xf32>
    %min3A_430 = arith.minimumf %min3A_395, %select_n3A_425 : vector<512x128xf32>
    %min3A_431 = arith.minimumf %min3A_396, %max3A_429 : vector<512x128xf32>
    %slice3A_432 = vector.extract_strided_slice %broadcast_in_dim3A_41 {offsets = [0, 1408], sizes = [1, 128], strides = [1, 1]} : vector<1x2048xf32> to vector<1x128xf32>
    %add3A_433 = vector.broadcast %broadcast_in_dim3A_45 : vector<512x1xf32> to vector<512x128xf32>
    %add3A_434 = vector.broadcast %slice3A_432 : vector<1x128xf32> to vector<512x128xf32>
    %add3A_435 = arith.addf %add3A_433, %add3A_434 : vector<512x128xf32>
    %slice3A_436 = vector.extract_strided_slice %dot_general3A_47 {offsets = [0, 1408], sizes = [512, 128], strides = [1, 1]} : vector<512x2048xf32> to vector<512x128xf32>
    %mul3A_437 = arith.constant 2.000000e+00 : f32
    %mul3A_438 = vector.broadcast %mul3A_437 : f32 to vector<512x128xf32>
    %mul3A_439 = arith.mulf %mul3A_438, %slice3A_436 : vector<512x128xf32>
    %sub3A_440 = arith.subf %add3A_435, %mul3A_439 : vector<512x128xf32>
    %max3A_441 = arith.constant 0.000000e+00 : f32
    %max3A_442 = vector.broadcast %max3A_441 : f32 to vector<512x128xf32>
    %max3A_443 = arith.maximumf %sub3A_440, %max3A_442 : vector<512x128xf32>
    %add3A_444 = arith.constant 1.000000e+00 : f32
    %add3A_445 = vector.broadcast %add3A_444 : f32 to vector<512x128xf32>
    %add3A_446 = arith.addf %max3A_443, %add3A_445 : vector<512x128xf32>
    %add3A_447 = arith.constant 1408 : i32
    %add3A_448 = vector.broadcast %add3A_447 : i32 to vector<512x128xi32>
    %add3A_449 = arith.addi %iota3A, %add3A_448 : vector<512x128xi32>
    %bitcast_convert_type3A_450 = tpu.bitcast %add3A_446 : vector<512x128xf32> -> vector<512x128xi32>
    %and3A_451 = arith.constant -2048 : i32
    %and3A_452 = vector.broadcast %and3A_451 : i32 to vector<512x128xi32>
    %and3A_453 = arith.andi %bitcast_convert_type3A_450, %and3A_452 : vector<512x128xi32>
    %or3A_454 = arith.ori %and3A_453, %add3A_449 : vector<512x128xi32>
    %bitcast_convert_type3A_455 = tpu.bitcast %or3A_454 : vector<512x128xi32> -> vector<512x128xf32>
    %eq3A_456 = vector.broadcast %add3A_52 : vector<512x1xi32> to vector<512x128xi32>
    %eq3A_457 = arith.cmpi eq, %add3A_449, %eq3A_456 : vector<512x128xi32>
    %jit3A_458 = arith.constant 0x7F800000 : f32
    %broadcast_in_dim3A_459 = vector.broadcast %jit3A_458 : f32 to vector<512x128xf32>
    %select_n3A_460 = arith.select %eq3A_457, %broadcast_in_dim3A_459, %bitcast_convert_type3A_455 : vector<512x128xi1>, vector<512x128xf32>
    %swap3A_461 = arith.constant 0 : index
    %swap3A_462 = arith.constant 1408 : index
    %swap3A_463 = vector.load %arg10[%swap3A_461, %swap3A_462] : memref<512x2048xf32, #tpu.memory_space<vmem>>, vector<512x128xf32>
    tpu.vector_store %arg10[%swap3A_461, %swap3A_462], %select_n3A_460 {strides = array<i32>} : memref<512x2048xf32, #tpu.memory_space<vmem>>, vector<512x128xf32>,
    %max3A_464 = arith.maximumf %min3A_430, %select_n3A_460 : vector<512x128xf32>
    %min3A_465 = arith.minimumf %min3A_430, %select_n3A_460 : vector<512x128xf32>
    %min3A_466 = arith.minimumf %min3A_431, %max3A_464 : vector<512x128xf32>
    %slice3A_467 = vector.extract_strided_slice %broadcast_in_dim3A_41 {offsets = [0, 1536], sizes = [1, 128], strides = [1, 1]} : vector<1x2048xf32> to vector<1x128xf32>
    %add3A_468 = vector.broadcast %broadcast_in_dim3A_45 : vector<512x1xf32> to vector<512x128xf32>
    %add3A_469 = vector.broadcast %slice3A_467 : vector<1x128xf32> to vector<512x128xf32>
    %add3A_470 = arith.addf %add3A_468, %add3A_469 : vector<512x128xf32>
    %slice3A_471 = vector.extract_strided_slice %dot_general3A_47 {offsets = [0, 1536], sizes = [512, 128], strides = [1, 1]} : vector<512x2048xf32> to vector<512x128xf32>
    %mul3A_472 = arith.constant 2.000000e+00 : f32
    %mul3A_473 = vector.broadcast %mul3A_472 : f32 to vector<512x128xf32>
    %mul3A_474 = arith.mulf %mul3A_473, %slice3A_471 : vector<512x128xf32>
    %sub3A_475 = arith.subf %add3A_470, %mul3A_474 : vector<512x128xf32>
    %max3A_476 = arith.constant 0.000000e+00 : f32
    %max3A_477 = vector.broadcast %max3A_476 : f32 to vector<512x128xf32>
    %max3A_478 = arith.maximumf %sub3A_475, %max3A_477 : vector<512x128xf32>
    %add3A_479 = arith.constant 1.000000e+00 : f32
    %add3A_480 = vector.broadcast %add3A_479 : f32 to vector<512x128xf32>
    %add3A_481 = arith.addf %max3A_478, %add3A_480 : vector<512x128xf32>
    %add3A_482 = arith.constant 1536 : i32
    %add3A_483 = vector.broadcast %add3A_482 : i32 to vector<512x128xi32>
    %add3A_484 = arith.addi %iota3A, %add3A_483 : vector<512x128xi32>
    %bitcast_convert_type3A_485 = tpu.bitcast %add3A_481 : vector<512x128xf32> -> vector<512x128xi32>
    %and3A_486 = arith.constant -2048 : i32
    %and3A_487 = vector.broadcast %and3A_486 : i32 to vector<512x128xi32>
    %and3A_488 = arith.andi %bitcast_convert_type3A_485, %and3A_487 : vector<512x128xi32>
    %or3A_489 = arith.ori %and3A_488, %add3A_484 : vector<512x128xi32>
    %bitcast_convert_type3A_490 = tpu.bitcast %or3A_489 : vector<512x128xi32> -> vector<512x128xf32>
    %eq3A_491 = vector.broadcast %add3A_52 : vector<512x1xi32> to vector<512x128xi32>
    %eq3A_492 = arith.cmpi eq, %add3A_484, %eq3A_491 : vector<512x128xi32>
    %jit3A_493 = arith.constant 0x7F800000 : f32
    %broadcast_in_dim3A_494 = vector.broadcast %jit3A_493 : f32 to vector<512x128xf32>
    %select_n3A_495 = arith.select %eq3A_492, %broadcast_in_dim3A_494, %bitcast_convert_type3A_490 : vector<512x128xi1>, vector<512x128xf32>
    %swap3A_496 = arith.constant 0 : index
    %swap3A_497 = arith.constant 1536 : index
    %swap3A_498 = vector.load %arg10[%swap3A_496, %swap3A_497] : memref<512x2048xf32, #tpu.memory_space<vmem>>, vector<512x128xf32>
    tpu.vector_store %arg10[%swap3A_496, %swap3A_497], %select_n3A_495 {strides = array<i32>} : memref<512x2048xf32, #tpu.memory_space<vmem>>, vector<512x128xf32>,
    %max3A_499 = arith.maximumf %min3A_465, %select_n3A_495 : vector<512x128xf32>
    %min3A_500 = arith.minimumf %min3A_465, %select_n3A_495 : vector<512x128xf32>
    %min3A_501 = arith.minimumf %min3A_466, %max3A_499 : vector<512x128xf32>
    %slice3A_502 = vector.extract_strided_slice %broadcast_in_dim3A_41 {offsets = [0, 1664], sizes = [1, 128], strides = [1, 1]} : vector<1x2048xf32> to vector<1x128xf32>
    %add3A_503 = vector.broadcast %broadcast_in_dim3A_45 : vector<512x1xf32> to vector<512x128xf32>
    %add3A_504 = vector.broadcast %slice3A_502 : vector<1x128xf32> to vector<512x128xf32>
    %add3A_505 = arith.addf %add3A_503, %add3A_504 : vector<512x128xf32>
    %slice3A_506 = vector.extract_strided_slice %dot_general3A_47 {offsets = [0, 1664], sizes = [512, 128], strides = [1, 1]} : vector<512x2048xf32> to vector<512x128xf32>
    %mul3A_507 = arith.constant 2.000000e+00 : f32
    %mul3A_508 = vector.broadcast %mul3A_507 : f32 to vector<512x128xf32>
    %mul3A_509 = arith.mulf %mul3A_508, %slice3A_506 : vector<512x128xf32>
    %sub3A_510 = arith.subf %add3A_505, %mul3A_509 : vector<512x128xf32>
    %max3A_511 = arith.constant 0.000000e+00 : f32
    %max3A_512 = vector.broadcast %max3A_511 : f32 to vector<512x128xf32>
    %max3A_513 = arith.maximumf %sub3A_510, %max3A_512 : vector<512x128xf32>
    %add3A_514 = arith.constant 1.000000e+00 : f32
    %add3A_515 = vector.broadcast %add3A_514 : f32 to vector<512x128xf32>
    %add3A_516 = arith.addf %max3A_513, %add3A_515 : vector<512x128xf32>
    %add3A_517 = arith.constant 1664 : i32
    %add3A_518 = vector.broadcast %add3A_517 : i32 to vector<512x128xi32>
    %add3A_519 = arith.addi %iota3A, %add3A_518 : vector<512x128xi32>
    %bitcast_convert_type3A_520 = tpu.bitcast %add3A_516 : vector<512x128xf32> -> vector<512x128xi32>
    %and3A_521 = arith.constant -2048 : i32
    %and3A_522 = vector.broadcast %and3A_521 : i32 to vector<512x128xi32>
    %and3A_523 = arith.andi %bitcast_convert_type3A_520, %and3A_522 : vector<512x128xi32>
    %or3A_524 = arith.ori %and3A_523, %add3A_519 : vector<512x128xi32>
    %bitcast_convert_type3A_525 = tpu.bitcast %or3A_524 : vector<512x128xi32> -> vector<512x128xf32>
    %eq3A_526 = vector.broadcast %add3A_52 : vector<512x1xi32> to vector<512x128xi32>
    %eq3A_527 = arith.cmpi eq, %add3A_519, %eq3A_526 : vector<512x128xi32>
    %jit3A_528 = arith.constant 0x7F800000 : f32
    %broadcast_in_dim3A_529 = vector.broadcast %jit3A_528 : f32 to vector<512x128xf32>
    %select_n3A_530 = arith.select %eq3A_527, %broadcast_in_dim3A_529, %bitcast_convert_type3A_525 : vector<512x128xi1>, vector<512x128xf32>
    %swap3A_531 = arith.constant 0 : index
    %swap3A_532 = arith.constant 1664 : index
    %swap3A_533 = vector.load %arg10[%swap3A_531, %swap3A_532] : memref<512x2048xf32, #tpu.memory_space<vmem>>, vector<512x128xf32>
    tpu.vector_store %arg10[%swap3A_531, %swap3A_532], %select_n3A_530 {strides = array<i32>} : memref<512x2048xf32, #tpu.memory_space<vmem>>, vector<512x128xf32>,
    %max3A_534 = arith.maximumf %min3A_500, %select_n3A_530 : vector<512x128xf32>
    %min3A_535 = arith.minimumf %min3A_500, %select_n3A_530 : vector<512x128xf32>
    %min3A_536 = arith.minimumf %min3A_501, %max3A_534 : vector<512x128xf32>
    %slice3A_537 = vector.extract_strided_slice %broadcast_in_dim3A_41 {offsets = [0, 1792], sizes = [1, 128], strides = [1, 1]} : vector<1x2048xf32> to vector<1x128xf32>
    %add3A_538 = vector.broadcast %broadcast_in_dim3A_45 : vector<512x1xf32> to vector<512x128xf32>
    %add3A_539 = vector.broadcast %slice3A_537 : vector<1x128xf32> to vector<512x128xf32>
    %add3A_540 = arith.addf %add3A_538, %add3A_539 : vector<512x128xf32>
    %slice3A_541 = vector.extract_strided_slice %dot_general3A_47 {offsets = [0, 1792], sizes = [512, 128], strides = [1, 1]} : vector<512x2048xf32> to vector<512x128xf32>
    %mul3A_542 = arith.constant 2.000000e+00 : f32
    %mul3A_543 = vector.broadcast %mul3A_542 : f32 to vector<512x128xf32>
    %mul3A_544 = arith.mulf %mul3A_543, %slice3A_541 : vector<512x128xf32>
    %sub3A_545 = arith.subf %add3A_540, %mul3A_544 : vector<512x128xf32>
    %max3A_546 = arith.constant 0.000000e+00 : f32
    %max3A_547 = vector.broadcast %max3A_546 : f32 to vector<512x128xf32>
    %max3A_548 = arith.maximumf %sub3A_545, %max3A_547 : vector<512x128xf32>
    %add3A_549 = arith.constant 1.000000e+00 : f32
    %add3A_550 = vector.broadcast %add3A_549 : f32 to vector<512x128xf32>
    %add3A_551 = arith.addf %max3A_548, %add3A_550 : vector<512x128xf32>
    %add3A_552 = arith.constant 1792 : i32
    %add3A_553 = vector.broadcast %add3A_552 : i32 to vector<512x128xi32>
    %add3A_554 = arith.addi %iota3A, %add3A_553 : vector<512x128xi32>
    %bitcast_convert_type3A_555 = tpu.bitcast %add3A_551 : vector<512x128xf32> -> vector<512x128xi32>
    %and3A_556 = arith.constant -2048 : i32
    %and3A_557 = vector.broadcast %and3A_556 : i32 to vector<512x128xi32>
    %and3A_558 = arith.andi %bitcast_convert_type3A_555, %and3A_557 : vector<512x128xi32>
    %or3A_559 = arith.ori %and3A_558, %add3A_554 : vector<512x128xi32>
    %bitcast_convert_type3A_560 = tpu.bitcast %or3A_559 : vector<512x128xi32> -> vector<512x128xf32>
    %eq3A_561 = vector.broadcast %add3A_52 : vector<512x1xi32> to vector<512x128xi32>
    %eq3A_562 = arith.cmpi eq, %add3A_554, %eq3A_561 : vector<512x128xi32>
    %jit3A_563 = arith.constant 0x7F800000 : f32
    %broadcast_in_dim3A_564 = vector.broadcast %jit3A_563 : f32 to vector<512x128xf32>
    %select_n3A_565 = arith.select %eq3A_562, %broadcast_in_dim3A_564, %bitcast_convert_type3A_560 : vector<512x128xi1>, vector<512x128xf32>
    %swap3A_566 = arith.constant 0 : index
    %swap3A_567 = arith.constant 1792 : index
    %swap3A_568 = vector.load %arg10[%swap3A_566, %swap3A_567] : memref<512x2048xf32, #tpu.memory_space<vmem>>, vector<512x128xf32>
    tpu.vector_store %arg10[%swap3A_566, %swap3A_567], %select_n3A_565 {strides = array<i32>} : memref<512x2048xf32, #tpu.memory_space<vmem>>, vector<512x128xf32>,
    %max3A_569 = arith.maximumf %min3A_535, %select_n3A_565 : vector<512x128xf32>
    %min3A_570 = arith.minimumf %min3A_535, %select_n3A_565 : vector<512x128xf32>
    %min3A_571 = arith.minimumf %min3A_536, %max3A_569 : vector<512x128xf32>
    %slice3A_572 = vector.extract_strided_slice %broadcast_in_dim3A_41 {offsets = [0, 1920], sizes = [1, 128], strides = [1, 1]} : vector<1x2048xf32> to vector<1x128xf32>
    %add3A_573 = vector.broadcast %broadcast_in_dim3A_45 : vector<512x1xf32> to vector<512x128xf32>
    %add3A_574 = vector.broadcast %slice3A_572 : vector<1x128xf32> to vector<512x128xf32>
    %add3A_575 = arith.addf %add3A_573, %add3A_574 : vector<512x128xf32>
    %slice3A_576 = vector.extract_strided_slice %dot_general3A_47 {offsets = [0, 1920], sizes = [512, 128], strides = [1, 1]} : vector<512x2048xf32> to vector<512x128xf32>
    %mul3A_577 = arith.constant 2.000000e+00 : f32
    %mul3A_578 = vector.broadcast %mul3A_577 : f32 to vector<512x128xf32>
    %mul3A_579 = arith.mulf %mul3A_578, %slice3A_576 : vector<512x128xf32>
    %sub3A_580 = arith.subf %add3A_575, %mul3A_579 : vector<512x128xf32>
    %max3A_581 = arith.constant 0.000000e+00 : f32
    %max3A_582 = vector.broadcast %max3A_581 : f32 to vector<512x128xf32>
    %max3A_583 = arith.maximumf %sub3A_580, %max3A_582 : vector<512x128xf32>
    %add3A_584 = arith.constant 1.000000e+00 : f32
    %add3A_585 = vector.broadcast %add3A_584 : f32 to vector<512x128xf32>
    %add3A_586 = arith.addf %max3A_583, %add3A_585 : vector<512x128xf32>
    %add3A_587 = arith.constant 1920 : i32
    %add3A_588 = vector.broadcast %add3A_587 : i32 to vector<512x128xi32>
    %add3A_589 = arith.addi %iota3A, %add3A_588 : vector<512x128xi32>
    %bitcast_convert_type3A_590 = tpu.bitcast %add3A_586 : vector<512x128xf32> -> vector<512x128xi32>
    %and3A_591 = arith.constant -2048 : i32
    %and3A_592 = vector.broadcast %and3A_591 : i32 to vector<512x128xi32>
    %and3A_593 = arith.andi %bitcast_convert_type3A_590, %and3A_592 : vector<512x128xi32>
    %or3A_594 = arith.ori %and3A_593, %add3A_589 : vector<512x128xi32>
    %bitcast_convert_type3A_595 = tpu.bitcast %or3A_594 : vector<512x128xi32> -> vector<512x128xf32>
    %eq3A_596 = vector.broadcast %add3A_52 : vector<512x1xi32> to vector<512x128xi32>
    %eq3A_597 = arith.cmpi eq, %add3A_589, %eq3A_596 : vector<512x128xi32>
    %jit3A_598 = arith.constant 0x7F800000 : f32
    %broadcast_in_dim3A_599 = vector.broadcast %jit3A_598 : f32 to vector<512x128xf32>
    %select_n3A_600 = arith.select %eq3A_597, %broadcast_in_dim3A_599, %bitcast_convert_type3A_595 : vector<512x128xi1>, vector<512x128xf32>
    %swap3A_601 = arith.constant 0 : index
    %swap3A_602 = arith.constant 1920 : index
    %swap3A_603 = vector.load %arg10[%swap3A_601, %swap3A_602] : memref<512x2048xf32, #tpu.memory_space<vmem>>, vector<512x128xf32>
    tpu.vector_store %arg10[%swap3A_601, %swap3A_602], %select_n3A_600 {strides = array<i32>} : memref<512x2048xf32, #tpu.memory_space<vmem>>, vector<512x128xf32>,
    %max3A_604 = arith.maximumf %min3A_570, %select_n3A_600 : vector<512x128xf32>
    %min3A_605 = arith.minimumf %min3A_570, %select_n3A_600 : vector<512x128xf32>
    %min3A_606 = arith.minimumf %min3A_571, %max3A_604 : vector<512x128xf32>
    %reduce_min3A = arith.constant dense<0x7F800000> : vector<512xf32>
    %reduce_min3A_607 = vector.multi_reduction <minimumf>, %min3A_605, %reduce_min3A [1] : vector<512x128xf32> to vector<512xf32>
    %broadcast_in_dim3A_608 = vector.shape_cast %reduce_min3A_607 : vector<512xf32> to vector<512x1xf32>
    %eq3A_609 = vector.broadcast %broadcast_in_dim3A_608 : vector<512x1xf32> to vector<512x128xf32>
    %eq3A_610 = arith.cmpf oeq, %min3A_605, %eq3A_609 : vector<512x128xf32>
    %select_n3A_611 = arith.select %eq3A_610, %min3A_606, %min3A_605 : vector<512x128xi1>, vector<512x128xf32>
    %reduce_min3A_612 = arith.constant dense<0x7F800000> : vector<512xf32>
    %reduce_min3A_613 = vector.multi_reduction <minimumf>, %select_n3A_611, %reduce_min3A_612 [1] : vector<512x128xf32> to vector<512xf32>
    %broadcast_in_dim3A_614 = vector.shape_cast %reduce_min3A_613 : vector<512xf32> to vector<512x1xf32>
    %bitcast_convert_type3A_615 = tpu.bitcast %broadcast_in_dim3A_608 : vector<512x1xf32> -> vector<512x1xi32>
    %and3A_616 = arith.constant 2047 : i32
    %and3A_617 = vector.broadcast %and3A_616 : i32 to vector<512x1xi32>
    %and3A_618 = arith.andi %bitcast_convert_type3A_615, %and3A_617 : vector<512x1xi32>
    %add3A_619 = vector.broadcast %mul3A_54 : i32 to vector<512x1xi32>
    %add3A_620 = arith.addi %and3A_618, %add3A_619 : vector<512x1xi32>
    %bitcast_convert_type3A_621 = tpu.bitcast %broadcast_in_dim3A_614 : vector<512x1xf32> -> vector<512x1xi32>
    %and3A_622 = arith.constant 2047 : i32
    %and3A_623 = vector.broadcast %and3A_622 : i32 to vector<512x1xi32>
    %and3A_624 = arith.andi %bitcast_convert_type3A_621, %and3A_623 : vector<512x1xi32>
    %add3A_625 = vector.broadcast %mul3A_54 : i32 to vector<512x1xi32>
    %add3A_626 = arith.addi %and3A_624, %add3A_625 : vector<512x1xi32>
    %get3A_627 = arith.constant 0 : index
    %get3A_628 = arith.constant 0 : index
    %get3A_629 = vector.load %arg10[%get3A_627, %get3A_628] : memref<512x2048xf32, #tpu.memory_space<vmem>>, vector<512x128xf32>
    %le3A = vector.broadcast %broadcast_in_dim3A_614 : vector<512x1xf32> to vector<512x128xf32>
    %le3A_630 = arith.cmpf ole, %get3A_629, %le3A : vector<512x128xf32>
    %jit3A_631 = arith.constant 0x7F800000 : f32
    %broadcast_in_dim3A_632 = vector.broadcast %jit3A_631 : f32 to vector<512x128xf32>
    %select_n3A_633 = arith.select %le3A_630, %broadcast_in_dim3A_632, %get3A_629 : vector<512x128xi1>, vector<512x128xf32>
    %broadcast_in_dim3A_634 = arith.constant 0x7F800000 : f32
    %broadcast_in_dim3A_635 = vector.broadcast %broadcast_in_dim3A_634 : f32 to vector<512x128xf32>
    %get3A_636 = arith.constant 0 : index
    %get3A_637 = arith.constant 128 : index
    %get3A_638 = vector.load %arg10[%get3A_636, %get3A_637] : memref<512x2048xf32, #tpu.memory_space<vmem>>, vector<512x128xf32>
    %le3A_639 = vector.broadcast %broadcast_in_dim3A_614 : vector<512x1xf32> to vector<512x128xf32>
    %le3A_640 = arith.cmpf ole, %get3A_638, %le3A_639 : vector<512x128xf32>
    %jit3A_641 = arith.constant 0x7F800000 : f32
    %broadcast_in_dim3A_642 = vector.broadcast %jit3A_641 : f32 to vector<512x128xf32>
    %select_n3A_643 = arith.select %le3A_640, %broadcast_in_dim3A_642, %get3A_638 : vector<512x128xi1>, vector<512x128xf32>
    %max3A_644 = arith.maximumf %select_n3A_633, %select_n3A_643 : vector<512x128xf32>
    %min3A_645 = arith.minimumf %select_n3A_633, %select_n3A_643 : vector<512x128xf32>
    %min3A_646 = arith.minimumf %broadcast_in_dim3A_635, %max3A_644 : vector<512x128xf32>
    %get3A_647 = arith.constant 0 : index
    %get3A_648 = arith.constant 256 : index
    %get3A_649 = vector.load %arg10[%get3A_647, %get3A_648] : memref<512x2048xf32, #tpu.memory_space<vmem>>, vector<512x128xf32>
    %le3A_650 = vector.broadcast %broadcast_in_dim3A_614 : vector<512x1xf32> to vector<512x128xf32>
    %le3A_651 = arith.cmpf ole, %get3A_649, %le3A_650 : vector<512x128xf32>
    %jit3A_652 = arith.constant 0x7F800000 : f32
    %broadcast_in_dim3A_653 = vector.broadcast %jit3A_652 : f32 to vector<512x128xf32>
    %select_n3A_654 = arith.select %le3A_651, %broadcast_in_dim3A_653, %get3A_649 : vector<512x128xi1>, vector<512x128xf32>
    %max3A_655 = arith.maximumf %min3A_645, %select_n3A_654 : vector<512x128xf32>
    %min3A_656 = arith.minimumf %min3A_645, %select_n3A_654 : vector<512x128xf32>
    %min3A_657 = arith.minimumf %min3A_646, %max3A_655 : vector<512x128xf32>
    %get3A_658 = arith.constant 0 : index
    %get3A_659 = arith.constant 384 : index
    %get3A_660 = vector.load %arg10[%get3A_658, %get3A_659] : memref<512x2048xf32, #tpu.memory_space<vmem>>, vector<512x128xf32>
    %le3A_661 = vector.broadcast %broadcast_in_dim3A_614 : vector<512x1xf32> to vector<512x128xf32>
    %le3A_662 = arith.cmpf ole, %get3A_660, %le3A_661 : vector<512x128xf32>
    %jit3A_663 = arith.constant 0x7F800000 : f32
    %broadcast_in_dim3A_664 = vector.broadcast %jit3A_663 : f32 to vector<512x128xf32>
    %select_n3A_665 = arith.select %le3A_662, %broadcast_in_dim3A_664, %get3A_660 : vector<512x128xi1>, vector<512x128xf32>
    %max3A_666 = arith.maximumf %min3A_656, %select_n3A_665 : vector<512x128xf32>
    %min3A_667 = arith.minimumf %min3A_656, %select_n3A_665 : vector<512x128xf32>
    %min3A_668 = arith.minimumf %min3A_657, %max3A_666 : vector<512x128xf32>
    %get3A_669 = arith.constant 0 : index
    %get3A_670 = arith.constant 512 : index
    %get3A_671 = vector.load %arg10[%get3A_669, %get3A_670] : memref<512x2048xf32, #tpu.memory_space<vmem>>, vector<512x128xf32>
    %le3A_672 = vector.broadcast %broadcast_in_dim3A_614 : vector<512x1xf32> to vector<512x128xf32>
    %le3A_673 = arith.cmpf ole, %get3A_671, %le3A_672 : vector<512x128xf32>
    %jit3A_674 = arith.constant 0x7F800000 : f32
    %broadcast_in_dim3A_675 = vector.broadcast %jit3A_674 : f32 to vector<512x128xf32>
    %select_n3A_676 = arith.select %le3A_673, %broadcast_in_dim3A_675, %get3A_671 : vector<512x128xi1>, vector<512x128xf32>
    %max3A_677 = arith.maximumf %min3A_667, %select_n3A_676 : vector<512x128xf32>
    %min3A_678 = arith.minimumf %min3A_667, %select_n3A_676 : vector<512x128xf32>
    %min3A_679 = arith.minimumf %min3A_668, %max3A_677 : vector<512x128xf32>
    %get3A_680 = arith.constant 0 : index
    %get3A_681 = arith.constant 640 : index
    %get3A_682 = vector.load %arg10[%get3A_680, %get3A_681] : memref<512x2048xf32, #tpu.memory_space<vmem>>, vector<512x128xf32>
    %le3A_683 = vector.broadcast %broadcast_in_dim3A_614 : vector<512x1xf32> to vector<512x128xf32>
    %le3A_684 = arith.cmpf ole, %get3A_682, %le3A_683 : vector<512x128xf32>
    %jit3A_685 = arith.constant 0x7F800000 : f32
    %broadcast_in_dim3A_686 = vector.broadcast %jit3A_685 : f32 to vector<512x128xf32>
    %select_n3A_687 = arith.select %le3A_684, %broadcast_in_dim3A_686, %get3A_682 : vector<512x128xi1>, vector<512x128xf32>
    %max3A_688 = arith.maximumf %min3A_678, %select_n3A_687 : vector<512x128xf32>
    %min3A_689 = arith.minimumf %min3A_678, %select_n3A_687 : vector<512x128xf32>
    %min3A_690 = arith.minimumf %min3A_679, %max3A_688 : vector<512x128xf32>
    %get3A_691 = arith.constant 0 : index
    %get3A_692 = arith.constant 768 : index
    %get3A_693 = vector.load %arg10[%get3A_691, %get3A_692] : memref<512x2048xf32, #tpu.memory_space<vmem>>, vector<512x128xf32>
    %le3A_694 = vector.broadcast %broadcast_in_dim3A_614 : vector<512x1xf32> to vector<512x128xf32>
    %le3A_695 = arith.cmpf ole, %get3A_693, %le3A_694 : vector<512x128xf32>
    %jit3A_696 = arith.constant 0x7F800000 : f32
    %broadcast_in_dim3A_697 = vector.broadcast %jit3A_696 : f32 to vector<512x128xf32>
    %select_n3A_698 = arith.select %le3A_695, %broadcast_in_dim3A_697, %get3A_693 : vector<512x128xi1>, vector<512x128xf32>
    %max3A_699 = arith.maximumf %min3A_689, %select_n3A_698 : vector<512x128xf32>
    %min3A_700 = arith.minimumf %min3A_689, %select_n3A_698 : vector<512x128xf32>
    %min3A_701 = arith.minimumf %min3A_690, %max3A_699 : vector<512x128xf32>
    %get3A_702 = arith.constant 0 : index
    %get3A_703 = arith.constant 896 : index
    %get3A_704 = vector.load %arg10[%get3A_702, %get3A_703] : memref<512x2048xf32, #tpu.memory_space<vmem>>, vector<512x128xf32>
    %le3A_705 = vector.broadcast %broadcast_in_dim3A_614 : vector<512x1xf32> to vector<512x128xf32>
    %le3A_706 = arith.cmpf ole, %get3A_704, %le3A_705 : vector<512x128xf32>
    %jit3A_707 = arith.constant 0x7F800000 : f32
    %broadcast_in_dim3A_708 = vector.broadcast %jit3A_707 : f32 to vector<512x128xf32>
    %select_n3A_709 = arith.select %le3A_706, %broadcast_in_dim3A_708, %get3A_704 : vector<512x128xi1>, vector<512x128xf32>
    %max3A_710 = arith.maximumf %min3A_700, %select_n3A_709 : vector<512x128xf32>
    %min3A_711 = arith.minimumf %min3A_700, %select_n3A_709 : vector<512x128xf32>
    %min3A_712 = arith.minimumf %min3A_701, %max3A_710 : vector<512x128xf32>
    %get3A_713 = arith.constant 0 : index
    %get3A_714 = arith.constant 1024 : index
    %get3A_715 = vector.load %arg10[%get3A_713, %get3A_714] : memref<512x2048xf32, #tpu.memory_space<vmem>>, vector<512x128xf32>
    %le3A_716 = vector.broadcast %broadcast_in_dim3A_614 : vector<512x1xf32> to vector<512x128xf32>
    %le3A_717 = arith.cmpf ole, %get3A_715, %le3A_716 : vector<512x128xf32>
    %jit3A_718 = arith.constant 0x7F800000 : f32
    %broadcast_in_dim3A_719 = vector.broadcast %jit3A_718 : f32 to vector<512x128xf32>
    %select_n3A_720 = arith.select %le3A_717, %broadcast_in_dim3A_719, %get3A_715 : vector<512x128xi1>, vector<512x128xf32>
    %max3A_721 = arith.maximumf %min3A_711, %select_n3A_720 : vector<512x128xf32>
    %min3A_722 = arith.minimumf %min3A_711, %select_n3A_720 : vector<512x128xf32>
    %min3A_723 = arith.minimumf %min3A_712, %max3A_721 : vector<512x128xf32>
    %get3A_724 = arith.constant 0 : index
    %get3A_725 = arith.constant 1152 : index
    %get3A_726 = vector.load %arg10[%get3A_724, %get3A_725] : memref<512x2048xf32, #tpu.memory_space<vmem>>, vector<512x128xf32>
    %le3A_727 = vector.broadcast %broadcast_in_dim3A_614 : vector<512x1xf32> to vector<512x128xf32>
    %le3A_728 = arith.cmpf ole, %get3A_726, %le3A_727 : vector<512x128xf32>
    %jit3A_729 = arith.constant 0x7F800000 : f32
    %broadcast_in_dim3A_730 = vector.broadcast %jit3A_729 : f32 to vector<512x128xf32>
    %select_n3A_731 = arith.select %le3A_728, %broadcast_in_dim3A_730, %get3A_726 : vector<512x128xi1>, vector<512x128xf32>
    %max3A_732 = arith.maximumf %min3A_722, %select_n3A_731 : vector<512x128xf32>
    %min3A_733 = arith.minimumf %min3A_722, %select_n3A_731 : vector<512x128xf32>
    %min3A_734 = arith.minimumf %min3A_723, %max3A_732 : vector<512x128xf32>
    %get3A_735 = arith.constant 0 : index
    %get3A_736 = arith.constant 1280 : index
    %get3A_737 = vector.load %arg10[%get3A_735, %get3A_736] : memref<512x2048xf32, #tpu.memory_space<vmem>>, vector<512x128xf32>
    %le3A_738 = vector.broadcast %broadcast_in_dim3A_614 : vector<512x1xf32> to vector<512x128xf32>
    %le3A_739 = arith.cmpf ole, %get3A_737, %le3A_738 : vector<512x128xf32>
    %jit3A_740 = arith.constant 0x7F800000 : f32
    %broadcast_in_dim3A_741 = vector.broadcast %jit3A_740 : f32 to vector<512x128xf32>
    %select_n3A_742 = arith.select %le3A_739, %broadcast_in_dim3A_741, %get3A_737 : vector<512x128xi1>, vector<512x128xf32>
    %max3A_743 = arith.maximumf %min3A_733, %select_n3A_742 : vector<512x128xf32>
    %min3A_744 = arith.minimumf %min3A_733, %select_n3A_742 : vector<512x128xf32>
    %min3A_745 = arith.minimumf %min3A_734, %max3A_743 : vector<512x128xf32>
    %get3A_746 = arith.constant 0 : index
    %get3A_747 = arith.constant 1408 : index
    %get3A_748 = vector.load %arg10[%get3A_746, %get3A_747] : memref<512x2048xf32, #tpu.memory_space<vmem>>, vector<512x128xf32>
    %le3A_749 = vector.broadcast %broadcast_in_dim3A_614 : vector<512x1xf32> to vector<512x128xf32>
    %le3A_750 = arith.cmpf ole, %get3A_748, %le3A_749 : vector<512x128xf32>
    %jit3A_751 = arith.constant 0x7F800000 : f32
    %broadcast_in_dim3A_752 = vector.broadcast %jit3A_751 : f32 to vector<512x128xf32>
    %select_n3A_753 = arith.select %le3A_750, %broadcast_in_dim3A_752, %get3A_748 : vector<512x128xi1>, vector<512x128xf32>
    %max3A_754 = arith.maximumf %min3A_744, %select_n3A_753 : vector<512x128xf32>
    %min3A_755 = arith.minimumf %min3A_744, %select_n3A_753 : vector<512x128xf32>
    %min3A_756 = arith.minimumf %min3A_745, %max3A_754 : vector<512x128xf32>
    %get3A_757 = arith.constant 0 : index
    %get3A_758 = arith.constant 1536 : index
    %get3A_759 = vector.load %arg10[%get3A_757, %get3A_758] : memref<512x2048xf32, #tpu.memory_space<vmem>>, vector<512x128xf32>
    %le3A_760 = vector.broadcast %broadcast_in_dim3A_614 : vector<512x1xf32> to vector<512x128xf32>
    %le3A_761 = arith.cmpf ole, %get3A_759, %le3A_760 : vector<512x128xf32>
    %jit3A_762 = arith.constant 0x7F800000 : f32
    %broadcast_in_dim3A_763 = vector.broadcast %jit3A_762 : f32 to vector<512x128xf32>
    %select_n3A_764 = arith.select %le3A_761, %broadcast_in_dim3A_763, %get3A_759 : vector<512x128xi1>, vector<512x128xf32>
    %max3A_765 = arith.maximumf %min3A_755, %select_n3A_764 : vector<512x128xf32>
    %min3A_766 = arith.minimumf %min3A_755, %select_n3A_764 : vector<512x128xf32>
    %min3A_767 = arith.minimumf %min3A_756, %max3A_765 : vector<512x128xf32>
    %get3A_768 = arith.constant 0 : index
    %get3A_769 = arith.constant 1664 : index
    %get3A_770 = vector.load %arg10[%get3A_768, %get3A_769] : memref<512x2048xf32, #tpu.memory_space<vmem>>, vector<512x128xf32>
    %le3A_771 = vector.broadcast %broadcast_in_dim3A_614 : vector<512x1xf32> to vector<512x128xf32>
    %le3A_772 = arith.cmpf ole, %get3A_770, %le3A_771 : vector<512x128xf32>
    %jit3A_773 = arith.constant 0x7F800000 : f32
    %broadcast_in_dim3A_774 = vector.broadcast %jit3A_773 : f32 to vector<512x128xf32>
    %select_n3A_775 = arith.select %le3A_772, %broadcast_in_dim3A_774, %get3A_770 : vector<512x128xi1>, vector<512x128xf32>
    %max3A_776 = arith.maximumf %min3A_766, %select_n3A_775 : vector<512x128xf32>
    %min3A_777 = arith.minimumf %min3A_766, %select_n3A_775 : vector<512x128xf32>
    %min3A_778 = arith.minimumf %min3A_767, %max3A_776 : vector<512x128xf32>
    %get3A_779 = arith.constant 0 : index
    %get3A_780 = arith.constant 1792 : index
    %get3A_781 = vector.load %arg10[%get3A_779, %get3A_780] : memref<512x2048xf32, #tpu.memory_space<vmem>>, vector<512x128xf32>
    %le3A_782 = vector.broadcast %broadcast_in_dim3A_614 : vector<512x1xf32> to vector<512x128xf32>
    %le3A_783 = arith.cmpf ole, %get3A_781, %le3A_782 : vector<512x128xf32>
    %jit3A_784 = arith.constant 0x7F800000 : f32
    %broadcast_in_dim3A_785 = vector.broadcast %jit3A_784 : f32 to vector<512x128xf32>
    %select_n3A_786 = arith.select %le3A_783, %broadcast_in_dim3A_785, %get3A_781 : vector<512x128xi1>, vector<512x128xf32>
    %max3A_787 = arith.maximumf %min3A_777, %select_n3A_786 : vector<512x128xf32>
    %min3A_788 = arith.minimumf %min3A_777, %select_n3A_786 : vector<512x128xf32>
    %min3A_789 = arith.minimumf %min3A_778, %max3A_787 : vector<512x128xf32>
    %get3A_790 = arith.constant 0 : index
    %get3A_791 = arith.constant 1920 : index
    %get3A_792 = vector.load %arg10[%get3A_790, %get3A_791] : memref<512x2048xf32, #tpu.memory_space<vmem>>, vector<512x128xf32>
    %le3A_793 = vector.broadcast %broadcast_in_dim3A_614 : vector<512x1xf32> to vector<512x128xf32>
    %le3A_794 = arith.cmpf ole, %get3A_792, %le3A_793 : vector<512x128xf32>
    %jit3A_795 = arith.constant 0x7F800000 : f32
    %broadcast_in_dim3A_796 = vector.broadcast %jit3A_795 : f32 to vector<512x128xf32>
    %select_n3A_797 = arith.select %le3A_794, %broadcast_in_dim3A_796, %get3A_792 : vector<512x128xi1>, vector<512x128xf32>
    %max3A_798 = arith.maximumf %min3A_788, %select_n3A_797 : vector<512x128xf32>
    %min3A_799 = arith.minimumf %min3A_788, %select_n3A_797 : vector<512x128xf32>
    %min3A_800 = arith.minimumf %min3A_789, %max3A_798 : vector<512x128xf32>
    %reduce_min3A_801 = arith.constant dense<0x7F800000> : vector<512xf32>
    %reduce_min3A_802 = vector.multi_reduction <minimumf>, %min3A_799, %reduce_min3A_801 [1] : vector<512x128xf32> to vector<512xf32>
    %broadcast_in_dim3A_803 = vector.shape_cast %reduce_min3A_802 : vector<512xf32> to vector<512x1xf32>
    %eq3A_804 = vector.broadcast %broadcast_in_dim3A_803 : vector<512x1xf32> to vector<512x128xf32>
    %eq3A_805 = arith.cmpf oeq, %min3A_799, %eq3A_804 : vector<512x128xf32>
    %select_n3A_806 = arith.select %eq3A_805, %min3A_800, %min3A_799 : vector<512x128xi1>, vector<512x128xf32>
    %reduce_min3A_807 = arith.constant dense<0x7F800000> : vector<512xf32>
    %reduce_min3A_808 = vector.multi_reduction <minimumf>, %select_n3A_806, %reduce_min3A_807 [1] : vector<512x128xf32> to vector<512xf32>
    %broadcast_in_dim3A_809 = vector.shape_cast %reduce_min3A_808 : vector<512xf32> to vector<512x1xf32>
    %bitcast_convert_type3A_810 = tpu.bitcast %broadcast_in_dim3A_803 : vector<512x1xf32> -> vector<512x1xi32>
    %and3A_811 = arith.constant 2047 : i32
    %and3A_812 = vector.broadcast %and3A_811 : i32 to vector<512x1xi32>
    %and3A_813 = arith.andi %bitcast_convert_type3A_810, %and3A_812 : vector<512x1xi32>
    %add3A_814 = vector.broadcast %mul3A_54 : i32 to vector<512x1xi32>
    %add3A_815 = arith.addi %and3A_813, %add3A_814 : vector<512x1xi32>
    %bitcast_convert_type3A_816 = tpu.bitcast %broadcast_in_dim3A_809 : vector<512x1xf32> -> vector<512x1xi32>
    %and3A_817 = arith.constant 2047 : i32
    %and3A_818 = vector.broadcast %and3A_817 : i32 to vector<512x1xi32>
    %and3A_819 = arith.andi %bitcast_convert_type3A_816, %and3A_818 : vector<512x1xi32>
    %add3A_820 = vector.broadcast %mul3A_54 : i32 to vector<512x1xi32>
    %add3A_821 = arith.addi %and3A_819, %add3A_820 : vector<512x1xi32>
    %get3A_822 = arith.constant 0 : index
    %get3A_823 = arith.constant 0 : index
    %get3A_824 = vector.load %arg10[%get3A_822, %get3A_823] : memref<512x2048xf32, #tpu.memory_space<vmem>>, vector<512x128xf32>
    %le3A_825 = vector.broadcast %broadcast_in_dim3A_809 : vector<512x1xf32> to vector<512x128xf32>
    %le3A_826 = arith.cmpf ole, %get3A_824, %le3A_825 : vector<512x128xf32>
    %jit3A_827 = arith.constant 0x7F800000 : f32
    %broadcast_in_dim3A_828 = vector.broadcast %jit3A_827 : f32 to vector<512x128xf32>
    %select_n3A_829 = arith.select %le3A_826, %broadcast_in_dim3A_828, %get3A_824 : vector<512x128xi1>, vector<512x128xf32>
    %broadcast_in_dim3A_830 = arith.constant 0x7F800000 : f32
    %broadcast_in_dim3A_831 = vector.broadcast %broadcast_in_dim3A_830 : f32 to vector<512x128xf32>
    %get3A_832 = arith.constant 0 : index
    %get3A_833 = arith.constant 128 : index
    %get3A_834 = vector.load %arg10[%get3A_832, %get3A_833] : memref<512x2048xf32, #tpu.memory_space<vmem>>, vector<512x128xf32>
    %le3A_835 = vector.broadcast %broadcast_in_dim3A_809 : vector<512x1xf32> to vector<512x128xf32>
    %le3A_836 = arith.cmpf ole, %get3A_834, %le3A_835 : vector<512x128xf32>
    %jit3A_837 = arith.constant 0x7F800000 : f32
    %broadcast_in_dim3A_838 = vector.broadcast %jit3A_837 : f32 to vector<512x128xf32>
    %select_n3A_839 = arith.select %le3A_836, %broadcast_in_dim3A_838, %get3A_834 : vector<512x128xi1>, vector<512x128xf32>
    %max3A_840 = arith.maximumf %select_n3A_829, %select_n3A_839 : vector<512x128xf32>
    %min3A_841 = arith.minimumf %select_n3A_829, %select_n3A_839 : vector<512x128xf32>
    %min3A_842 = arith.minimumf %broadcast_in_dim3A_831, %max3A_840 : vector<512x128xf32>
    %get3A_843 = arith.constant 0 : index
    %get3A_844 = arith.constant 256 : index
    %get3A_845 = vector.load %arg10[%get3A_843, %get3A_844] : memref<512x2048xf32, #tpu.memory_space<vmem>>, vector<512x128xf32>
    %le3A_846 = vector.broadcast %broadcast_in_dim3A_809 : vector<512x1xf32> to vector<512x128xf32>
    %le3A_847 = arith.cmpf ole, %get3A_845, %le3A_846 : vector<512x128xf32>
    %jit3A_848 = arith.constant 0x7F800000 : f32
    %broadcast_in_dim3A_849 = vector.broadcast %jit3A_848 : f32 to vector<512x128xf32>
    %select_n3A_850 = arith.select %le3A_847, %broadcast_in_dim3A_849, %get3A_845 : vector<512x128xi1>, vector<512x128xf32>
    %max3A_851 = arith.maximumf %min3A_841, %select_n3A_850 : vector<512x128xf32>
    %min3A_852 = arith.minimumf %min3A_841, %select_n3A_850 : vector<512x128xf32>
    %min3A_853 = arith.minimumf %min3A_842, %max3A_851 : vector<512x128xf32>
    %get3A_854 = arith.constant 0 : index
    %get3A_855 = arith.constant 384 : index
    %get3A_856 = vector.load %arg10[%get3A_854, %get3A_855] : memref<512x2048xf32, #tpu.memory_space<vmem>>, vector<512x128xf32>
    %le3A_857 = vector.broadcast %broadcast_in_dim3A_809 : vector<512x1xf32> to vector<512x128xf32>
    %le3A_858 = arith.cmpf ole, %get3A_856, %le3A_857 : vector<512x128xf32>
    %jit3A_859 = arith.constant 0x7F800000 : f32
    %broadcast_in_dim3A_860 = vector.broadcast %jit3A_859 : f32 to vector<512x128xf32>
    %select_n3A_861 = arith.select %le3A_858, %broadcast_in_dim3A_860, %get3A_856 : vector<512x128xi1>, vector<512x128xf32>
    %max3A_862 = arith.maximumf %min3A_852, %select_n3A_861 : vector<512x128xf32>
    %min3A_863 = arith.minimumf %min3A_852, %select_n3A_861 : vector<512x128xf32>
    %min3A_864 = arith.minimumf %min3A_853, %max3A_862 : vector<512x128xf32>
    %get3A_865 = arith.constant 0 : index
    %get3A_866 = arith.constant 512 : index
    %get3A_867 = vector.load %arg10[%get3A_865, %get3A_866] : memref<512x2048xf32, #tpu.memory_space<vmem>>, vector<512x128xf32>
    %le3A_868 = vector.broadcast %broadcast_in_dim3A_809 : vector<512x1xf32> to vector<512x128xf32>
    %le3A_869 = arith.cmpf ole, %get3A_867, %le3A_868 : vector<512x128xf32>
    %jit3A_870 = arith.constant 0x7F800000 : f32
    %broadcast_in_dim3A_871 = vector.broadcast %jit3A_870 : f32 to vector<512x128xf32>
    %select_n3A_872 = arith.select %le3A_869, %broadcast_in_dim3A_871, %get3A_867 : vector<512x128xi1>, vector<512x128xf32>
    %max3A_873 = arith.maximumf %min3A_863, %select_n3A_872 : vector<512x128xf32>
    %min3A_874 = arith.minimumf %min3A_863, %select_n3A_872 : vector<512x128xf32>
    %min3A_875 = arith.minimumf %min3A_864, %max3A_873 : vector<512x128xf32>
    %get3A_876 = arith.constant 0 : index
    %get3A_877 = arith.constant 640 : index
    %get3A_878 = vector.load %arg10[%get3A_876, %get3A_877] : memref<512x2048xf32, #tpu.memory_space<vmem>>, vector<512x128xf32>
    %le3A_879 = vector.broadcast %broadcast_in_dim3A_809 : vector<512x1xf32> to vector<512x128xf32>
    %le3A_880 = arith.cmpf ole, %get3A_878, %le3A_879 : vector<512x128xf32>
    %jit3A_881 = arith.constant 0x7F800000 : f32
    %broadcast_in_dim3A_882 = vector.broadcast %jit3A_881 : f32 to vector<512x128xf32>
    %select_n3A_883 = arith.select %le3A_880, %broadcast_in_dim3A_882, %get3A_878 : vector<512x128xi1>, vector<512x128xf32>
    %max3A_884 = arith.maximumf %min3A_874, %select_n3A_883 : vector<512x128xf32>
    %min3A_885 = arith.minimumf %min3A_874, %select_n3A_883 : vector<512x128xf32>
    %min3A_886 = arith.minimumf %min3A_875, %max3A_884 : vector<512x128xf32>
    %get3A_887 = arith.constant 0 : index
    %get3A_888 = arith.constant 768 : index
    %get3A_889 = vector.load %arg10[%get3A_887, %get3A_888] : memref<512x2048xf32, #tpu.memory_space<vmem>>, vector<512x128xf32>
    %le3A_890 = vector.broadcast %broadcast_in_dim3A_809 : vector<512x1xf32> to vector<512x128xf32>
    %le3A_891 = arith.cmpf ole, %get3A_889, %le3A_890 : vector<512x128xf32>
    %jit3A_892 = arith.constant 0x7F800000 : f32
    %broadcast_in_dim3A_893 = vector.broadcast %jit3A_892 : f32 to vector<512x128xf32>
    %select_n3A_894 = arith.select %le3A_891, %broadcast_in_dim3A_893, %get3A_889 : vector<512x128xi1>, vector<512x128xf32>
    %max3A_895 = arith.maximumf %min3A_885, %select_n3A_894 : vector<512x128xf32>
    %min3A_896 = arith.minimumf %min3A_885, %select_n3A_894 : vector<512x128xf32>
    %min3A_897 = arith.minimumf %min3A_886, %max3A_895 : vector<512x128xf32>
    %get3A_898 = arith.constant 0 : index
    %get3A_899 = arith.constant 896 : index
    %get3A_900 = vector.load %arg10[%get3A_898, %get3A_899] : memref<512x2048xf32, #tpu.memory_space<vmem>>, vector<512x128xf32>
    %le3A_901 = vector.broadcast %broadcast_in_dim3A_809 : vector<512x1xf32> to vector<512x128xf32>
    %le3A_902 = arith.cmpf ole, %get3A_900, %le3A_901 : vector<512x128xf32>
    %jit3A_903 = arith.constant 0x7F800000 : f32
    %broadcast_in_dim3A_904 = vector.broadcast %jit3A_903 : f32 to vector<512x128xf32>
    %select_n3A_905 = arith.select %le3A_902, %broadcast_in_dim3A_904, %get3A_900 : vector<512x128xi1>, vector<512x128xf32>
    %max3A_906 = arith.maximumf %min3A_896, %select_n3A_905 : vector<512x128xf32>
    %min3A_907 = arith.minimumf %min3A_896, %select_n3A_905 : vector<512x128xf32>
    %min3A_908 = arith.minimumf %min3A_897, %max3A_906 : vector<512x128xf32>
    %get3A_909 = arith.constant 0 : index
    %get3A_910 = arith.constant 1024 : index
    %get3A_911 = vector.load %arg10[%get3A_909, %get3A_910] : memref<512x2048xf32, #tpu.memory_space<vmem>>, vector<512x128xf32>
    %le3A_912 = vector.broadcast %broadcast_in_dim3A_809 : vector<512x1xf32> to vector<512x128xf32>
    %le3A_913 = arith.cmpf ole, %get3A_911, %le3A_912 : vector<512x128xf32>
    %jit3A_914 = arith.constant 0x7F800000 : f32
    %broadcast_in_dim3A_915 = vector.broadcast %jit3A_914 : f32 to vector<512x128xf32>
    %select_n3A_916 = arith.select %le3A_913, %broadcast_in_dim3A_915, %get3A_911 : vector<512x128xi1>, vector<512x128xf32>
    %max3A_917 = arith.maximumf %min3A_907, %select_n3A_916 : vector<512x128xf32>
    %min3A_918 = arith.minimumf %min3A_907, %select_n3A_916 : vector<512x128xf32>
    %min3A_919 = arith.minimumf %min3A_908, %max3A_917 : vector<512x128xf32>
    %get3A_920 = arith.constant 0 : index
    %get3A_921 = arith.constant 1152 : index
    %get3A_922 = vector.load %arg10[%get3A_920, %get3A_921] : memref<512x2048xf32, #tpu.memory_space<vmem>>, vector<512x128xf32>
    %le3A_923 = vector.broadcast %broadcast_in_dim3A_809 : vector<512x1xf32> to vector<512x128xf32>
    %le3A_924 = arith.cmpf ole, %get3A_922, %le3A_923 : vector<512x128xf32>
    %jit3A_925 = arith.constant 0x7F800000 : f32
    %broadcast_in_dim3A_926 = vector.broadcast %jit3A_925 : f32 to vector<512x128xf32>
    %select_n3A_927 = arith.select %le3A_924, %broadcast_in_dim3A_926, %get3A_922 : vector<512x128xi1>, vector<512x128xf32>
    %max3A_928 = arith.maximumf %min3A_918, %select_n3A_927 : vector<512x128xf32>
    %min3A_929 = arith.minimumf %min3A_918, %select_n3A_927 : vector<512x128xf32>
    %min3A_930 = arith.minimumf %min3A_919, %max3A_928 : vector<512x128xf32>
    %get3A_931 = arith.constant 0 : index
    %get3A_932 = arith.constant 1280 : index
    %get3A_933 = vector.load %arg10[%get3A_931, %get3A_932] : memref<512x2048xf32, #tpu.memory_space<vmem>>, vector<512x128xf32>
    %le3A_934 = vector.broadcast %broadcast_in_dim3A_809 : vector<512x1xf32> to vector<512x128xf32>
    %le3A_935 = arith.cmpf ole, %get3A_933, %le3A_934 : vector<512x128xf32>
    %jit3A_936 = arith.constant 0x7F800000 : f32
    %broadcast_in_dim3A_937 = vector.broadcast %jit3A_936 : f32 to vector<512x128xf32>
    %select_n3A_938 = arith.select %le3A_935, %broadcast_in_dim3A_937, %get3A_933 : vector<512x128xi1>, vector<512x128xf32>
    %max3A_939 = arith.maximumf %min3A_929, %select_n3A_938 : vector<512x128xf32>
    %min3A_940 = arith.minimumf %min3A_929, %select_n3A_938 : vector<512x128xf32>
    %min3A_941 = arith.minimumf %min3A_930, %max3A_939 : vector<512x128xf32>
    %get3A_942 = arith.constant 0 : index
    %get3A_943 = arith.constant 1408 : index
    %get3A_944 = vector.load %arg10[%get3A_942, %get3A_943] : memref<512x2048xf32, #tpu.memory_space<vmem>>, vector<512x128xf32>
    %le3A_945 = vector.broadcast %broadcast_in_dim3A_809 : vector<512x1xf32> to vector<512x128xf32>
    %le3A_946 = arith.cmpf ole, %get3A_944, %le3A_945 : vector<512x128xf32>
    %jit3A_947 = arith.constant 0x7F800000 : f32
    %broadcast_in_dim3A_948 = vector.broadcast %jit3A_947 : f32 to vector<512x128xf32>
    %select_n3A_949 = arith.select %le3A_946, %broadcast_in_dim3A_948, %get3A_944 : vector<512x128xi1>, vector<512x128xf32>
    %max3A_950 = arith.maximumf %min3A_940, %select_n3A_949 : vector<512x128xf32>
    %min3A_951 = arith.minimumf %min3A_940, %select_n3A_949 : vector<512x128xf32>
    %min3A_952 = arith.minimumf %min3A_941, %max3A_950 : vector<512x128xf32>
    %get3A_953 = arith.constant 0 : index
    %get3A_954 = arith.constant 1536 : index
    %get3A_955 = vector.load %arg10[%get3A_953, %get3A_954] : memref<512x2048xf32, #tpu.memory_space<vmem>>, vector<512x128xf32>
    %le3A_956 = vector.broadcast %broadcast_in_dim3A_809 : vector<512x1xf32> to vector<512x128xf32>
    %le3A_957 = arith.cmpf ole, %get3A_955, %le3A_956 : vector<512x128xf32>
    %jit3A_958 = arith.constant 0x7F800000 : f32
    %broadcast_in_dim3A_959 = vector.broadcast %jit3A_958 : f32 to vector<512x128xf32>
    %select_n3A_960 = arith.select %le3A_957, %broadcast_in_dim3A_959, %get3A_955 : vector<512x128xi1>, vector<512x128xf32>
    %max3A_961 = arith.maximumf %min3A_951, %select_n3A_960 : vector<512x128xf32>
    %min3A_962 = arith.minimumf %min3A_951, %select_n3A_960 : vector<512x128xf32>
    %min3A_963 = arith.minimumf %min3A_952, %max3A_961 : vector<512x128xf32>
    %get3A_964 = arith.constant 0 : index
    %get3A_965 = arith.constant 1664 : index
    %get3A_966 = vector.load %arg10[%get3A_964, %get3A_965] : memref<512x2048xf32, #tpu.memory_space<vmem>>, vector<512x128xf32>
    %le3A_967 = vector.broadcast %broadcast_in_dim3A_809 : vector<512x1xf32> to vector<512x128xf32>
    %le3A_968 = arith.cmpf ole, %get3A_966, %le3A_967 : vector<512x128xf32>
    %jit3A_969 = arith.constant 0x7F800000 : f32
    %broadcast_in_dim3A_970 = vector.broadcast %jit3A_969 : f32 to vector<512x128xf32>
    %select_n3A_971 = arith.select %le3A_968, %broadcast_in_dim3A_970, %get3A_966 : vector<512x128xi1>, vector<512x128xf32>
    %max3A_972 = arith.maximumf %min3A_962, %select_n3A_971 : vector<512x128xf32>
    %min3A_973 = arith.minimumf %min3A_962, %select_n3A_971 : vector<512x128xf32>
    %min3A_974 = arith.minimumf %min3A_963, %max3A_972 : vector<512x128xf32>
    %get3A_975 = arith.constant 0 : index
    %get3A_976 = arith.constant 1792 : index
    %get3A_977 = vector.load %arg10[%get3A_975, %get3A_976] : memref<512x2048xf32, #tpu.memory_space<vmem>>, vector<512x128xf32>
    %le3A_978 = vector.broadcast %broadcast_in_dim3A_809 : vector<512x1xf32> to vector<512x128xf32>
    %le3A_979 = arith.cmpf ole, %get3A_977, %le3A_978 : vector<512x128xf32>
    %jit3A_980 = arith.constant 0x7F800000 : f32
    %broadcast_in_dim3A_981 = vector.broadcast %jit3A_980 : f32 to vector<512x128xf32>
    %select_n3A_982 = arith.select %le3A_979, %broadcast_in_dim3A_981, %get3A_977 : vector<512x128xi1>, vector<512x128xf32>
    %max3A_983 = arith.maximumf %min3A_973, %select_n3A_982 : vector<512x128xf32>
    %min3A_984 = arith.minimumf %min3A_973, %select_n3A_982 : vector<512x128xf32>
    %min3A_985 = arith.minimumf %min3A_974, %max3A_983 : vector<512x128xf32>
    %get3A_986 = arith.constant 0 : index
    %get3A_987 = arith.constant 1920 : index
    %get3A_988 = vector.load %arg10[%get3A_986, %get3A_987] : memref<512x2048xf32, #tpu.memory_space<vmem>>, vector<512x128xf32>
    %le3A_989 = vector.broadcast %broadcast_in_dim3A_809 : vector<512x1xf32> to vector<512x128xf32>
    %le3A_990 = arith.cmpf ole, %get3A_988, %le3A_989 : vector<512x128xf32>
    %jit3A_991 = arith.constant 0x7F800000 : f32
    %broadcast_in_dim3A_992 = vector.broadcast %jit3A_991 : f32 to vector<512x128xf32>
    %select_n3A_993 = arith.select %le3A_990, %broadcast_in_dim3A_992, %get3A_988 : vector<512x128xi1>, vector<512x128xf32>
    %max3A_994 = arith.maximumf %min3A_984, %select_n3A_993 : vector<512x128xf32>
    %min3A_995 = arith.minimumf %min3A_984, %select_n3A_993 : vector<512x128xf32>
    %min3A_996 = arith.minimumf %min3A_985, %max3A_994 : vector<512x128xf32>
    %reduce_min3A_997 = arith.constant dense<0x7F800000> : vector<512xf32>
    %reduce_min3A_998 = vector.multi_reduction <minimumf>, %min3A_995, %reduce_min3A_997 [1] : vector<512x128xf32> to vector<512xf32>
    %broadcast_in_dim3A_999 = vector.shape_cast %reduce_min3A_998 : vector<512xf32> to vector<512x1xf32>
    %eq3A_1000 = vector.broadcast %broadcast_in_dim3A_999 : vector<512x1xf32> to vector<512x128xf32>
    %eq3A_1001 = arith.cmpf oeq, %min3A_995, %eq3A_1000 : vector<512x128xf32>
    %select_n3A_1002 = arith.select %eq3A_1001, %min3A_996, %min3A_995 : vector<512x128xi1>, vector<512x128xf32>
    %reduce_min3A_1003 = arith.constant dense<0x7F800000> : vector<512xf32>
    %reduce_min3A_1004 = vector.multi_reduction <minimumf>, %select_n3A_1002, %reduce_min3A_1003 [1] : vector<512x128xf32> to vector<512xf32>
    %broadcast_in_dim3A_1005 = vector.shape_cast %reduce_min3A_1004 : vector<512xf32> to vector<512x1xf32>
    %bitcast_convert_type3A_1006 = tpu.bitcast %broadcast_in_dim3A_999 : vector<512x1xf32> -> vector<512x1xi32>
    %and3A_1007 = arith.constant 2047 : i32
    %and3A_1008 = vector.broadcast %and3A_1007 : i32 to vector<512x1xi32>
    %and3A_1009 = arith.andi %bitcast_convert_type3A_1006, %and3A_1008 : vector<512x1xi32>
    %add3A_1010 = vector.broadcast %mul3A_54 : i32 to vector<512x1xi32>
    %add3A_1011 = arith.addi %and3A_1009, %add3A_1010 : vector<512x1xi32>
    %bitcast_convert_type3A_1012 = tpu.bitcast %broadcast_in_dim3A_1005 : vector<512x1xf32> -> vector<512x1xi32>
    %and3A_1013 = arith.constant 2047 : i32
    %and3A_1014 = vector.broadcast %and3A_1013 : i32 to vector<512x1xi32>
    %and3A_1015 = arith.andi %bitcast_convert_type3A_1012, %and3A_1014 : vector<512x1xi32>
    %add3A_1016 = vector.broadcast %mul3A_54 : i32 to vector<512x1xi32>
    %add3A_1017 = arith.addi %and3A_1015, %add3A_1016 : vector<512x1xi32>
    %get3A_1018 = arith.constant 0 : index
    %get3A_1019 = arith.constant 0 : index
    %get3A_1020 = vector.load %arg10[%get3A_1018, %get3A_1019] : memref<512x2048xf32, #tpu.memory_space<vmem>>, vector<512x128xf32>
    %le3A_1021 = vector.broadcast %broadcast_in_dim3A_1005 : vector<512x1xf32> to vector<512x128xf32>
    %le3A_1022 = arith.cmpf ole, %get3A_1020, %le3A_1021 : vector<512x128xf32>
    %jit3A_1023 = arith.constant 0x7F800000 : f32
    %broadcast_in_dim3A_1024 = vector.broadcast %jit3A_1023 : f32 to vector<512x128xf32>
    %select_n3A_1025 = arith.select %le3A_1022, %broadcast_in_dim3A_1024, %get3A_1020 : vector<512x128xi1>, vector<512x128xf32>
    %broadcast_in_dim3A_1026 = arith.constant 0x7F800000 : f32
    %broadcast_in_dim3A_1027 = vector.broadcast %broadcast_in_dim3A_1026 : f32 to vector<512x128xf32>
    %get3A_1028 = arith.constant 0 : index
    %get3A_1029 = arith.constant 128 : index
    %get3A_1030 = vector.load %arg10[%get3A_1028, %get3A_1029] : memref<512x2048xf32, #tpu.memory_space<vmem>>, vector<512x128xf32>
    %le3A_1031 = vector.broadcast %broadcast_in_dim3A_1005 : vector<512x1xf32> to vector<512x128xf32>
    %le3A_1032 = arith.cmpf ole, %get3A_1030, %le3A_1031 : vector<512x128xf32>
    %jit3A_1033 = arith.constant 0x7F800000 : f32
    %broadcast_in_dim3A_1034 = vector.broadcast %jit3A_1033 : f32 to vector<512x128xf32>
    %select_n3A_1035 = arith.select %le3A_1032, %broadcast_in_dim3A_1034, %get3A_1030 : vector<512x128xi1>, vector<512x128xf32>
    %max3A_1036 = arith.maximumf %select_n3A_1025, %select_n3A_1035 : vector<512x128xf32>
    %min3A_1037 = arith.minimumf %select_n3A_1025, %select_n3A_1035 : vector<512x128xf32>
    %min3A_1038 = arith.minimumf %broadcast_in_dim3A_1027, %max3A_1036 : vector<512x128xf32>
    %get3A_1039 = arith.constant 0 : index
    %get3A_1040 = arith.constant 256 : index
    %get3A_1041 = vector.load %arg10[%get3A_1039, %get3A_1040] : memref<512x2048xf32, #tpu.memory_space<vmem>>, vector<512x128xf32>
    %le3A_1042 = vector.broadcast %broadcast_in_dim3A_1005 : vector<512x1xf32> to vector<512x128xf32>
    %le3A_1043 = arith.cmpf ole, %get3A_1041, %le3A_1042 : vector<512x128xf32>
    %jit3A_1044 = arith.constant 0x7F800000 : f32
    %broadcast_in_dim3A_1045 = vector.broadcast %jit3A_1044 : f32 to vector<512x128xf32>
    %select_n3A_1046 = arith.select %le3A_1043, %broadcast_in_dim3A_1045, %get3A_1041 : vector<512x128xi1>, vector<512x128xf32>
    %max3A_1047 = arith.maximumf %min3A_1037, %select_n3A_1046 : vector<512x128xf32>
    %min3A_1048 = arith.minimumf %min3A_1037, %select_n3A_1046 : vector<512x128xf32>
    %min3A_1049 = arith.minimumf %min3A_1038, %max3A_1047 : vector<512x128xf32>
    %get3A_1050 = arith.constant 0 : index
    %get3A_1051 = arith.constant 384 : index
    %get3A_1052 = vector.load %arg10[%get3A_1050, %get3A_1051] : memref<512x2048xf32, #tpu.memory_space<vmem>>, vector<512x128xf32>
    %le3A_1053 = vector.broadcast %broadcast_in_dim3A_1005 : vector<512x1xf32> to vector<512x128xf32>
    %le3A_1054 = arith.cmpf ole, %get3A_1052, %le3A_1053 : vector<512x128xf32>
    %jit3A_1055 = arith.constant 0x7F800000 : f32
    %broadcast_in_dim3A_1056 = vector.broadcast %jit3A_1055 : f32 to vector<512x128xf32>
    %select_n3A_1057 = arith.select %le3A_1054, %broadcast_in_dim3A_1056, %get3A_1052 : vector<512x128xi1>, vector<512x128xf32>
    %max3A_1058 = arith.maximumf %min3A_1048, %select_n3A_1057 : vector<512x128xf32>
    %min3A_1059 = arith.minimumf %min3A_1048, %select_n3A_1057 : vector<512x128xf32>
    %min3A_1060 = arith.minimumf %min3A_1049, %max3A_1058 : vector<512x128xf32>
    %get3A_1061 = arith.constant 0 : index
    %get3A_1062 = arith.constant 512 : index
    %get3A_1063 = vector.load %arg10[%get3A_1061, %get3A_1062] : memref<512x2048xf32, #tpu.memory_space<vmem>>, vector<512x128xf32>
    %le3A_1064 = vector.broadcast %broadcast_in_dim3A_1005 : vector<512x1xf32> to vector<512x128xf32>
    %le3A_1065 = arith.cmpf ole, %get3A_1063, %le3A_1064 : vector<512x128xf32>
    %jit3A_1066 = arith.constant 0x7F800000 : f32
    %broadcast_in_dim3A_1067 = vector.broadcast %jit3A_1066 : f32 to vector<512x128xf32>
    %select_n3A_1068 = arith.select %le3A_1065, %broadcast_in_dim3A_1067, %get3A_1063 : vector<512x128xi1>, vector<512x128xf32>
    %max3A_1069 = arith.maximumf %min3A_1059, %select_n3A_1068 : vector<512x128xf32>
    %min3A_1070 = arith.minimumf %min3A_1059, %select_n3A_1068 : vector<512x128xf32>
    %min3A_1071 = arith.minimumf %min3A_1060, %max3A_1069 : vector<512x128xf32>
    %get3A_1072 = arith.constant 0 : index
    %get3A_1073 = arith.constant 640 : index
    %get3A_1074 = vector.load %arg10[%get3A_1072, %get3A_1073] : memref<512x2048xf32, #tpu.memory_space<vmem>>, vector<512x128xf32>
    %le3A_1075 = vector.broadcast %broadcast_in_dim3A_1005 : vector<512x1xf32> to vector<512x128xf32>
    %le3A_1076 = arith.cmpf ole, %get3A_1074, %le3A_1075 : vector<512x128xf32>
    %jit3A_1077 = arith.constant 0x7F800000 : f32
    %broadcast_in_dim3A_1078 = vector.broadcast %jit3A_1077 : f32 to vector<512x128xf32>
    %select_n3A_1079 = arith.select %le3A_1076, %broadcast_in_dim3A_1078, %get3A_1074 : vector<512x128xi1>, vector<512x128xf32>
    %max3A_1080 = arith.maximumf %min3A_1070, %select_n3A_1079 : vector<512x128xf32>
    %min3A_1081 = arith.minimumf %min3A_1070, %select_n3A_1079 : vector<512x128xf32>
    %min3A_1082 = arith.minimumf %min3A_1071, %max3A_1080 : vector<512x128xf32>
    %get3A_1083 = arith.constant 0 : index
    %get3A_1084 = arith.constant 768 : index
    %get3A_1085 = vector.load %arg10[%get3A_1083, %get3A_1084] : memref<512x2048xf32, #tpu.memory_space<vmem>>, vector<512x128xf32>
    %le3A_1086 = vector.broadcast %broadcast_in_dim3A_1005 : vector<512x1xf32> to vector<512x128xf32>
    %le3A_1087 = arith.cmpf ole, %get3A_1085, %le3A_1086 : vector<512x128xf32>
    %jit3A_1088 = arith.constant 0x7F800000 : f32
    %broadcast_in_dim3A_1089 = vector.broadcast %jit3A_1088 : f32 to vector<512x128xf32>
    %select_n3A_1090 = arith.select %le3A_1087, %broadcast_in_dim3A_1089, %get3A_1085 : vector<512x128xi1>, vector<512x128xf32>
    %max3A_1091 = arith.maximumf %min3A_1081, %select_n3A_1090 : vector<512x128xf32>
    %min3A_1092 = arith.minimumf %min3A_1081, %select_n3A_1090 : vector<512x128xf32>
    %min3A_1093 = arith.minimumf %min3A_1082, %max3A_1091 : vector<512x128xf32>
    %get3A_1094 = arith.constant 0 : index
    %get3A_1095 = arith.constant 896 : index
    %get3A_1096 = vector.load %arg10[%get3A_1094, %get3A_1095] : memref<512x2048xf32, #tpu.memory_space<vmem>>, vector<512x128xf32>
    %le3A_1097 = vector.broadcast %broadcast_in_dim3A_1005 : vector<512x1xf32> to vector<512x128xf32>
    %le3A_1098 = arith.cmpf ole, %get3A_1096, %le3A_1097 : vector<512x128xf32>
    %jit3A_1099 = arith.constant 0x7F800000 : f32
    %broadcast_in_dim3A_1100 = vector.broadcast %jit3A_1099 : f32 to vector<512x128xf32>
    %select_n3A_1101 = arith.select %le3A_1098, %broadcast_in_dim3A_1100, %get3A_1096 : vector<512x128xi1>, vector<512x128xf32>
    %max3A_1102 = arith.maximumf %min3A_1092, %select_n3A_1101 : vector<512x128xf32>
    %min3A_1103 = arith.minimumf %min3A_1092, %select_n3A_1101 : vector<512x128xf32>
    %min3A_1104 = arith.minimumf %min3A_1093, %max3A_1102 : vector<512x128xf32>
    %get3A_1105 = arith.constant 0 : index
    %get3A_1106 = arith.constant 1024 : index
    %get3A_1107 = vector.load %arg10[%get3A_1105, %get3A_1106] : memref<512x2048xf32, #tpu.memory_space<vmem>>, vector<512x128xf32>
    %le3A_1108 = vector.broadcast %broadcast_in_dim3A_1005 : vector<512x1xf32> to vector<512x128xf32>
    %le3A_1109 = arith.cmpf ole, %get3A_1107, %le3A_1108 : vector<512x128xf32>
    %jit3A_1110 = arith.constant 0x7F800000 : f32
    %broadcast_in_dim3A_1111 = vector.broadcast %jit3A_1110 : f32 to vector<512x128xf32>
    %select_n3A_1112 = arith.select %le3A_1109, %broadcast_in_dim3A_1111, %get3A_1107 : vector<512x128xi1>, vector<512x128xf32>
    %max3A_1113 = arith.maximumf %min3A_1103, %select_n3A_1112 : vector<512x128xf32>
    %min3A_1114 = arith.minimumf %min3A_1103, %select_n3A_1112 : vector<512x128xf32>
    %min3A_1115 = arith.minimumf %min3A_1104, %max3A_1113 : vector<512x128xf32>
    %get3A_1116 = arith.constant 0 : index
    %get3A_1117 = arith.constant 1152 : index
    %get3A_1118 = vector.load %arg10[%get3A_1116, %get3A_1117] : memref<512x2048xf32, #tpu.memory_space<vmem>>, vector<512x128xf32>
    %le3A_1119 = vector.broadcast %broadcast_in_dim3A_1005 : vector<512x1xf32> to vector<512x128xf32>
    %le3A_1120 = arith.cmpf ole, %get3A_1118, %le3A_1119 : vector<512x128xf32>
    %jit3A_1121 = arith.constant 0x7F800000 : f32
    %broadcast_in_dim3A_1122 = vector.broadcast %jit3A_1121 : f32 to vector<512x128xf32>
    %select_n3A_1123 = arith.select %le3A_1120, %broadcast_in_dim3A_1122, %get3A_1118 : vector<512x128xi1>, vector<512x128xf32>
    %max3A_1124 = arith.maximumf %min3A_1114, %select_n3A_1123 : vector<512x128xf32>
    %min3A_1125 = arith.minimumf %min3A_1114, %select_n3A_1123 : vector<512x128xf32>
    %min3A_1126 = arith.minimumf %min3A_1115, %max3A_1124 : vector<512x128xf32>
    %get3A_1127 = arith.constant 0 : index
    %get3A_1128 = arith.constant 1280 : index
    %get3A_1129 = vector.load %arg10[%get3A_1127, %get3A_1128] : memref<512x2048xf32, #tpu.memory_space<vmem>>, vector<512x128xf32>
    %le3A_1130 = vector.broadcast %broadcast_in_dim3A_1005 : vector<512x1xf32> to vector<512x128xf32>
    %le3A_1131 = arith.cmpf ole, %get3A_1129, %le3A_1130 : vector<512x128xf32>
    %jit3A_1132 = arith.constant 0x7F800000 : f32
    %broadcast_in_dim3A_1133 = vector.broadcast %jit3A_1132 : f32 to vector<512x128xf32>
    %select_n3A_1134 = arith.select %le3A_1131, %broadcast_in_dim3A_1133, %get3A_1129 : vector<512x128xi1>, vector<512x128xf32>
    %max3A_1135 = arith.maximumf %min3A_1125, %select_n3A_1134 : vector<512x128xf32>
    %min3A_1136 = arith.minimumf %min3A_1125, %select_n3A_1134 : vector<512x128xf32>
    %min3A_1137 = arith.minimumf %min3A_1126, %max3A_1135 : vector<512x128xf32>
    %get3A_1138 = arith.constant 0 : index
    %get3A_1139 = arith.constant 1408 : index
    %get3A_1140 = vector.load %arg10[%get3A_1138, %get3A_1139] : memref<512x2048xf32, #tpu.memory_space<vmem>>, vector<512x128xf32>
    %le3A_1141 = vector.broadcast %broadcast_in_dim3A_1005 : vector<512x1xf32> to vector<512x128xf32>
    %le3A_1142 = arith.cmpf ole, %get3A_1140, %le3A_1141 : vector<512x128xf32>
    %jit3A_1143 = arith.constant 0x7F800000 : f32
    %broadcast_in_dim3A_1144 = vector.broadcast %jit3A_1143 : f32 to vector<512x128xf32>
    %select_n3A_1145 = arith.select %le3A_1142, %broadcast_in_dim3A_1144, %get3A_1140 : vector<512x128xi1>, vector<512x128xf32>
    %max3A_1146 = arith.maximumf %min3A_1136, %select_n3A_1145 : vector<512x128xf32>
    %min3A_1147 = arith.minimumf %min3A_1136, %select_n3A_1145 : vector<512x128xf32>
    %min3A_1148 = arith.minimumf %min3A_1137, %max3A_1146 : vector<512x128xf32>
    %get3A_1149 = arith.constant 0 : index
    %get3A_1150 = arith.constant 1536 : index
    %get3A_1151 = vector.load %arg10[%get3A_1149, %get3A_1150] : memref<512x2048xf32, #tpu.memory_space<vmem>>, vector<512x128xf32>
    %le3A_1152 = vector.broadcast %broadcast_in_dim3A_1005 : vector<512x1xf32> to vector<512x128xf32>
    %le3A_1153 = arith.cmpf ole, %get3A_1151, %le3A_1152 : vector<512x128xf32>
    %jit3A_1154 = arith.constant 0x7F800000 : f32
    %broadcast_in_dim3A_1155 = vector.broadcast %jit3A_1154 : f32 to vector<512x128xf32>
    %select_n3A_1156 = arith.select %le3A_1153, %broadcast_in_dim3A_1155, %get3A_1151 : vector<512x128xi1>, vector<512x128xf32>
    %max3A_1157 = arith.maximumf %min3A_1147, %select_n3A_1156 : vector<512x128xf32>
    %min3A_1158 = arith.minimumf %min3A_1147, %select_n3A_1156 : vector<512x128xf32>
    %min3A_1159 = arith.minimumf %min3A_1148, %max3A_1157 : vector<512x128xf32>
    %get3A_1160 = arith.constant 0 : index
    %get3A_1161 = arith.constant 1664 : index
    %get3A_1162 = vector.load %arg10[%get3A_1160, %get3A_1161] : memref<512x2048xf32, #tpu.memory_space<vmem>>, vector<512x128xf32>
    %le3A_1163 = vector.broadcast %broadcast_in_dim3A_1005 : vector<512x1xf32> to vector<512x128xf32>
    %le3A_1164 = arith.cmpf ole, %get3A_1162, %le3A_1163 : vector<512x128xf32>
    %jit3A_1165 = arith.constant 0x7F800000 : f32
    %broadcast_in_dim3A_1166 = vector.broadcast %jit3A_1165 : f32 to vector<512x128xf32>
    %select_n3A_1167 = arith.select %le3A_1164, %broadcast_in_dim3A_1166, %get3A_1162 : vector<512x128xi1>, vector<512x128xf32>
    %max3A_1168 = arith.maximumf %min3A_1158, %select_n3A_1167 : vector<512x128xf32>
    %min3A_1169 = arith.minimumf %min3A_1158, %select_n3A_1167 : vector<512x128xf32>
    %min3A_1170 = arith.minimumf %min3A_1159, %max3A_1168 : vector<512x128xf32>
    %get3A_1171 = arith.constant 0 : index
    %get3A_1172 = arith.constant 1792 : index
    %get3A_1173 = vector.load %arg10[%get3A_1171, %get3A_1172] : memref<512x2048xf32, #tpu.memory_space<vmem>>, vector<512x128xf32>
    %le3A_1174 = vector.broadcast %broadcast_in_dim3A_1005 : vector<512x1xf32> to vector<512x128xf32>
    %le3A_1175 = arith.cmpf ole, %get3A_1173, %le3A_1174 : vector<512x128xf32>
    %jit3A_1176 = arith.constant 0x7F800000 : f32
    %broadcast_in_dim3A_1177 = vector.broadcast %jit3A_1176 : f32 to vector<512x128xf32>
    %select_n3A_1178 = arith.select %le3A_1175, %broadcast_in_dim3A_1177, %get3A_1173 : vector<512x128xi1>, vector<512x128xf32>
    %max3A_1179 = arith.maximumf %min3A_1169, %select_n3A_1178 : vector<512x128xf32>
    %min3A_1180 = arith.minimumf %min3A_1169, %select_n3A_1178 : vector<512x128xf32>
    %min3A_1181 = arith.minimumf %min3A_1170, %max3A_1179 : vector<512x128xf32>
    %get3A_1182 = arith.constant 0 : index
    %get3A_1183 = arith.constant 1920 : index
    %get3A_1184 = vector.load %arg10[%get3A_1182, %get3A_1183] : memref<512x2048xf32, #tpu.memory_space<vmem>>, vector<512x128xf32>
    %le3A_1185 = vector.broadcast %broadcast_in_dim3A_1005 : vector<512x1xf32> to vector<512x128xf32>
    %le3A_1186 = arith.cmpf ole, %get3A_1184, %le3A_1185 : vector<512x128xf32>
    %jit3A_1187 = arith.constant 0x7F800000 : f32
    %broadcast_in_dim3A_1188 = vector.broadcast %jit3A_1187 : f32 to vector<512x128xf32>
    %select_n3A_1189 = arith.select %le3A_1186, %broadcast_in_dim3A_1188, %get3A_1184 : vector<512x128xi1>, vector<512x128xf32>
    %max3A_1190 = arith.maximumf %min3A_1180, %select_n3A_1189 : vector<512x128xf32>
    %min3A_1191 = arith.minimumf %min3A_1180, %select_n3A_1189 : vector<512x128xf32>
    %min3A_1192 = arith.minimumf %min3A_1181, %max3A_1190 : vector<512x128xf32>
    %reduce_min3A_1193 = arith.constant dense<0x7F800000> : vector<512xf32>
    %reduce_min3A_1194 = vector.multi_reduction <minimumf>, %min3A_1191, %reduce_min3A_1193 [1] : vector<512x128xf32> to vector<512xf32>
    %broadcast_in_dim3A_1195 = vector.shape_cast %reduce_min3A_1194 : vector<512xf32> to vector<512x1xf32>
    %eq3A_1196 = vector.broadcast %broadcast_in_dim3A_1195 : vector<512x1xf32> to vector<512x128xf32>
    %eq3A_1197 = arith.cmpf oeq, %min3A_1191, %eq3A_1196 : vector<512x128xf32>
    %select_n3A_1198 = arith.select %eq3A_1197, %min3A_1192, %min3A_1191 : vector<512x128xi1>, vector<512x128xf32>
    %reduce_min3A_1199 = arith.constant dense<0x7F800000> : vector<512xf32>
    %reduce_min3A_1200 = vector.multi_reduction <minimumf>, %select_n3A_1198, %reduce_min3A_1199 [1] : vector<512x128xf32> to vector<512xf32>
    %broadcast_in_dim3A_1201 = vector.shape_cast %reduce_min3A_1200 : vector<512xf32> to vector<512x1xf32>
    %bitcast_convert_type3A_1202 = tpu.bitcast %broadcast_in_dim3A_1195 : vector<512x1xf32> -> vector<512x1xi32>
    %and3A_1203 = arith.constant 2047 : i32
    %and3A_1204 = vector.broadcast %and3A_1203 : i32 to vector<512x1xi32>
    %and3A_1205 = arith.andi %bitcast_convert_type3A_1202, %and3A_1204 : vector<512x1xi32>
    %add3A_1206 = vector.broadcast %mul3A_54 : i32 to vector<512x1xi32>
    %add3A_1207 = arith.addi %and3A_1205, %add3A_1206 : vector<512x1xi32>
    %bitcast_convert_type3A_1208 = tpu.bitcast %broadcast_in_dim3A_1201 : vector<512x1xf32> -> vector<512x1xi32>
    %and3A_1209 = arith.constant 2047 : i32
    %and3A_1210 = vector.broadcast %and3A_1209 : i32 to vector<512x1xi32>
    %and3A_1211 = arith.andi %bitcast_convert_type3A_1208, %and3A_1210 : vector<512x1xi32>
    %add3A_1212 = vector.broadcast %mul3A_54 : i32 to vector<512x1xi32>
    %add3A_1213 = arith.addi %and3A_1211, %add3A_1212 : vector<512x1xi32>
    %get3A_1214 = arith.constant 0 : index
    %get3A_1215 = arith.constant 0 : index
    %get3A_1216 = vector.load %arg10[%get3A_1214, %get3A_1215] : memref<512x2048xf32, #tpu.memory_space<vmem>>, vector<512x128xf32>
    %le3A_1217 = vector.broadcast %broadcast_in_dim3A_1201 : vector<512x1xf32> to vector<512x128xf32>
    %le3A_1218 = arith.cmpf ole, %get3A_1216, %le3A_1217 : vector<512x128xf32>
    %jit3A_1219 = arith.constant 0x7F800000 : f32
    %broadcast_in_dim3A_1220 = vector.broadcast %jit3A_1219 : f32 to vector<512x128xf32>
    %select_n3A_1221 = arith.select %le3A_1218, %broadcast_in_dim3A_1220, %get3A_1216 : vector<512x128xi1>, vector<512x128xf32>
    %broadcast_in_dim3A_1222 = arith.constant 0x7F800000 : f32
    %broadcast_in_dim3A_1223 = vector.broadcast %broadcast_in_dim3A_1222 : f32 to vector<512x128xf32>
    %get3A_1224 = arith.constant 0 : index
    %get3A_1225 = arith.constant 128 : index
    %get3A_1226 = vector.load %arg10[%get3A_1224, %get3A_1225] : memref<512x2048xf32, #tpu.memory_space<vmem>>, vector<512x128xf32>
    %le3A_1227 = vector.broadcast %broadcast_in_dim3A_1201 : vector<512x1xf32> to vector<512x128xf32>
    %le3A_1228 = arith.cmpf ole, %get3A_1226, %le3A_1227 : vector<512x128xf32>
    %jit3A_1229 = arith.constant 0x7F800000 : f32
    %broadcast_in_dim3A_1230 = vector.broadcast %jit3A_1229 : f32 to vector<512x128xf32>
    %select_n3A_1231 = arith.select %le3A_1228, %broadcast_in_dim3A_1230, %get3A_1226 : vector<512x128xi1>, vector<512x128xf32>
    %max3A_1232 = arith.maximumf %select_n3A_1221, %select_n3A_1231 : vector<512x128xf32>
    %min3A_1233 = arith.minimumf %select_n3A_1221, %select_n3A_1231 : vector<512x128xf32>
    %min3A_1234 = arith.minimumf %broadcast_in_dim3A_1223, %max3A_1232 : vector<512x128xf32>
    %get3A_1235 = arith.constant 0 : index
    %get3A_1236 = arith.constant 256 : index
    %get3A_1237 = vector.load %arg10[%get3A_1235, %get3A_1236] : memref<512x2048xf32, #tpu.memory_space<vmem>>, vector<512x128xf32>
    %le3A_1238 = vector.broadcast %broadcast_in_dim3A_1201 : vector<512x1xf32> to vector<512x128xf32>
    %le3A_1239 = arith.cmpf ole, %get3A_1237, %le3A_1238 : vector<512x128xf32>
    %jit3A_1240 = arith.constant 0x7F800000 : f32
    %broadcast_in_dim3A_1241 = vector.broadcast %jit3A_1240 : f32 to vector<512x128xf32>
    %select_n3A_1242 = arith.select %le3A_1239, %broadcast_in_dim3A_1241, %get3A_1237 : vector<512x128xi1>, vector<512x128xf32>
    %max3A_1243 = arith.maximumf %min3A_1233, %select_n3A_1242 : vector<512x128xf32>
    %min3A_1244 = arith.minimumf %min3A_1233, %select_n3A_1242 : vector<512x128xf32>
    %min3A_1245 = arith.minimumf %min3A_1234, %max3A_1243 : vector<512x128xf32>
    %get3A_1246 = arith.constant 0 : index
    %get3A_1247 = arith.constant 384 : index
    %get3A_1248 = vector.load %arg10[%get3A_1246, %get3A_1247] : memref<512x2048xf32, #tpu.memory_space<vmem>>, vector<512x128xf32>
    %le3A_1249 = vector.broadcast %broadcast_in_dim3A_1201 : vector<512x1xf32> to vector<512x128xf32>
    %le3A_1250 = arith.cmpf ole, %get3A_1248, %le3A_1249 : vector<512x128xf32>
    %jit3A_1251 = arith.constant 0x7F800000 : f32
    %broadcast_in_dim3A_1252 = vector.broadcast %jit3A_1251 : f32 to vector<512x128xf32>
    %select_n3A_1253 = arith.select %le3A_1250, %broadcast_in_dim3A_1252, %get3A_1248 : vector<512x128xi1>, vector<512x128xf32>
    %max3A_1254 = arith.maximumf %min3A_1244, %select_n3A_1253 : vector<512x128xf32>
    %min3A_1255 = arith.minimumf %min3A_1244, %select_n3A_1253 : vector<512x128xf32>
    %min3A_1256 = arith.minimumf %min3A_1245, %max3A_1254 : vector<512x128xf32>
    %get3A_1257 = arith.constant 0 : index
    %get3A_1258 = arith.constant 512 : index
    %get3A_1259 = vector.load %arg10[%get3A_1257, %get3A_1258] : memref<512x2048xf32, #tpu.memory_space<vmem>>, vector<512x128xf32>
    %le3A_1260 = vector.broadcast %broadcast_in_dim3A_1201 : vector<512x1xf32> to vector<512x128xf32>
    %le3A_1261 = arith.cmpf ole, %get3A_1259, %le3A_1260 : vector<512x128xf32>
    %jit3A_1262 = arith.constant 0x7F800000 : f32
    %broadcast_in_dim3A_1263 = vector.broadcast %jit3A_1262 : f32 to vector<512x128xf32>
    %select_n3A_1264 = arith.select %le3A_1261, %broadcast_in_dim3A_1263, %get3A_1259 : vector<512x128xi1>, vector<512x128xf32>
    %max3A_1265 = arith.maximumf %min3A_1255, %select_n3A_1264 : vector<512x128xf32>
    %min3A_1266 = arith.minimumf %min3A_1255, %select_n3A_1264 : vector<512x128xf32>
    %min3A_1267 = arith.minimumf %min3A_1256, %max3A_1265 : vector<512x128xf32>
    %get3A_1268 = arith.constant 0 : index
    %get3A_1269 = arith.constant 640 : index
    %get3A_1270 = vector.load %arg10[%get3A_1268, %get3A_1269] : memref<512x2048xf32, #tpu.memory_space<vmem>>, vector<512x128xf32>
    %le3A_1271 = vector.broadcast %broadcast_in_dim3A_1201 : vector<512x1xf32> to vector<512x128xf32>
    %le3A_1272 = arith.cmpf ole, %get3A_1270, %le3A_1271 : vector<512x128xf32>
    %jit3A_1273 = arith.constant 0x7F800000 : f32
    %broadcast_in_dim3A_1274 = vector.broadcast %jit3A_1273 : f32 to vector<512x128xf32>
    %select_n3A_1275 = arith.select %le3A_1272, %broadcast_in_dim3A_1274, %get3A_1270 : vector<512x128xi1>, vector<512x128xf32>
    %max3A_1276 = arith.maximumf %min3A_1266, %select_n3A_1275 : vector<512x128xf32>
    %min3A_1277 = arith.minimumf %min3A_1266, %select_n3A_1275 : vector<512x128xf32>
    %min3A_1278 = arith.minimumf %min3A_1267, %max3A_1276 : vector<512x128xf32>
    %get3A_1279 = arith.constant 0 : index
    %get3A_1280 = arith.constant 768 : index
    %get3A_1281 = vector.load %arg10[%get3A_1279, %get3A_1280] : memref<512x2048xf32, #tpu.memory_space<vmem>>, vector<512x128xf32>
    %le3A_1282 = vector.broadcast %broadcast_in_dim3A_1201 : vector<512x1xf32> to vector<512x128xf32>
    %le3A_1283 = arith.cmpf ole, %get3A_1281, %le3A_1282 : vector<512x128xf32>
    %jit3A_1284 = arith.constant 0x7F800000 : f32
    %broadcast_in_dim3A_1285 = vector.broadcast %jit3A_1284 : f32 to vector<512x128xf32>
    %select_n3A_1286 = arith.select %le3A_1283, %broadcast_in_dim3A_1285, %get3A_1281 : vector<512x128xi1>, vector<512x128xf32>
    %max3A_1287 = arith.maximumf %min3A_1277, %select_n3A_1286 : vector<512x128xf32>
    %min3A_1288 = arith.minimumf %min3A_1277, %select_n3A_1286 : vector<512x128xf32>
    %min3A_1289 = arith.minimumf %min3A_1278, %max3A_1287 : vector<512x128xf32>
    %get3A_1290 = arith.constant 0 : index
    %get3A_1291 = arith.constant 896 : index
    %get3A_1292 = vector.load %arg10[%get3A_1290, %get3A_1291] : memref<512x2048xf32, #tpu.memory_space<vmem>>, vector<512x128xf32>
    %le3A_1293 = vector.broadcast %broadcast_in_dim3A_1201 : vector<512x1xf32> to vector<512x128xf32>
    %le3A_1294 = arith.cmpf ole, %get3A_1292, %le3A_1293 : vector<512x128xf32>
    %jit3A_1295 = arith.constant 0x7F800000 : f32
    %broadcast_in_dim3A_1296 = vector.broadcast %jit3A_1295 : f32 to vector<512x128xf32>
    %select_n3A_1297 = arith.select %le3A_1294, %broadcast_in_dim3A_1296, %get3A_1292 : vector<512x128xi1>, vector<512x128xf32>
    %max3A_1298 = arith.maximumf %min3A_1288, %select_n3A_1297 : vector<512x128xf32>
    %min3A_1299 = arith.minimumf %min3A_1288, %select_n3A_1297 : vector<512x128xf32>
    %min3A_1300 = arith.minimumf %min3A_1289, %max3A_1298 : vector<512x128xf32>
    %get3A_1301 = arith.constant 0 : index
    %get3A_1302 = arith.constant 1024 : index
    %get3A_1303 = vector.load %arg10[%get3A_1301, %get3A_1302] : memref<512x2048xf32, #tpu.memory_space<vmem>>, vector<512x128xf32>
    %le3A_1304 = vector.broadcast %broadcast_in_dim3A_1201 : vector<512x1xf32> to vector<512x128xf32>
    %le3A_1305 = arith.cmpf ole, %get3A_1303, %le3A_1304 : vector<512x128xf32>
    %jit3A_1306 = arith.constant 0x7F800000 : f32
    %broadcast_in_dim3A_1307 = vector.broadcast %jit3A_1306 : f32 to vector<512x128xf32>
    %select_n3A_1308 = arith.select %le3A_1305, %broadcast_in_dim3A_1307, %get3A_1303 : vector<512x128xi1>, vector<512x128xf32>
    %max3A_1309 = arith.maximumf %min3A_1299, %select_n3A_1308 : vector<512x128xf32>
    %min3A_1310 = arith.minimumf %min3A_1299, %select_n3A_1308 : vector<512x128xf32>
    %min3A_1311 = arith.minimumf %min3A_1300, %max3A_1309 : vector<512x128xf32>
    %get3A_1312 = arith.constant 0 : index
    %get3A_1313 = arith.constant 1152 : index
    %get3A_1314 = vector.load %arg10[%get3A_1312, %get3A_1313] : memref<512x2048xf32, #tpu.memory_space<vmem>>, vector<512x128xf32>
    %le3A_1315 = vector.broadcast %broadcast_in_dim3A_1201 : vector<512x1xf32> to vector<512x128xf32>
    %le3A_1316 = arith.cmpf ole, %get3A_1314, %le3A_1315 : vector<512x128xf32>
    %jit3A_1317 = arith.constant 0x7F800000 : f32
    %broadcast_in_dim3A_1318 = vector.broadcast %jit3A_1317 : f32 to vector<512x128xf32>
    %select_n3A_1319 = arith.select %le3A_1316, %broadcast_in_dim3A_1318, %get3A_1314 : vector<512x128xi1>, vector<512x128xf32>
    %max3A_1320 = arith.maximumf %min3A_1310, %select_n3A_1319 : vector<512x128xf32>
    %min3A_1321 = arith.minimumf %min3A_1310, %select_n3A_1319 : vector<512x128xf32>
    %min3A_1322 = arith.minimumf %min3A_1311, %max3A_1320 : vector<512x128xf32>
    %get3A_1323 = arith.constant 0 : index
    %get3A_1324 = arith.constant 1280 : index
    %get3A_1325 = vector.load %arg10[%get3A_1323, %get3A_1324] : memref<512x2048xf32, #tpu.memory_space<vmem>>, vector<512x128xf32>
    %le3A_1326 = vector.broadcast %broadcast_in_dim3A_1201 : vector<512x1xf32> to vector<512x128xf32>
    %le3A_1327 = arith.cmpf ole, %get3A_1325, %le3A_1326 : vector<512x128xf32>
    %jit3A_1328 = arith.constant 0x7F800000 : f32
    %broadcast_in_dim3A_1329 = vector.broadcast %jit3A_1328 : f32 to vector<512x128xf32>
    %select_n3A_1330 = arith.select %le3A_1327, %broadcast_in_dim3A_1329, %get3A_1325 : vector<512x128xi1>, vector<512x128xf32>
    %max3A_1331 = arith.maximumf %min3A_1321, %select_n3A_1330 : vector<512x128xf32>
    %min3A_1332 = arith.minimumf %min3A_1321, %select_n3A_1330 : vector<512x128xf32>
    %min3A_1333 = arith.minimumf %min3A_1322, %max3A_1331 : vector<512x128xf32>
    %get3A_1334 = arith.constant 0 : index
    %get3A_1335 = arith.constant 1408 : index
    %get3A_1336 = vector.load %arg10[%get3A_1334, %get3A_1335] : memref<512x2048xf32, #tpu.memory_space<vmem>>, vector<512x128xf32>
    %le3A_1337 = vector.broadcast %broadcast_in_dim3A_1201 : vector<512x1xf32> to vector<512x128xf32>
    %le3A_1338 = arith.cmpf ole, %get3A_1336, %le3A_1337 : vector<512x128xf32>
    %jit3A_1339 = arith.constant 0x7F800000 : f32
    %broadcast_in_dim3A_1340 = vector.broadcast %jit3A_1339 : f32 to vector<512x128xf32>
    %select_n3A_1341 = arith.select %le3A_1338, %broadcast_in_dim3A_1340, %get3A_1336 : vector<512x128xi1>, vector<512x128xf32>
    %max3A_1342 = arith.maximumf %min3A_1332, %select_n3A_1341 : vector<512x128xf32>
    %min3A_1343 = arith.minimumf %min3A_1332, %select_n3A_1341 : vector<512x128xf32>
    %min3A_1344 = arith.minimumf %min3A_1333, %max3A_1342 : vector<512x128xf32>
    %get3A_1345 = arith.constant 0 : index
    %get3A_1346 = arith.constant 1536 : index
    %get3A_1347 = vector.load %arg10[%get3A_1345, %get3A_1346] : memref<512x2048xf32, #tpu.memory_space<vmem>>, vector<512x128xf32>
    %le3A_1348 = vector.broadcast %broadcast_in_dim3A_1201 : vector<512x1xf32> to vector<512x128xf32>
    %le3A_1349 = arith.cmpf ole, %get3A_1347, %le3A_1348 : vector<512x128xf32>
    %jit3A_1350 = arith.constant 0x7F800000 : f32
    %broadcast_in_dim3A_1351 = vector.broadcast %jit3A_1350 : f32 to vector<512x128xf32>
    %select_n3A_1352 = arith.select %le3A_1349, %broadcast_in_dim3A_1351, %get3A_1347 : vector<512x128xi1>, vector<512x128xf32>
    %max3A_1353 = arith.maximumf %min3A_1343, %select_n3A_1352 : vector<512x128xf32>
    %min3A_1354 = arith.minimumf %min3A_1343, %select_n3A_1352 : vector<512x128xf32>
    %min3A_1355 = arith.minimumf %min3A_1344, %max3A_1353 : vector<512x128xf32>
    %get3A_1356 = arith.constant 0 : index
    %get3A_1357 = arith.constant 1664 : index
    %get3A_1358 = vector.load %arg10[%get3A_1356, %get3A_1357] : memref<512x2048xf32, #tpu.memory_space<vmem>>, vector<512x128xf32>
    %le3A_1359 = vector.broadcast %broadcast_in_dim3A_1201 : vector<512x1xf32> to vector<512x128xf32>
    %le3A_1360 = arith.cmpf ole, %get3A_1358, %le3A_1359 : vector<512x128xf32>
    %jit3A_1361 = arith.constant 0x7F800000 : f32
    %broadcast_in_dim3A_1362 = vector.broadcast %jit3A_1361 : f32 to vector<512x128xf32>
    %select_n3A_1363 = arith.select %le3A_1360, %broadcast_in_dim3A_1362, %get3A_1358 : vector<512x128xi1>, vector<512x128xf32>
    %max3A_1364 = arith.maximumf %min3A_1354, %select_n3A_1363 : vector<512x128xf32>
    %min3A_1365 = arith.minimumf %min3A_1354, %select_n3A_1363 : vector<512x128xf32>
    %min3A_1366 = arith.minimumf %min3A_1355, %max3A_1364 : vector<512x128xf32>
    %get3A_1367 = arith.constant 0 : index
    %get3A_1368 = arith.constant 1792 : index
    %get3A_1369 = vector.load %arg10[%get3A_1367, %get3A_1368] : memref<512x2048xf32, #tpu.memory_space<vmem>>, vector<512x128xf32>
    %le3A_1370 = vector.broadcast %broadcast_in_dim3A_1201 : vector<512x1xf32> to vector<512x128xf32>
    %le3A_1371 = arith.cmpf ole, %get3A_1369, %le3A_1370 : vector<512x128xf32>
    %jit3A_1372 = arith.constant 0x7F800000 : f32
    %broadcast_in_dim3A_1373 = vector.broadcast %jit3A_1372 : f32 to vector<512x128xf32>
    %select_n3A_1374 = arith.select %le3A_1371, %broadcast_in_dim3A_1373, %get3A_1369 : vector<512x128xi1>, vector<512x128xf32>
    %max3A_1375 = arith.maximumf %min3A_1365, %select_n3A_1374 : vector<512x128xf32>
    %min3A_1376 = arith.minimumf %min3A_1365, %select_n3A_1374 : vector<512x128xf32>
    %min3A_1377 = arith.minimumf %min3A_1366, %max3A_1375 : vector<512x128xf32>
    %get3A_1378 = arith.constant 0 : index
    %get3A_1379 = arith.constant 1920 : index
    %get3A_1380 = vector.load %arg10[%get3A_1378, %get3A_1379] : memref<512x2048xf32, #tpu.memory_space<vmem>>, vector<512x128xf32>
    %le3A_1381 = vector.broadcast %broadcast_in_dim3A_1201 : vector<512x1xf32> to vector<512x128xf32>
    %le3A_1382 = arith.cmpf ole, %get3A_1380, %le3A_1381 : vector<512x128xf32>
    %jit3A_1383 = arith.constant 0x7F800000 : f32
    %broadcast_in_dim3A_1384 = vector.broadcast %jit3A_1383 : f32 to vector<512x128xf32>
    %select_n3A_1385 = arith.select %le3A_1382, %broadcast_in_dim3A_1384, %get3A_1380 : vector<512x128xi1>, vector<512x128xf32>
    %max3A_1386 = arith.maximumf %min3A_1376, %select_n3A_1385 : vector<512x128xf32>
    %min3A_1387 = arith.minimumf %min3A_1376, %select_n3A_1385 : vector<512x128xf32>
    %min3A_1388 = arith.minimumf %min3A_1377, %max3A_1386 : vector<512x128xf32>
    %reduce_min3A_1389 = arith.constant dense<0x7F800000> : vector<512xf32>
    %reduce_min3A_1390 = vector.multi_reduction <minimumf>, %min3A_1387, %reduce_min3A_1389 [1] : vector<512x128xf32> to vector<512xf32>
    %broadcast_in_dim3A_1391 = vector.shape_cast %reduce_min3A_1390 : vector<512xf32> to vector<512x1xf32>
    %eq3A_1392 = vector.broadcast %broadcast_in_dim3A_1391 : vector<512x1xf32> to vector<512x128xf32>
    %eq3A_1393 = arith.cmpf oeq, %min3A_1387, %eq3A_1392 : vector<512x128xf32>
    %select_n3A_1394 = arith.select %eq3A_1393, %min3A_1388, %min3A_1387 : vector<512x128xi1>, vector<512x128xf32>
    %reduce_min3A_1395 = arith.constant dense<0x7F800000> : vector<512xf32>
    %reduce_min3A_1396 = vector.multi_reduction <minimumf>, %select_n3A_1394, %reduce_min3A_1395 [1] : vector<512x128xf32> to vector<512xf32>
    %broadcast_in_dim3A_1397 = vector.shape_cast %reduce_min3A_1396 : vector<512xf32> to vector<512x1xf32>
    %bitcast_convert_type3A_1398 = tpu.bitcast %broadcast_in_dim3A_1391 : vector<512x1xf32> -> vector<512x1xi32>
    %and3A_1399 = arith.constant 2047 : i32
    %and3A_1400 = vector.broadcast %and3A_1399 : i32 to vector<512x1xi32>
    %and3A_1401 = arith.andi %bitcast_convert_type3A_1398, %and3A_1400 : vector<512x1xi32>
    %add3A_1402 = vector.broadcast %mul3A_54 : i32 to vector<512x1xi32>
    %add3A_1403 = arith.addi %and3A_1401, %add3A_1402 : vector<512x1xi32>
    %bitcast_convert_type3A_1404 = tpu.bitcast %broadcast_in_dim3A_1397 : vector<512x1xf32> -> vector<512x1xi32>
    %and3A_1405 = arith.constant 2047 : i32
    %and3A_1406 = vector.broadcast %and3A_1405 : i32 to vector<512x1xi32>
    %and3A_1407 = arith.andi %bitcast_convert_type3A_1404, %and3A_1406 : vector<512x1xi32>
    %add3A_1408 = vector.broadcast %mul3A_54 : i32 to vector<512x1xi32>
    %add3A_1409 = arith.addi %and3A_1407, %add3A_1408 : vector<512x1xi32>
    %get3A_1410 = arith.constant 0 : index
    %get3A_1411 = arith.constant 0 : index
    %get3A_1412 = vector.load %arg10[%get3A_1410, %get3A_1411] : memref<512x2048xf32, #tpu.memory_space<vmem>>, vector<512x128xf32>
    %le3A_1413 = vector.broadcast %broadcast_in_dim3A_1397 : vector<512x1xf32> to vector<512x128xf32>
    %le3A_1414 = arith.cmpf ole, %get3A_1412, %le3A_1413 : vector<512x128xf32>
    %jit3A_1415 = arith.constant 0x7F800000 : f32
    %broadcast_in_dim3A_1416 = vector.broadcast %jit3A_1415 : f32 to vector<512x128xf32>
    %select_n3A_1417 = arith.select %le3A_1414, %broadcast_in_dim3A_1416, %get3A_1412 : vector<512x128xi1>, vector<512x128xf32>
    %broadcast_in_dim3A_1418 = arith.constant 0x7F800000 : f32
    %broadcast_in_dim3A_1419 = vector.broadcast %broadcast_in_dim3A_1418 : f32 to vector<512x128xf32>
    %get3A_1420 = arith.constant 0 : index
    %get3A_1421 = arith.constant 128 : index
    %get3A_1422 = vector.load %arg10[%get3A_1420, %get3A_1421] : memref<512x2048xf32, #tpu.memory_space<vmem>>, vector<512x128xf32>
    %le3A_1423 = vector.broadcast %broadcast_in_dim3A_1397 : vector<512x1xf32> to vector<512x128xf32>
    %le3A_1424 = arith.cmpf ole, %get3A_1422, %le3A_1423 : vector<512x128xf32>
    %jit3A_1425 = arith.constant 0x7F800000 : f32
    %broadcast_in_dim3A_1426 = vector.broadcast %jit3A_1425 : f32 to vector<512x128xf32>
    %select_n3A_1427 = arith.select %le3A_1424, %broadcast_in_dim3A_1426, %get3A_1422 : vector<512x128xi1>, vector<512x128xf32>
    %max3A_1428 = arith.maximumf %select_n3A_1417, %select_n3A_1427 : vector<512x128xf32>
    %min3A_1429 = arith.minimumf %select_n3A_1417, %select_n3A_1427 : vector<512x128xf32>
    %min3A_1430 = arith.minimumf %broadcast_in_dim3A_1419, %max3A_1428 : vector<512x128xf32>
    %get3A_1431 = arith.constant 0 : index
    %get3A_1432 = arith.constant 256 : index
    %get3A_1433 = vector.load %arg10[%get3A_1431, %get3A_1432] : memref<512x2048xf32, #tpu.memory_space<vmem>>, vector<512x128xf32>
    %le3A_1434 = vector.broadcast %broadcast_in_dim3A_1397 : vector<512x1xf32> to vector<512x128xf32>
    %le3A_1435 = arith.cmpf ole, %get3A_1433, %le3A_1434 : vector<512x128xf32>
    %jit3A_1436 = arith.constant 0x7F800000 : f32
    %broadcast_in_dim3A_1437 = vector.broadcast %jit3A_1436 : f32 to vector<512x128xf32>
    %select_n3A_1438 = arith.select %le3A_1435, %broadcast_in_dim3A_1437, %get3A_1433 : vector<512x128xi1>, vector<512x128xf32>
    %max3A_1439 = arith.maximumf %min3A_1429, %select_n3A_1438 : vector<512x128xf32>
    %min3A_1440 = arith.minimumf %min3A_1429, %select_n3A_1438 : vector<512x128xf32>
    %min3A_1441 = arith.minimumf %min3A_1430, %max3A_1439 : vector<512x128xf32>
    %get3A_1442 = arith.constant 0 : index
    %get3A_1443 = arith.constant 384 : index
    %get3A_1444 = vector.load %arg10[%get3A_1442, %get3A_1443] : memref<512x2048xf32, #tpu.memory_space<vmem>>, vector<512x128xf32>
    %le3A_1445 = vector.broadcast %broadcast_in_dim3A_1397 : vector<512x1xf32> to vector<512x128xf32>
    %le3A_1446 = arith.cmpf ole, %get3A_1444, %le3A_1445 : vector<512x128xf32>
    %jit3A_1447 = arith.constant 0x7F800000 : f32
    %broadcast_in_dim3A_1448 = vector.broadcast %jit3A_1447 : f32 to vector<512x128xf32>
    %select_n3A_1449 = arith.select %le3A_1446, %broadcast_in_dim3A_1448, %get3A_1444 : vector<512x128xi1>, vector<512x128xf32>
    %max3A_1450 = arith.maximumf %min3A_1440, %select_n3A_1449 : vector<512x128xf32>
    %min3A_1451 = arith.minimumf %min3A_1440, %select_n3A_1449 : vector<512x128xf32>
    %min3A_1452 = arith.minimumf %min3A_1441, %max3A_1450 : vector<512x128xf32>
    %get3A_1453 = arith.constant 0 : index
    %get3A_1454 = arith.constant 512 : index
    %get3A_1455 = vector.load %arg10[%get3A_1453, %get3A_1454] : memref<512x2048xf32, #tpu.memory_space<vmem>>, vector<512x128xf32>
    %le3A_1456 = vector.broadcast %broadcast_in_dim3A_1397 : vector<512x1xf32> to vector<512x128xf32>
    %le3A_1457 = arith.cmpf ole, %get3A_1455, %le3A_1456 : vector<512x128xf32>
    %jit3A_1458 = arith.constant 0x7F800000 : f32
    %broadcast_in_dim3A_1459 = vector.broadcast %jit3A_1458 : f32 to vector<512x128xf32>
    %select_n3A_1460 = arith.select %le3A_1457, %broadcast_in_dim3A_1459, %get3A_1455 : vector<512x128xi1>, vector<512x128xf32>
    %max3A_1461 = arith.maximumf %min3A_1451, %select_n3A_1460 : vector<512x128xf32>
    %min3A_1462 = arith.minimumf %min3A_1451, %select_n3A_1460 : vector<512x128xf32>
    %min3A_1463 = arith.minimumf %min3A_1452, %max3A_1461 : vector<512x128xf32>
    %get3A_1464 = arith.constant 0 : index
    %get3A_1465 = arith.constant 640 : index
    %get3A_1466 = vector.load %arg10[%get3A_1464, %get3A_1465] : memref<512x2048xf32, #tpu.memory_space<vmem>>, vector<512x128xf32>
    %le3A_1467 = vector.broadcast %broadcast_in_dim3A_1397 : vector<512x1xf32> to vector<512x128xf32>
    %le3A_1468 = arith.cmpf ole, %get3A_1466, %le3A_1467 : vector<512x128xf32>
    %jit3A_1469 = arith.constant 0x7F800000 : f32
    %broadcast_in_dim3A_1470 = vector.broadcast %jit3A_1469 : f32 to vector<512x128xf32>
    %select_n3A_1471 = arith.select %le3A_1468, %broadcast_in_dim3A_1470, %get3A_1466 : vector<512x128xi1>, vector<512x128xf32>
    %max3A_1472 = arith.maximumf %min3A_1462, %select_n3A_1471 : vector<512x128xf32>
    %min3A_1473 = arith.minimumf %min3A_1462, %select_n3A_1471 : vector<512x128xf32>
    %min3A_1474 = arith.minimumf %min3A_1463, %max3A_1472 : vector<512x128xf32>
    %get3A_1475 = arith.constant 0 : index
    %get3A_1476 = arith.constant 768 : index
    %get3A_1477 = vector.load %arg10[%get3A_1475, %get3A_1476] : memref<512x2048xf32, #tpu.memory_space<vmem>>, vector<512x128xf32>
    %le3A_1478 = vector.broadcast %broadcast_in_dim3A_1397 : vector<512x1xf32> to vector<512x128xf32>
    %le3A_1479 = arith.cmpf ole, %get3A_1477, %le3A_1478 : vector<512x128xf32>
    %jit3A_1480 = arith.constant 0x7F800000 : f32
    %broadcast_in_dim3A_1481 = vector.broadcast %jit3A_1480 : f32 to vector<512x128xf32>
    %select_n3A_1482 = arith.select %le3A_1479, %broadcast_in_dim3A_1481, %get3A_1477 : vector<512x128xi1>, vector<512x128xf32>
    %max3A_1483 = arith.maximumf %min3A_1473, %select_n3A_1482 : vector<512x128xf32>
    %min3A_1484 = arith.minimumf %min3A_1473, %select_n3A_1482 : vector<512x128xf32>
    %min3A_1485 = arith.minimumf %min3A_1474, %max3A_1483 : vector<512x128xf32>
    %get3A_1486 = arith.constant 0 : index
    %get3A_1487 = arith.constant 896 : index
    %get3A_1488 = vector.load %arg10[%get3A_1486, %get3A_1487] : memref<512x2048xf32, #tpu.memory_space<vmem>>, vector<512x128xf32>
    %le3A_1489 = vector.broadcast %broadcast_in_dim3A_1397 : vector<512x1xf32> to vector<512x128xf32>
    %le3A_1490 = arith.cmpf ole, %get3A_1488, %le3A_1489 : vector<512x128xf32>
    %jit3A_1491 = arith.constant 0x7F800000 : f32
    %broadcast_in_dim3A_1492 = vector.broadcast %jit3A_1491 : f32 to vector<512x128xf32>
    %select_n3A_1493 = arith.select %le3A_1490, %broadcast_in_dim3A_1492, %get3A_1488 : vector<512x128xi1>, vector<512x128xf32>
    %max3A_1494 = arith.maximumf %min3A_1484, %select_n3A_1493 : vector<512x128xf32>
    %min3A_1495 = arith.minimumf %min3A_1484, %select_n3A_1493 : vector<512x128xf32>
    %min3A_1496 = arith.minimumf %min3A_1485, %max3A_1494 : vector<512x128xf32>
    %get3A_1497 = arith.constant 0 : index
    %get3A_1498 = arith.constant 1024 : index
    %get3A_1499 = vector.load %arg10[%get3A_1497, %get3A_1498] : memref<512x2048xf32, #tpu.memory_space<vmem>>, vector<512x128xf32>
    %le3A_1500 = vector.broadcast %broadcast_in_dim3A_1397 : vector<512x1xf32> to vector<512x128xf32>
    %le3A_1501 = arith.cmpf ole, %get3A_1499, %le3A_1500 : vector<512x128xf32>
    %jit3A_1502 = arith.constant 0x7F800000 : f32
    %broadcast_in_dim3A_1503 = vector.broadcast %jit3A_1502 : f32 to vector<512x128xf32>
    %select_n3A_1504 = arith.select %le3A_1501, %broadcast_in_dim3A_1503, %get3A_1499 : vector<512x128xi1>, vector<512x128xf32>
    %max3A_1505 = arith.maximumf %min3A_1495, %select_n3A_1504 : vector<512x128xf32>
    %min3A_1506 = arith.minimumf %min3A_1495, %select_n3A_1504 : vector<512x128xf32>
    %min3A_1507 = arith.minimumf %min3A_1496, %max3A_1505 : vector<512x128xf32>
    %get3A_1508 = arith.constant 0 : index
    %get3A_1509 = arith.constant 1152 : index
    %get3A_1510 = vector.load %arg10[%get3A_1508, %get3A_1509] : memref<512x2048xf32, #tpu.memory_space<vmem>>, vector<512x128xf32>
    %le3A_1511 = vector.broadcast %broadcast_in_dim3A_1397 : vector<512x1xf32> to vector<512x128xf32>
    %le3A_1512 = arith.cmpf ole, %get3A_1510, %le3A_1511 : vector<512x128xf32>
    %jit3A_1513 = arith.constant 0x7F800000 : f32
    %broadcast_in_dim3A_1514 = vector.broadcast %jit3A_1513 : f32 to vector<512x128xf32>
    %select_n3A_1515 = arith.select %le3A_1512, %broadcast_in_dim3A_1514, %get3A_1510 : vector<512x128xi1>, vector<512x128xf32>
    %max3A_1516 = arith.maximumf %min3A_1506, %select_n3A_1515 : vector<512x128xf32>
    %min3A_1517 = arith.minimumf %min3A_1506, %select_n3A_1515 : vector<512x128xf32>
    %min3A_1518 = arith.minimumf %min3A_1507, %max3A_1516 : vector<512x128xf32>
    %get3A_1519 = arith.constant 0 : index
    %get3A_1520 = arith.constant 1280 : index
    %get3A_1521 = vector.load %arg10[%get3A_1519, %get3A_1520] : memref<512x2048xf32, #tpu.memory_space<vmem>>, vector<512x128xf32>
    %le3A_1522 = vector.broadcast %broadcast_in_dim3A_1397 : vector<512x1xf32> to vector<512x128xf32>
    %le3A_1523 = arith.cmpf ole, %get3A_1521, %le3A_1522 : vector<512x128xf32>
    %jit3A_1524 = arith.constant 0x7F800000 : f32
    %broadcast_in_dim3A_1525 = vector.broadcast %jit3A_1524 : f32 to vector<512x128xf32>
    %select_n3A_1526 = arith.select %le3A_1523, %broadcast_in_dim3A_1525, %get3A_1521 : vector<512x128xi1>, vector<512x128xf32>
    %max3A_1527 = arith.maximumf %min3A_1517, %select_n3A_1526 : vector<512x128xf32>
    %min3A_1528 = arith.minimumf %min3A_1517, %select_n3A_1526 : vector<512x128xf32>
    %min3A_1529 = arith.minimumf %min3A_1518, %max3A_1527 : vector<512x128xf32>
    %get3A_1530 = arith.constant 0 : index
    %get3A_1531 = arith.constant 1408 : index
    %get3A_1532 = vector.load %arg10[%get3A_1530, %get3A_1531] : memref<512x2048xf32, #tpu.memory_space<vmem>>, vector<512x128xf32>
    %le3A_1533 = vector.broadcast %broadcast_in_dim3A_1397 : vector<512x1xf32> to vector<512x128xf32>
    %le3A_1534 = arith.cmpf ole, %get3A_1532, %le3A_1533 : vector<512x128xf32>
    %jit3A_1535 = arith.constant 0x7F800000 : f32
    %broadcast_in_dim3A_1536 = vector.broadcast %jit3A_1535 : f32 to vector<512x128xf32>
    %select_n3A_1537 = arith.select %le3A_1534, %broadcast_in_dim3A_1536, %get3A_1532 : vector<512x128xi1>, vector<512x128xf32>
    %max3A_1538 = arith.maximumf %min3A_1528, %select_n3A_1537 : vector<512x128xf32>
    %min3A_1539 = arith.minimumf %min3A_1528, %select_n3A_1537 : vector<512x128xf32>
    %min3A_1540 = arith.minimumf %min3A_1529, %max3A_1538 : vector<512x128xf32>
    %get3A_1541 = arith.constant 0 : index
    %get3A_1542 = arith.constant 1536 : index
    %get3A_1543 = vector.load %arg10[%get3A_1541, %get3A_1542] : memref<512x2048xf32, #tpu.memory_space<vmem>>, vector<512x128xf32>
    %le3A_1544 = vector.broadcast %broadcast_in_dim3A_1397 : vector<512x1xf32> to vector<512x128xf32>
    %le3A_1545 = arith.cmpf ole, %get3A_1543, %le3A_1544 : vector<512x128xf32>
    %jit3A_1546 = arith.constant 0x7F800000 : f32
    %broadcast_in_dim3A_1547 = vector.broadcast %jit3A_1546 : f32 to vector<512x128xf32>
    %select_n3A_1548 = arith.select %le3A_1545, %broadcast_in_dim3A_1547, %get3A_1543 : vector<512x128xi1>, vector<512x128xf32>
    %max3A_1549 = arith.maximumf %min3A_1539, %select_n3A_1548 : vector<512x128xf32>
    %min3A_1550 = arith.minimumf %min3A_1539, %select_n3A_1548 : vector<512x128xf32>
    %min3A_1551 = arith.minimumf %min3A_1540, %max3A_1549 : vector<512x128xf32>
    %get3A_1552 = arith.constant 0 : index
    %get3A_1553 = arith.constant 1664 : index
    %get3A_1554 = vector.load %arg10[%get3A_1552, %get3A_1553] : memref<512x2048xf32, #tpu.memory_space<vmem>>, vector<512x128xf32>
    %le3A_1555 = vector.broadcast %broadcast_in_dim3A_1397 : vector<512x1xf32> to vector<512x128xf32>
    %le3A_1556 = arith.cmpf ole, %get3A_1554, %le3A_1555 : vector<512x128xf32>
    %jit3A_1557 = arith.constant 0x7F800000 : f32
    %broadcast_in_dim3A_1558 = vector.broadcast %jit3A_1557 : f32 to vector<512x128xf32>
    %select_n3A_1559 = arith.select %le3A_1556, %broadcast_in_dim3A_1558, %get3A_1554 : vector<512x128xi1>, vector<512x128xf32>
    %max3A_1560 = arith.maximumf %min3A_1550, %select_n3A_1559 : vector<512x128xf32>
    %min3A_1561 = arith.minimumf %min3A_1550, %select_n3A_1559 : vector<512x128xf32>
    %min3A_1562 = arith.minimumf %min3A_1551, %max3A_1560 : vector<512x128xf32>
    %get3A_1563 = arith.constant 0 : index
    %get3A_1564 = arith.constant 1792 : index
    %get3A_1565 = vector.load %arg10[%get3A_1563, %get3A_1564] : memref<512x2048xf32, #tpu.memory_space<vmem>>, vector<512x128xf32>
    %le3A_1566 = vector.broadcast %broadcast_in_dim3A_1397 : vector<512x1xf32> to vector<512x128xf32>
    %le3A_1567 = arith.cmpf ole, %get3A_1565, %le3A_1566 : vector<512x128xf32>
    %jit3A_1568 = arith.constant 0x7F800000 : f32
    %broadcast_in_dim3A_1569 = vector.broadcast %jit3A_1568 : f32 to vector<512x128xf32>
    %select_n3A_1570 = arith.select %le3A_1567, %broadcast_in_dim3A_1569, %get3A_1565 : vector<512x128xi1>, vector<512x128xf32>
    %max3A_1571 = arith.maximumf %min3A_1561, %select_n3A_1570 : vector<512x128xf32>
    %min3A_1572 = arith.minimumf %min3A_1561, %select_n3A_1570 : vector<512x128xf32>
    %min3A_1573 = arith.minimumf %min3A_1562, %max3A_1571 : vector<512x128xf32>
    %get3A_1574 = arith.constant 0 : index
    %get3A_1575 = arith.constant 1920 : index
    %get3A_1576 = vector.load %arg10[%get3A_1574, %get3A_1575] : memref<512x2048xf32, #tpu.memory_space<vmem>>, vector<512x128xf32>
    %le3A_1577 = vector.broadcast %broadcast_in_dim3A_1397 : vector<512x1xf32> to vector<512x128xf32>
    %le3A_1578 = arith.cmpf ole, %get3A_1576, %le3A_1577 : vector<512x128xf32>
    %jit3A_1579 = arith.constant 0x7F800000 : f32
    %broadcast_in_dim3A_1580 = vector.broadcast %jit3A_1579 : f32 to vector<512x128xf32>
    %select_n3A_1581 = arith.select %le3A_1578, %broadcast_in_dim3A_1580, %get3A_1576 : vector<512x128xi1>, vector<512x128xf32>
    %max3A_1582 = arith.maximumf %min3A_1572, %select_n3A_1581 : vector<512x128xf32>
    %min3A_1583 = arith.minimumf %min3A_1572, %select_n3A_1581 : vector<512x128xf32>
    %min3A_1584 = arith.minimumf %min3A_1573, %max3A_1582 : vector<512x128xf32>
    %reduce_min3A_1585 = arith.constant dense<0x7F800000> : vector<512xf32>
    %reduce_min3A_1586 = vector.multi_reduction <minimumf>, %min3A_1583, %reduce_min3A_1585 [1] : vector<512x128xf32> to vector<512xf32>
    %broadcast_in_dim3A_1587 = vector.shape_cast %reduce_min3A_1586 : vector<512xf32> to vector<512x1xf32>
    %eq3A_1588 = vector.broadcast %broadcast_in_dim3A_1587 : vector<512x1xf32> to vector<512x128xf32>
    %eq3A_1589 = arith.cmpf oeq, %min3A_1583, %eq3A_1588 : vector<512x128xf32>
    %select_n3A_1590 = arith.select %eq3A_1589, %min3A_1584, %min3A_1583 : vector<512x128xi1>, vector<512x128xf32>
    %reduce_min3A_1591 = arith.constant dense<0x7F800000> : vector<512xf32>
    %reduce_min3A_1592 = vector.multi_reduction <minimumf>, %select_n3A_1590, %reduce_min3A_1591 [1] : vector<512x128xf32> to vector<512xf32>
    %broadcast_in_dim3A_1593 = vector.shape_cast %reduce_min3A_1592 : vector<512xf32> to vector<512x1xf32>
    %bitcast_convert_type3A_1594 = tpu.bitcast %broadcast_in_dim3A_1587 : vector<512x1xf32> -> vector<512x1xi32>
    %and3A_1595 = arith.constant 2047 : i32
    %and3A_1596 = vector.broadcast %and3A_1595 : i32 to vector<512x1xi32>
    %and3A_1597 = arith.andi %bitcast_convert_type3A_1594, %and3A_1596 : vector<512x1xi32>
    %add3A_1598 = vector.broadcast %mul3A_54 : i32 to vector<512x1xi32>
    %add3A_1599 = arith.addi %and3A_1597, %add3A_1598 : vector<512x1xi32>
    %bitcast_convert_type3A_1600 = tpu.bitcast %broadcast_in_dim3A_1593 : vector<512x1xf32> -> vector<512x1xi32>
    %and3A_1601 = arith.constant 2047 : i32
    %and3A_1602 = vector.broadcast %and3A_1601 : i32 to vector<512x1xi32>
    %and3A_1603 = arith.andi %bitcast_convert_type3A_1600, %and3A_1602 : vector<512x1xi32>
    %add3A_1604 = vector.broadcast %mul3A_54 : i32 to vector<512x1xi32>
    %add3A_1605 = arith.addi %and3A_1603, %add3A_1604 : vector<512x1xi32>
    %get3A_1606 = arith.constant 0 : index
    %get3A_1607 = arith.constant 0 : index
    %get3A_1608 = vector.load %arg10[%get3A_1606, %get3A_1607] : memref<512x2048xf32, #tpu.memory_space<vmem>>, vector<512x128xf32>
    %le3A_1609 = vector.broadcast %broadcast_in_dim3A_1593 : vector<512x1xf32> to vector<512x128xf32>
    %le3A_1610 = arith.cmpf ole, %get3A_1608, %le3A_1609 : vector<512x128xf32>
    %jit3A_1611 = arith.constant 0x7F800000 : f32
    %broadcast_in_dim3A_1612 = vector.broadcast %jit3A_1611 : f32 to vector<512x128xf32>
    %select_n3A_1613 = arith.select %le3A_1610, %broadcast_in_dim3A_1612, %get3A_1608 : vector<512x128xi1>, vector<512x128xf32>
    %broadcast_in_dim3A_1614 = arith.constant 0x7F800000 : f32
    %broadcast_in_dim3A_1615 = vector.broadcast %broadcast_in_dim3A_1614 : f32 to vector<512x128xf32>
    %get3A_1616 = arith.constant 0 : index
    %get3A_1617 = arith.constant 128 : index
    %get3A_1618 = vector.load %arg10[%get3A_1616, %get3A_1617] : memref<512x2048xf32, #tpu.memory_space<vmem>>, vector<512x128xf32>
    %le3A_1619 = vector.broadcast %broadcast_in_dim3A_1593 : vector<512x1xf32> to vector<512x128xf32>
    %le3A_1620 = arith.cmpf ole, %get3A_1618, %le3A_1619 : vector<512x128xf32>
    %jit3A_1621 = arith.constant 0x7F800000 : f32
    %broadcast_in_dim3A_1622 = vector.broadcast %jit3A_1621 : f32 to vector<512x128xf32>
    %select_n3A_1623 = arith.select %le3A_1620, %broadcast_in_dim3A_1622, %get3A_1618 : vector<512x128xi1>, vector<512x128xf32>
    %max3A_1624 = arith.maximumf %select_n3A_1613, %select_n3A_1623 : vector<512x128xf32>
    %min3A_1625 = arith.minimumf %select_n3A_1613, %select_n3A_1623 : vector<512x128xf32>
    %min3A_1626 = arith.minimumf %broadcast_in_dim3A_1615, %max3A_1624 : vector<512x128xf32>
    %get3A_1627 = arith.constant 0 : index
    %get3A_1628 = arith.constant 256 : index
    %get3A_1629 = vector.load %arg10[%get3A_1627, %get3A_1628] : memref<512x2048xf32, #tpu.memory_space<vmem>>, vector<512x128xf32>
    %le3A_1630 = vector.broadcast %broadcast_in_dim3A_1593 : vector<512x1xf32> to vector<512x128xf32>
    %le3A_1631 = arith.cmpf ole, %get3A_1629, %le3A_1630 : vector<512x128xf32>
    %jit3A_1632 = arith.constant 0x7F800000 : f32
    %broadcast_in_dim3A_1633 = vector.broadcast %jit3A_1632 : f32 to vector<512x128xf32>
    %select_n3A_1634 = arith.select %le3A_1631, %broadcast_in_dim3A_1633, %get3A_1629 : vector<512x128xi1>, vector<512x128xf32>
    %max3A_1635 = arith.maximumf %min3A_1625, %select_n3A_1634 : vector<512x128xf32>
    %min3A_1636 = arith.minimumf %min3A_1625, %select_n3A_1634 : vector<512x128xf32>
    %min3A_1637 = arith.minimumf %min3A_1626, %max3A_1635 : vector<512x128xf32>
    %get3A_1638 = arith.constant 0 : index
    %get3A_1639 = arith.constant 384 : index
    %get3A_1640 = vector.load %arg10[%get3A_1638, %get3A_1639] : memref<512x2048xf32, #tpu.memory_space<vmem>>, vector<512x128xf32>
    %le3A_1641 = vector.broadcast %broadcast_in_dim3A_1593 : vector<512x1xf32> to vector<512x128xf32>
    %le3A_1642 = arith.cmpf ole, %get3A_1640, %le3A_1641 : vector<512x128xf32>
    %jit3A_1643 = arith.constant 0x7F800000 : f32
    %broadcast_in_dim3A_1644 = vector.broadcast %jit3A_1643 : f32 to vector<512x128xf32>
    %select_n3A_1645 = arith.select %le3A_1642, %broadcast_in_dim3A_1644, %get3A_1640 : vector<512x128xi1>, vector<512x128xf32>
    %max3A_1646 = arith.maximumf %min3A_1636, %select_n3A_1645 : vector<512x128xf32>
    %min3A_1647 = arith.minimumf %min3A_1636, %select_n3A_1645 : vector<512x128xf32>
    %min3A_1648 = arith.minimumf %min3A_1637, %max3A_1646 : vector<512x128xf32>
    %get3A_1649 = arith.constant 0 : index
    %get3A_1650 = arith.constant 512 : index
    %get3A_1651 = vector.load %arg10[%get3A_1649, %get3A_1650] : memref<512x2048xf32, #tpu.memory_space<vmem>>, vector<512x128xf32>
    %le3A_1652 = vector.broadcast %broadcast_in_dim3A_1593 : vector<512x1xf32> to vector<512x128xf32>
    %le3A_1653 = arith.cmpf ole, %get3A_1651, %le3A_1652 : vector<512x128xf32>
    %jit3A_1654 = arith.constant 0x7F800000 : f32
    %broadcast_in_dim3A_1655 = vector.broadcast %jit3A_1654 : f32 to vector<512x128xf32>
    %select_n3A_1656 = arith.select %le3A_1653, %broadcast_in_dim3A_1655, %get3A_1651 : vector<512x128xi1>, vector<512x128xf32>
    %max3A_1657 = arith.maximumf %min3A_1647, %select_n3A_1656 : vector<512x128xf32>
    %min3A_1658 = arith.minimumf %min3A_1647, %select_n3A_1656 : vector<512x128xf32>
    %min3A_1659 = arith.minimumf %min3A_1648, %max3A_1657 : vector<512x128xf32>
    %get3A_1660 = arith.constant 0 : index
    %get3A_1661 = arith.constant 640 : index
    %get3A_1662 = vector.load %arg10[%get3A_1660, %get3A_1661] : memref<512x2048xf32, #tpu.memory_space<vmem>>, vector<512x128xf32>
    %le3A_1663 = vector.broadcast %broadcast_in_dim3A_1593 : vector<512x1xf32> to vector<512x128xf32>
    %le3A_1664 = arith.cmpf ole, %get3A_1662, %le3A_1663 : vector<512x128xf32>
    %jit3A_1665 = arith.constant 0x7F800000 : f32
    %broadcast_in_dim3A_1666 = vector.broadcast %jit3A_1665 : f32 to vector<512x128xf32>
    %select_n3A_1667 = arith.select %le3A_1664, %broadcast_in_dim3A_1666, %get3A_1662 : vector<512x128xi1>, vector<512x128xf32>
    %max3A_1668 = arith.maximumf %min3A_1658, %select_n3A_1667 : vector<512x128xf32>
    %min3A_1669 = arith.minimumf %min3A_1658, %select_n3A_1667 : vector<512x128xf32>
    %min3A_1670 = arith.minimumf %min3A_1659, %max3A_1668 : vector<512x128xf32>
    %get3A_1671 = arith.constant 0 : index
    %get3A_1672 = arith.constant 768 : index
    %get3A_1673 = vector.load %arg10[%get3A_1671, %get3A_1672] : memref<512x2048xf32, #tpu.memory_space<vmem>>, vector<512x128xf32>
    %le3A_1674 = vector.broadcast %broadcast_in_dim3A_1593 : vector<512x1xf32> to vector<512x128xf32>
    %le3A_1675 = arith.cmpf ole, %get3A_1673, %le3A_1674 : vector<512x128xf32>
    %jit3A_1676 = arith.constant 0x7F800000 : f32
    %broadcast_in_dim3A_1677 = vector.broadcast %jit3A_1676 : f32 to vector<512x128xf32>
    %select_n3A_1678 = arith.select %le3A_1675, %broadcast_in_dim3A_1677, %get3A_1673 : vector<512x128xi1>, vector<512x128xf32>
    %max3A_1679 = arith.maximumf %min3A_1669, %select_n3A_1678 : vector<512x128xf32>
    %min3A_1680 = arith.minimumf %min3A_1669, %select_n3A_1678 : vector<512x128xf32>
    %min3A_1681 = arith.minimumf %min3A_1670, %max3A_1679 : vector<512x128xf32>
    %get3A_1682 = arith.constant 0 : index
    %get3A_1683 = arith.constant 896 : index
    %get3A_1684 = vector.load %arg10[%get3A_1682, %get3A_1683] : memref<512x2048xf32, #tpu.memory_space<vmem>>, vector<512x128xf32>
    %le3A_1685 = vector.broadcast %broadcast_in_dim3A_1593 : vector<512x1xf32> to vector<512x128xf32>
    %le3A_1686 = arith.cmpf ole, %get3A_1684, %le3A_1685 : vector<512x128xf32>
    %jit3A_1687 = arith.constant 0x7F800000 : f32
    %broadcast_in_dim3A_1688 = vector.broadcast %jit3A_1687 : f32 to vector<512x128xf32>
    %select_n3A_1689 = arith.select %le3A_1686, %broadcast_in_dim3A_1688, %get3A_1684 : vector<512x128xi1>, vector<512x128xf32>
    %max3A_1690 = arith.maximumf %min3A_1680, %select_n3A_1689 : vector<512x128xf32>
    %min3A_1691 = arith.minimumf %min3A_1680, %select_n3A_1689 : vector<512x128xf32>
    %min3A_1692 = arith.minimumf %min3A_1681, %max3A_1690 : vector<512x128xf32>
    %get3A_1693 = arith.constant 0 : index
    %get3A_1694 = arith.constant 1024 : index
    %get3A_1695 = vector.load %arg10[%get3A_1693, %get3A_1694] : memref<512x2048xf32, #tpu.memory_space<vmem>>, vector<512x128xf32>
    %le3A_1696 = vector.broadcast %broadcast_in_dim3A_1593 : vector<512x1xf32> to vector<512x128xf32>
    %le3A_1697 = arith.cmpf ole, %get3A_1695, %le3A_1696 : vector<512x128xf32>
    %jit3A_1698 = arith.constant 0x7F800000 : f32
    %broadcast_in_dim3A_1699 = vector.broadcast %jit3A_1698 : f32 to vector<512x128xf32>
    %select_n3A_1700 = arith.select %le3A_1697, %broadcast_in_dim3A_1699, %get3A_1695 : vector<512x128xi1>, vector<512x128xf32>
    %max3A_1701 = arith.maximumf %min3A_1691, %select_n3A_1700 : vector<512x128xf32>
    %min3A_1702 = arith.minimumf %min3A_1691, %select_n3A_1700 : vector<512x128xf32>
    %min3A_1703 = arith.minimumf %min3A_1692, %max3A_1701 : vector<512x128xf32>
    %get3A_1704 = arith.constant 0 : index
    %get3A_1705 = arith.constant 1152 : index
    %get3A_1706 = vector.load %arg10[%get3A_1704, %get3A_1705] : memref<512x2048xf32, #tpu.memory_space<vmem>>, vector<512x128xf32>
    %le3A_1707 = vector.broadcast %broadcast_in_dim3A_1593 : vector<512x1xf32> to vector<512x128xf32>
    %le3A_1708 = arith.cmpf ole, %get3A_1706, %le3A_1707 : vector<512x128xf32>
    %jit3A_1709 = arith.constant 0x7F800000 : f32
    %broadcast_in_dim3A_1710 = vector.broadcast %jit3A_1709 : f32 to vector<512x128xf32>
    %select_n3A_1711 = arith.select %le3A_1708, %broadcast_in_dim3A_1710, %get3A_1706 : vector<512x128xi1>, vector<512x128xf32>
    %max3A_1712 = arith.maximumf %min3A_1702, %select_n3A_1711 : vector<512x128xf32>
    %min3A_1713 = arith.minimumf %min3A_1702, %select_n3A_1711 : vector<512x128xf32>
    %min3A_1714 = arith.minimumf %min3A_1703, %max3A_1712 : vector<512x128xf32>
    %get3A_1715 = arith.constant 0 : index
    %get3A_1716 = arith.constant 1280 : index
    %get3A_1717 = vector.load %arg10[%get3A_1715, %get3A_1716] : memref<512x2048xf32, #tpu.memory_space<vmem>>, vector<512x128xf32>
    %le3A_1718 = vector.broadcast %broadcast_in_dim3A_1593 : vector<512x1xf32> to vector<512x128xf32>
    %le3A_1719 = arith.cmpf ole, %get3A_1717, %le3A_1718 : vector<512x128xf32>
    %jit3A_1720 = arith.constant 0x7F800000 : f32
    %broadcast_in_dim3A_1721 = vector.broadcast %jit3A_1720 : f32 to vector<512x128xf32>
    %select_n3A_1722 = arith.select %le3A_1719, %broadcast_in_dim3A_1721, %get3A_1717 : vector<512x128xi1>, vector<512x128xf32>
    %max3A_1723 = arith.maximumf %min3A_1713, %select_n3A_1722 : vector<512x128xf32>
    %min3A_1724 = arith.minimumf %min3A_1713, %select_n3A_1722 : vector<512x128xf32>
    %min3A_1725 = arith.minimumf %min3A_1714, %max3A_1723 : vector<512x128xf32>
    %get3A_1726 = arith.constant 0 : index
    %get3A_1727 = arith.constant 1408 : index
    %get3A_1728 = vector.load %arg10[%get3A_1726, %get3A_1727] : memref<512x2048xf32, #tpu.memory_space<vmem>>, vector<512x128xf32>
    %le3A_1729 = vector.broadcast %broadcast_in_dim3A_1593 : vector<512x1xf32> to vector<512x128xf32>
    %le3A_1730 = arith.cmpf ole, %get3A_1728, %le3A_1729 : vector<512x128xf32>
    %jit3A_1731 = arith.constant 0x7F800000 : f32
    %broadcast_in_dim3A_1732 = vector.broadcast %jit3A_1731 : f32 to vector<512x128xf32>
    %select_n3A_1733 = arith.select %le3A_1730, %broadcast_in_dim3A_1732, %get3A_1728 : vector<512x128xi1>, vector<512x128xf32>
    %max3A_1734 = arith.maximumf %min3A_1724, %select_n3A_1733 : vector<512x128xf32>
    %min3A_1735 = arith.minimumf %min3A_1724, %select_n3A_1733 : vector<512x128xf32>
    %min3A_1736 = arith.minimumf %min3A_1725, %max3A_1734 : vector<512x128xf32>
    %get3A_1737 = arith.constant 0 : index
    %get3A_1738 = arith.constant 1536 : index
    %get3A_1739 = vector.load %arg10[%get3A_1737, %get3A_1738] : memref<512x2048xf32, #tpu.memory_space<vmem>>, vector<512x128xf32>
    %le3A_1740 = vector.broadcast %broadcast_in_dim3A_1593 : vector<512x1xf32> to vector<512x128xf32>
    %le3A_1741 = arith.cmpf ole, %get3A_1739, %le3A_1740 : vector<512x128xf32>
    %jit3A_1742 = arith.constant 0x7F800000 : f32
    %broadcast_in_dim3A_1743 = vector.broadcast %jit3A_1742 : f32 to vector<512x128xf32>
    %select_n3A_1744 = arith.select %le3A_1741, %broadcast_in_dim3A_1743, %get3A_1739 : vector<512x128xi1>, vector<512x128xf32>
    %max3A_1745 = arith.maximumf %min3A_1735, %select_n3A_1744 : vector<512x128xf32>
    %min3A_1746 = arith.minimumf %min3A_1735, %select_n3A_1744 : vector<512x128xf32>
    %min3A_1747 = arith.minimumf %min3A_1736, %max3A_1745 : vector<512x128xf32>
    %get3A_1748 = arith.constant 0 : index
    %get3A_1749 = arith.constant 1664 : index
    %get3A_1750 = vector.load %arg10[%get3A_1748, %get3A_1749] : memref<512x2048xf32, #tpu.memory_space<vmem>>, vector<512x128xf32>
    %le3A_1751 = vector.broadcast %broadcast_in_dim3A_1593 : vector<512x1xf32> to vector<512x128xf32>
    %le3A_1752 = arith.cmpf ole, %get3A_1750, %le3A_1751 : vector<512x128xf32>
    %jit3A_1753 = arith.constant 0x7F800000 : f32
    %broadcast_in_dim3A_1754 = vector.broadcast %jit3A_1753 : f32 to vector<512x128xf32>
    %select_n3A_1755 = arith.select %le3A_1752, %broadcast_in_dim3A_1754, %get3A_1750 : vector<512x128xi1>, vector<512x128xf32>
    %max3A_1756 = arith.maximumf %min3A_1746, %select_n3A_1755 : vector<512x128xf32>
    %min3A_1757 = arith.minimumf %min3A_1746, %select_n3A_1755 : vector<512x128xf32>
    %min3A_1758 = arith.minimumf %min3A_1747, %max3A_1756 : vector<512x128xf32>
    %get3A_1759 = arith.constant 0 : index
    %get3A_1760 = arith.constant 1792 : index
    %get3A_1761 = vector.load %arg10[%get3A_1759, %get3A_1760] : memref<512x2048xf32, #tpu.memory_space<vmem>>, vector<512x128xf32>
    %le3A_1762 = vector.broadcast %broadcast_in_dim3A_1593 : vector<512x1xf32> to vector<512x128xf32>
    %le3A_1763 = arith.cmpf ole, %get3A_1761, %le3A_1762 : vector<512x128xf32>
    %jit3A_1764 = arith.constant 0x7F800000 : f32
    %broadcast_in_dim3A_1765 = vector.broadcast %jit3A_1764 : f32 to vector<512x128xf32>
    %select_n3A_1766 = arith.select %le3A_1763, %broadcast_in_dim3A_1765, %get3A_1761 : vector<512x128xi1>, vector<512x128xf32>
    %max3A_1767 = arith.maximumf %min3A_1757, %select_n3A_1766 : vector<512x128xf32>
    %min3A_1768 = arith.minimumf %min3A_1757, %select_n3A_1766 : vector<512x128xf32>
    %min3A_1769 = arith.minimumf %min3A_1758, %max3A_1767 : vector<512x128xf32>
    %get3A_1770 = arith.constant 0 : index
    %get3A_1771 = arith.constant 1920 : index
    %get3A_1772 = vector.load %arg10[%get3A_1770, %get3A_1771] : memref<512x2048xf32, #tpu.memory_space<vmem>>, vector<512x128xf32>
    %le3A_1773 = vector.broadcast %broadcast_in_dim3A_1593 : vector<512x1xf32> to vector<512x128xf32>
    %le3A_1774 = arith.cmpf ole, %get3A_1772, %le3A_1773 : vector<512x128xf32>
    %jit3A_1775 = arith.constant 0x7F800000 : f32
    %broadcast_in_dim3A_1776 = vector.broadcast %jit3A_1775 : f32 to vector<512x128xf32>
    %select_n3A_1777 = arith.select %le3A_1774, %broadcast_in_dim3A_1776, %get3A_1772 : vector<512x128xi1>, vector<512x128xf32>
    %max3A_1778 = arith.maximumf %min3A_1768, %select_n3A_1777 : vector<512x128xf32>
    %min3A_1779 = arith.minimumf %min3A_1768, %select_n3A_1777 : vector<512x128xf32>
    %min3A_1780 = arith.minimumf %min3A_1769, %max3A_1778 : vector<512x128xf32>
    %reduce_min3A_1781 = arith.constant dense<0x7F800000> : vector<512xf32>
    %reduce_min3A_1782 = vector.multi_reduction <minimumf>, %min3A_1779, %reduce_min3A_1781 [1] : vector<512x128xf32> to vector<512xf32>
    %broadcast_in_dim3A_1783 = vector.shape_cast %reduce_min3A_1782 : vector<512xf32> to vector<512x1xf32>
    %eq3A_1784 = vector.broadcast %broadcast_in_dim3A_1783 : vector<512x1xf32> to vector<512x128xf32>
    %eq3A_1785 = arith.cmpf oeq, %min3A_1779, %eq3A_1784 : vector<512x128xf32>
    %select_n3A_1786 = arith.select %eq3A_1785, %min3A_1780, %min3A_1779 : vector<512x128xi1>, vector<512x128xf32>
    %reduce_min3A_1787 = arith.constant dense<0x7F800000> : vector<512xf32>
    %reduce_min3A_1788 = vector.multi_reduction <minimumf>, %select_n3A_1786, %reduce_min3A_1787 [1] : vector<512x128xf32> to vector<512xf32>
    %broadcast_in_dim3A_1789 = vector.shape_cast %reduce_min3A_1788 : vector<512xf32> to vector<512x1xf32>
    %bitcast_convert_type3A_1790 = tpu.bitcast %broadcast_in_dim3A_1783 : vector<512x1xf32> -> vector<512x1xi32>
    %and3A_1791 = arith.constant 2047 : i32
    %and3A_1792 = vector.broadcast %and3A_1791 : i32 to vector<512x1xi32>
    %and3A_1793 = arith.andi %bitcast_convert_type3A_1790, %and3A_1792 : vector<512x1xi32>
    %add3A_1794 = vector.broadcast %mul3A_54 : i32 to vector<512x1xi32>
    %add3A_1795 = arith.addi %and3A_1793, %add3A_1794 : vector<512x1xi32>
    %bitcast_convert_type3A_1796 = tpu.bitcast %broadcast_in_dim3A_1789 : vector<512x1xf32> -> vector<512x1xi32>
    %and3A_1797 = arith.constant 2047 : i32
    %and3A_1798 = vector.broadcast %and3A_1797 : i32 to vector<512x1xi32>
    %and3A_1799 = arith.andi %bitcast_convert_type3A_1796, %and3A_1798 : vector<512x1xi32>
    %add3A_1800 = vector.broadcast %mul3A_54 : i32 to vector<512x1xi32>
    %add3A_1801 = arith.addi %and3A_1799, %add3A_1800 : vector<512x1xi32>
    %get3A_1802 = arith.constant 0 : index
    %get3A_1803 = arith.constant 0 : index
    %get3A_1804 = vector.load %arg10[%get3A_1802, %get3A_1803] : memref<512x2048xf32, #tpu.memory_space<vmem>>, vector<512x128xf32>
    %le3A_1805 = vector.broadcast %broadcast_in_dim3A_1789 : vector<512x1xf32> to vector<512x128xf32>
    %le3A_1806 = arith.cmpf ole, %get3A_1804, %le3A_1805 : vector<512x128xf32>
    %jit3A_1807 = arith.constant 0x7F800000 : f32
    %broadcast_in_dim3A_1808 = vector.broadcast %jit3A_1807 : f32 to vector<512x128xf32>
    %select_n3A_1809 = arith.select %le3A_1806, %broadcast_in_dim3A_1808, %get3A_1804 : vector<512x128xi1>, vector<512x128xf32>
    %get3A_1810 = arith.constant 0 : index
    %get3A_1811 = arith.constant 128 : index
    %get3A_1812 = vector.load %arg10[%get3A_1810, %get3A_1811] : memref<512x2048xf32, #tpu.memory_space<vmem>>, vector<512x128xf32>
    %le3A_1813 = vector.broadcast %broadcast_in_dim3A_1789 : vector<512x1xf32> to vector<512x128xf32>
    %le3A_1814 = arith.cmpf ole, %get3A_1812, %le3A_1813 : vector<512x128xf32>
    %jit3A_1815 = arith.constant 0x7F800000 : f32
    %broadcast_in_dim3A_1816 = vector.broadcast %jit3A_1815 : f32 to vector<512x128xf32>
    %select_n3A_1817 = arith.select %le3A_1814, %broadcast_in_dim3A_1816, %get3A_1812 : vector<512x128xi1>, vector<512x128xf32>
    %min3A_1818 = arith.minimumf %select_n3A_1809, %select_n3A_1817 : vector<512x128xf32>
    %get3A_1819 = arith.constant 0 : index
    %get3A_1820 = arith.constant 256 : index
    %get3A_1821 = vector.load %arg10[%get3A_1819, %get3A_1820] : memref<512x2048xf32, #tpu.memory_space<vmem>>, vector<512x128xf32>
    %le3A_1822 = vector.broadcast %broadcast_in_dim3A_1789 : vector<512x1xf32> to vector<512x128xf32>
    %le3A_1823 = arith.cmpf ole, %get3A_1821, %le3A_1822 : vector<512x128xf32>
    %jit3A_1824 = arith.constant 0x7F800000 : f32
    %broadcast_in_dim3A_1825 = vector.broadcast %jit3A_1824 : f32 to vector<512x128xf32>
    %select_n3A_1826 = arith.select %le3A_1823, %broadcast_in_dim3A_1825, %get3A_1821 : vector<512x128xi1>, vector<512x128xf32>
    %min3A_1827 = arith.minimumf %min3A_1818, %select_n3A_1826 : vector<512x128xf32>
    %get3A_1828 = arith.constant 0 : index
    %get3A_1829 = arith.constant 384 : index
    %get3A_1830 = vector.load %arg10[%get3A_1828, %get3A_1829] : memref<512x2048xf32, #tpu.memory_space<vmem>>, vector<512x128xf32>
    %le3A_1831 = vector.broadcast %broadcast_in_dim3A_1789 : vector<512x1xf32> to vector<512x128xf32>
    %le3A_1832 = arith.cmpf ole, %get3A_1830, %le3A_1831 : vector<512x128xf32>
    %jit3A_1833 = arith.constant 0x7F800000 : f32
    %broadcast_in_dim3A_1834 = vector.broadcast %jit3A_1833 : f32 to vector<512x128xf32>
    %select_n3A_1835 = arith.select %le3A_1832, %broadcast_in_dim3A_1834, %get3A_1830 : vector<512x128xi1>, vector<512x128xf32>
    %min3A_1836 = arith.minimumf %min3A_1827, %select_n3A_1835 : vector<512x128xf32>
    %get3A_1837 = arith.constant 0 : index
    %get3A_1838 = arith.constant 512 : index
    %get3A_1839 = vector.load %arg10[%get3A_1837, %get3A_1838] : memref<512x2048xf32, #tpu.memory_space<vmem>>, vector<512x128xf32>
    %le3A_1840 = vector.broadcast %broadcast_in_dim3A_1789 : vector<512x1xf32> to vector<512x128xf32>
    %le3A_1841 = arith.cmpf ole, %get3A_1839, %le3A_1840 : vector<512x128xf32>
    %jit3A_1842 = arith.constant 0x7F800000 : f32
    %broadcast_in_dim3A_1843 = vector.broadcast %jit3A_1842 : f32 to vector<512x128xf32>
    %select_n3A_1844 = arith.select %le3A_1841, %broadcast_in_dim3A_1843, %get3A_1839 : vector<512x128xi1>, vector<512x128xf32>
    %min3A_1845 = arith.minimumf %min3A_1836, %select_n3A_1844 : vector<512x128xf32>
    %get3A_1846 = arith.constant 0 : index
    %get3A_1847 = arith.constant 640 : index
    %get3A_1848 = vector.load %arg10[%get3A_1846, %get3A_1847] : memref<512x2048xf32, #tpu.memory_space<vmem>>, vector<512x128xf32>
    %le3A_1849 = vector.broadcast %broadcast_in_dim3A_1789 : vector<512x1xf32> to vector<512x128xf32>
    %le3A_1850 = arith.cmpf ole, %get3A_1848, %le3A_1849 : vector<512x128xf32>
    %jit3A_1851 = arith.constant 0x7F800000 : f32
    %broadcast_in_dim3A_1852 = vector.broadcast %jit3A_1851 : f32 to vector<512x128xf32>
    %select_n3A_1853 = arith.select %le3A_1850, %broadcast_in_dim3A_1852, %get3A_1848 : vector<512x128xi1>, vector<512x128xf32>
    %min3A_1854 = arith.minimumf %min3A_1845, %select_n3A_1853 : vector<512x128xf32>
    %get3A_1855 = arith.constant 0 : index
    %get3A_1856 = arith.constant 768 : index
    %get3A_1857 = vector.load %arg10[%get3A_1855, %get3A_1856] : memref<512x2048xf32, #tpu.memory_space<vmem>>, vector<512x128xf32>
    %le3A_1858 = vector.broadcast %broadcast_in_dim3A_1789 : vector<512x1xf32> to vector<512x128xf32>
    %le3A_1859 = arith.cmpf ole, %get3A_1857, %le3A_1858 : vector<512x128xf32>
    %jit3A_1860 = arith.constant 0x7F800000 : f32
    %broadcast_in_dim3A_1861 = vector.broadcast %jit3A_1860 : f32 to vector<512x128xf32>
    %select_n3A_1862 = arith.select %le3A_1859, %broadcast_in_dim3A_1861, %get3A_1857 : vector<512x128xi1>, vector<512x128xf32>
    %min3A_1863 = arith.minimumf %min3A_1854, %select_n3A_1862 : vector<512x128xf32>
    %get3A_1864 = arith.constant 0 : index
    %get3A_1865 = arith.constant 896 : index
    %get3A_1866 = vector.load %arg10[%get3A_1864, %get3A_1865] : memref<512x2048xf32, #tpu.memory_space<vmem>>, vector<512x128xf32>
    %le3A_1867 = vector.broadcast %broadcast_in_dim3A_1789 : vector<512x1xf32> to vector<512x128xf32>
    %le3A_1868 = arith.cmpf ole, %get3A_1866, %le3A_1867 : vector<512x128xf32>
    %jit3A_1869 = arith.constant 0x7F800000 : f32
    %broadcast_in_dim3A_1870 = vector.broadcast %jit3A_1869 : f32 to vector<512x128xf32>
    %select_n3A_1871 = arith.select %le3A_1868, %broadcast_in_dim3A_1870, %get3A_1866 : vector<512x128xi1>, vector<512x128xf32>
    %min3A_1872 = arith.minimumf %min3A_1863, %select_n3A_1871 : vector<512x128xf32>
    %get3A_1873 = arith.constant 0 : index
    %get3A_1874 = arith.constant 1024 : index
    %get3A_1875 = vector.load %arg10[%get3A_1873, %get3A_1874] : memref<512x2048xf32, #tpu.memory_space<vmem>>, vector<512x128xf32>
    %le3A_1876 = vector.broadcast %broadcast_in_dim3A_1789 : vector<512x1xf32> to vector<512x128xf32>
    %le3A_1877 = arith.cmpf ole, %get3A_1875, %le3A_1876 : vector<512x128xf32>
    %jit3A_1878 = arith.constant 0x7F800000 : f32
    %broadcast_in_dim3A_1879 = vector.broadcast %jit3A_1878 : f32 to vector<512x128xf32>
    %select_n3A_1880 = arith.select %le3A_1877, %broadcast_in_dim3A_1879, %get3A_1875 : vector<512x128xi1>, vector<512x128xf32>
    %min3A_1881 = arith.minimumf %min3A_1872, %select_n3A_1880 : vector<512x128xf32>
    %get3A_1882 = arith.constant 0 : index
    %get3A_1883 = arith.constant 1152 : index
    %get3A_1884 = vector.load %arg10[%get3A_1882, %get3A_1883] : memref<512x2048xf32, #tpu.memory_space<vmem>>, vector<512x128xf32>
    %le3A_1885 = vector.broadcast %broadcast_in_dim3A_1789 : vector<512x1xf32> to vector<512x128xf32>
    %le3A_1886 = arith.cmpf ole, %get3A_1884, %le3A_1885 : vector<512x128xf32>
    %jit3A_1887 = arith.constant 0x7F800000 : f32
    %broadcast_in_dim3A_1888 = vector.broadcast %jit3A_1887 : f32 to vector<512x128xf32>
    %select_n3A_1889 = arith.select %le3A_1886, %broadcast_in_dim3A_1888, %get3A_1884 : vector<512x128xi1>, vector<512x128xf32>
    %min3A_1890 = arith.minimumf %min3A_1881, %select_n3A_1889 : vector<512x128xf32>
    %get3A_1891 = arith.constant 0 : index
    %get3A_1892 = arith.constant 1280 : index
    %get3A_1893 = vector.load %arg10[%get3A_1891, %get3A_1892] : memref<512x2048xf32, #tpu.memory_space<vmem>>, vector<512x128xf32>
    %le3A_1894 = vector.broadcast %broadcast_in_dim3A_1789 : vector<512x1xf32> to vector<512x128xf32>
    %le3A_1895 = arith.cmpf ole, %get3A_1893, %le3A_1894 : vector<512x128xf32>
    %jit3A_1896 = arith.constant 0x7F800000 : f32
    %broadcast_in_dim3A_1897 = vector.broadcast %jit3A_1896 : f32 to vector<512x128xf32>
    %select_n3A_1898 = arith.select %le3A_1895, %broadcast_in_dim3A_1897, %get3A_1893 : vector<512x128xi1>, vector<512x128xf32>
    %min3A_1899 = arith.minimumf %min3A_1890, %select_n3A_1898 : vector<512x128xf32>
    %get3A_1900 = arith.constant 0 : index
    %get3A_1901 = arith.constant 1408 : index
    %get3A_1902 = vector.load %arg10[%get3A_1900, %get3A_1901] : memref<512x2048xf32, #tpu.memory_space<vmem>>, vector<512x128xf32>
    %le3A_1903 = vector.broadcast %broadcast_in_dim3A_1789 : vector<512x1xf32> to vector<512x128xf32>
    %le3A_1904 = arith.cmpf ole, %get3A_1902, %le3A_1903 : vector<512x128xf32>
    %jit3A_1905 = arith.constant 0x7F800000 : f32
    %broadcast_in_dim3A_1906 = vector.broadcast %jit3A_1905 : f32 to vector<512x128xf32>
    %select_n3A_1907 = arith.select %le3A_1904, %broadcast_in_dim3A_1906, %get3A_1902 : vector<512x128xi1>, vector<512x128xf32>
    %min3A_1908 = arith.minimumf %min3A_1899, %select_n3A_1907 : vector<512x128xf32>
    %get3A_1909 = arith.constant 0 : index
    %get3A_1910 = arith.constant 1536 : index
    %get3A_1911 = vector.load %arg10[%get3A_1909, %get3A_1910] : memref<512x2048xf32, #tpu.memory_space<vmem>>, vector<512x128xf32>
    %le3A_1912 = vector.broadcast %broadcast_in_dim3A_1789 : vector<512x1xf32> to vector<512x128xf32>
    %le3A_1913 = arith.cmpf ole, %get3A_1911, %le3A_1912 : vector<512x128xf32>
    %jit3A_1914 = arith.constant 0x7F800000 : f32
    %broadcast_in_dim3A_1915 = vector.broadcast %jit3A_1914 : f32 to vector<512x128xf32>
    %select_n3A_1916 = arith.select %le3A_1913, %broadcast_in_dim3A_1915, %get3A_1911 : vector<512x128xi1>, vector<512x128xf32>
    %min3A_1917 = arith.minimumf %min3A_1908, %select_n3A_1916 : vector<512x128xf32>
    %get3A_1918 = arith.constant 0 : index
    %get3A_1919 = arith.constant 1664 : index
    %get3A_1920 = vector.load %arg10[%get3A_1918, %get3A_1919] : memref<512x2048xf32, #tpu.memory_space<vmem>>, vector<512x128xf32>
    %le3A_1921 = vector.broadcast %broadcast_in_dim3A_1789 : vector<512x1xf32> to vector<512x128xf32>
    %le3A_1922 = arith.cmpf ole, %get3A_1920, %le3A_1921 : vector<512x128xf32>
    %jit3A_1923 = arith.constant 0x7F800000 : f32
    %broadcast_in_dim3A_1924 = vector.broadcast %jit3A_1923 : f32 to vector<512x128xf32>
    %select_n3A_1925 = arith.select %le3A_1922, %broadcast_in_dim3A_1924, %get3A_1920 : vector<512x128xi1>, vector<512x128xf32>
    %min3A_1926 = arith.minimumf %min3A_1917, %select_n3A_1925 : vector<512x128xf32>
    %get3A_1927 = arith.constant 0 : index
    %get3A_1928 = arith.constant 1792 : index
    %get3A_1929 = vector.load %arg10[%get3A_1927, %get3A_1928] : memref<512x2048xf32, #tpu.memory_space<vmem>>, vector<512x128xf32>
    %le3A_1930 = vector.broadcast %broadcast_in_dim3A_1789 : vector<512x1xf32> to vector<512x128xf32>
    %le3A_1931 = arith.cmpf ole, %get3A_1929, %le3A_1930 : vector<512x128xf32>
    %jit3A_1932 = arith.constant 0x7F800000 : f32
    %broadcast_in_dim3A_1933 = vector.broadcast %jit3A_1932 : f32 to vector<512x128xf32>
    %select_n3A_1934 = arith.select %le3A_1931, %broadcast_in_dim3A_1933, %get3A_1929 : vector<512x128xi1>, vector<512x128xf32>
    %min3A_1935 = arith.minimumf %min3A_1926, %select_n3A_1934 : vector<512x128xf32>
    %get3A_1936 = arith.constant 0 : index
    %get3A_1937 = arith.constant 1920 : index
    %get3A_1938 = vector.load %arg10[%get3A_1936, %get3A_1937] : memref<512x2048xf32, #tpu.memory_space<vmem>>, vector<512x128xf32>
    %le3A_1939 = vector.broadcast %broadcast_in_dim3A_1789 : vector<512x1xf32> to vector<512x128xf32>
    %le3A_1940 = arith.cmpf ole, %get3A_1938, %le3A_1939 : vector<512x128xf32>
    %jit3A_1941 = arith.constant 0x7F800000 : f32
    %broadcast_in_dim3A_1942 = vector.broadcast %jit3A_1941 : f32 to vector<512x128xf32>
    %select_n3A_1943 = arith.select %le3A_1940, %broadcast_in_dim3A_1942, %get3A_1938 : vector<512x128xi1>, vector<512x128xf32>
    %min3A_1944 = arith.minimumf %min3A_1935, %select_n3A_1943 : vector<512x128xf32>
    %reduce_min3A_1945 = arith.constant dense<0x7F800000> : vector<512xf32>
    %reduce_min3A_1946 = vector.multi_reduction <minimumf>, %min3A_1944, %reduce_min3A_1945 [1] : vector<512x128xf32> to vector<512xf32>
    %broadcast_in_dim3A_1947 = vector.shape_cast %reduce_min3A_1946 : vector<512xf32> to vector<512x1xf32>
    %bitcast_convert_type3A_1948 = tpu.bitcast %broadcast_in_dim3A_1947 : vector<512x1xf32> -> vector<512x1xi32>
    %and3A_1949 = arith.constant 2047 : i32
    %and3A_1950 = vector.broadcast %and3A_1949 : i32 to vector<512x1xi32>
    %and3A_1951 = arith.andi %bitcast_convert_type3A_1948, %and3A_1950 : vector<512x1xi32>
    %add3A_1952 = vector.broadcast %mul3A_54 : i32 to vector<512x1xi32>
    %add3A_1953 = arith.addi %and3A_1951, %add3A_1952 : vector<512x1xi32>
    %concatenate3A_1954 = tpu.concatenate %add3A_56, %add3A_620, %add3A_626, %add3A_815, %add3A_821, %add3A_1011, %add3A_1017, %add3A_1207, %add3A_1213, %add3A_1403, %add3A_1409, %add3A_1599, %add3A_1605, %add3A_1795, %add3A_1801, %add3A_1953 in 1 : vector<512x1xi32>, vector<512x1xi32>, vector<512x1xi32>, vector<512x1xi32>, vector<512x1xi32>, vector<512x1xi32>, vector<512x1xi32>, vector<512x1xi32>, vector<512x1xi32>, vector<512x1xi32>, vector<512x1xi32>, vector<512x1xi32>, vector<512x1xi32>, vector<512x1xi32>, vector<512x1xi32>, vector<512x1xi32> -> vector<512x16xi32>
    %swap3A_1955 = arith.constant 0 : index
    %swap3A_1956 = arith.constant 0 : index
    %swap3A_1957 = arith.constant 0 : index
    %swap3A_1958 = vector.load %arg8[%swap3A_1955, %swap3A_1956, %swap3A_1957] : memref<1x512x16xi32, #tpu.memory_space<vmem>>, vector<1x512x16xi32>
    %swap3A_1959 = vector.shape_cast %swap3A_1958 : vector<1x512x16xi32> to vector<512x16xi32>
    %swap3A_1960 = vector.shape_cast %concatenate3A_1954 : vector<512x16xi32> to vector<1x512x16xi32>
    tpu.vector_store %arg8[%swap3A_1955, %swap3A_1956, %swap3A_1957], %swap3A_1960 {strides = array<i32>} : memref<1x512x16xi32, #tpu.memory_space<vmem>>, vector<1x512x16xi32>,
    return
  }
  func.func @transform_0(%arg0: i32, %arg1: i32) -> (i32, i32, i32) {
    %c0_i32 = arith.constant 0 : i32
    %c0_i32_0 = arith.constant 0 : i32
    %c0_i32_1 = arith.constant 0 : i32
    return %arg0, %c0_i32, %c0_i32_0 : i32, i32, i32
  }
  func.func @transform_1(%arg0: i32, %arg1: i32) -> (i32, i32, i32) {
    %c0_i32 = arith.constant 0 : i32
    %c0_i32_0 = arith.constant 0 : i32
    %c0_i32_1 = arith.constant 0 : i32
    return %arg0, %c0_i32, %c0_i32_0 : i32, i32, i32
  }
  func.func @transform_2(%arg0: i32, %arg1: i32) -> (i32, i32) {
    %c0_i32 = arith.constant 0 : i32
    %c0_i32_0 = arith.constant 0 : i32
    %c0_i32_1 = arith.constant 0 : i32
    return %c0_i32, %c0_i32_0 : i32, i32
  }
  func.func @transform_3(%arg0: i32, %arg1: i32) -> (i32, i32) {
    %c0_i32 = arith.constant 0 : i32
    %c0_i32_0 = arith.constant 0 : i32
    %c0_i32_1 = arith.constant 0 : i32
    return %c0_i32, %c0_i32_0 : i32, i32
  }
  func.func @transform_4(%arg0: i32, %arg1: i32) -> (i32, i32) {
    %c0_i32 = arith.constant 0 : i32
    %c0_i32_0 = arith.constant 0 : i32
    %c0_i32_1 = arith.constant 0 : i32
    return %c0_i32, %c0_i32_0 : i32, i32
  }
  func.func @transform_5(%arg0: i32, %arg1: i32) -> (i32, i32) {
    %c0_i32 = arith.constant 0 : i32
    %c0_i32_0 = arith.constant 0 : i32
    %c0_i32_1 = arith.constant 0 : i32
    return %c0_i32, %c0_i32_0 : i32, i32
  }
  func.func @transform_6(%arg0: i32, %arg1: i32) -> (i32, i32, i32) {
    %c0_i32 = arith.constant 0 : i32
    %c0_i32_0 = arith.constant 0 : i32
    return %arg0, %arg1, %c0_i32 : i32, i32, i32
  }
  func.func @transform_7(%arg0: i32, %arg1: i32) -> (i32, i32, i32) {
    %c0_i32 = arith.constant 0 : i32
    %c0_i32_0 = arith.constant 0 : i32
    return %arg0, %arg1, %c0_i32 : i32, i32, i32
  }
}

module attributes {stable_mosaic.version = 14 : i64} {
  func.func @_mlp_cell(%arg0: i32, %arg1: i32, %arg2: memref<16x1x512x128xf32, #tpu.memory_space<vmem>>, %arg3: memref<3x64xf32, #tpu.memory_space<vmem>>, %arg4: memref<64x64xf32, #tpu.memory_space<vmem>>, %arg5: memref<1x64xf32, #tpu.memory_space<vmem>>, %arg6: memref<64x128xf32, #tpu.memory_space<vmem>>, %arg7: memref<1x128xf32, #tpu.memory_space<vmem>>, %arg8: memref<128x64xf32, #tpu.memory_space<vmem>>, %arg9: memref<1x64xf32, #tpu.memory_space<vmem>>, %arg10: memref<64x128xf32, #tpu.memory_space<vmem>>, %arg11: memref<64x128xf32, #tpu.memory_space<vmem>>, %arg12: memref<1x128xf32, #tpu.memory_space<vmem>>, %arg13: memref<128x6xf32, #tpu.memory_space<vmem>>, %arg14: memref<1x6xf32, #tpu.memory_space<vmem>>, %arg15: memref<1x512x6xf32, #tpu.memory_space<vmem>>) attributes {dimension_semantics = [#tpu.dimension_semantics<arbitrary>, #tpu.dimension_semantics<arbitrary>], iteration_bounds = array<i64: 4, 4>, scalar_prefetch = 0 : i64, scratch_operands = 0 : i64, tpu.core_type = #tpu.core_type<tc>, window_params = [{transform_indices = @transform_0, window_bounds = array<i64: 16, 1, 512, 128>}, {pipeline_mode = #tpu.pipeline_mode<synchronous>, transform_indices = @transform_1, window_bounds = array<i64: 3, 64>}, {pipeline_mode = #tpu.pipeline_mode<synchronous>, transform_indices = @transform_2, window_bounds = array<i64: 64, 64>}, {pipeline_mode = #tpu.pipeline_mode<synchronous>, transform_indices = @transform_3, window_bounds = array<i64: 1, 64>}, {pipeline_mode = #tpu.pipeline_mode<synchronous>, transform_indices = @transform_4, window_bounds = array<i64: 64, 128>}, {pipeline_mode = #tpu.pipeline_mode<synchronous>, transform_indices = @transform_5, window_bounds = array<i64: 1, 128>}, {pipeline_mode = #tpu.pipeline_mode<synchronous>, transform_indices = @transform_6, window_bounds = array<i64: 128, 64>}, {pipeline_mode = #tpu.pipeline_mode<synchronous>, transform_indices = @transform_7, window_bounds = array<i64: 1, 64>}, {pipeline_mode = #tpu.pipeline_mode<synchronous>, transform_indices = @transform_8, window_bounds = array<i64: 64, 128>}, {pipeline_mode = #tpu.pipeline_mode<synchronous>, transform_indices = @transform_9, window_bounds = array<i64: 64, 128>}, {pipeline_mode = #tpu.pipeline_mode<synchronous>, transform_indices = @transform_10, window_bounds = array<i64: 1, 128>}, {pipeline_mode = #tpu.pipeline_mode<synchronous>, transform_indices = @transform_11, window_bounds = array<i64: 128, 6>}, {pipeline_mode = #tpu.pipeline_mode<synchronous>, transform_indices = @transform_12, window_bounds = array<i64: 1, 6>}, {transform_indices = @transform_13, window_bounds = array<i64: 1, 512, 6>}]} {
    %get3A = arith.constant 0 : index
    %get3A_0 = arith.constant 0 : index
    %get3A_1 = arith.constant 0 : index
    %get3A_2 = arith.constant 0 : index
    %get3A_3 = vector.load %arg2[%get3A, %get3A_0, %get3A_1, %get3A_2] : memref<16x1x512x128xf32, #tpu.memory_space<vmem>>, vector<16x1x512x128xf32>
    %slice3A = vector.extract_strided_slice %get3A_3 {offsets = [0, 0, 0, 0], sizes = [1, 1, 512, 128], strides = [1, 1, 1, 1]} : vector<16x1x512x128xf32> to vector<1x1x512x128xf32>
    %squeeze3A = vector.shape_cast %slice3A : vector<1x1x512x128xf32> to vector<512x128xf32>
    %slice3A_4 = vector.extract_strided_slice %squeeze3A {offsets = [0, 0], sizes = [512, 64], strides = [1, 1]} : vector<512x128xf32> to vector<512x64xf32>
    %slice3A_5 = vector.extract_strided_slice %squeeze3A {offsets = [0, 64], sizes = [512, 3], strides = [1, 1]} : vector<512x128xf32> to vector<512x3xf32>
    %get3A_6 = arith.constant 0 : index
    %get3A_7 = arith.constant 0 : index
    %get3A_8 = vector.load %arg3[%get3A_6, %get3A_7] : memref<3x64xf32, #tpu.memory_space<vmem>>, vector<3x64xf32>
    %get3A_9 = arith.constant 0 : index
    %get3A_10 = arith.constant 0 : index
    %get3A_11 = vector.load %arg6[%get3A_9, %get3A_10] : memref<64x128xf32, #tpu.memory_space<vmem>>, vector<64x128xf32>
    %get3A_12 = arith.constant 0 : index
    %get3A_13 = arith.constant 0 : index
    %get3A_14 = vector.load %arg7[%get3A_12, %get3A_13] : memref<1x128xf32, #tpu.memory_space<vmem>>, vector<1x128xf32>
    %get3A_15 = arith.constant 0 : index
    %get3A_16 = arith.constant 0 : index
    %get3A_17 = vector.load %arg8[%get3A_15, %get3A_16] : memref<128x64xf32, #tpu.memory_space<vmem>>, vector<128x64xf32>
    %get3A_18 = arith.constant 0 : index
    %get3A_19 = arith.constant 0 : index
    %get3A_20 = vector.load %arg9[%get3A_18, %get3A_19] : memref<1x64xf32, #tpu.memory_space<vmem>>, vector<1x64xf32>
    %max3A = arith.constant 0.000000e+00 : f32
    %max3A_21 = vector.broadcast %max3A : f32 to vector<1x128xf32>
    %max3A_22 = arith.maximumf %get3A_14, %max3A_21 : vector<1x128xf32>
    %dot_general3A = arith.constant dense<0.000000e+00> : vector<1x64xf32>
    %dot_general3A_23 = tpu.matmul %max3A_22, %get3A_17, %dot_general3A {dimension_numbers = #tpu.dot_dimension_numbers<[1], [0], [0], [1], [0, 0, 1, 1], [], []>, transpose_lhs_hint = false} : vector<1x128xf32>, vector<128x64xf32>, vector<1x64xf32> -> vector<1x64xf32>
    %add3A = arith.addf %dot_general3A_23, %get3A_20 : vector<1x64xf32>
    %slice3A_24 = vector.extract_strided_slice %get3A_3 {offsets = [1, 0, 0, 0], sizes = [1, 1, 512, 128], strides = [1, 1, 1, 1]} : vector<16x1x512x128xf32> to vector<1x1x512x128xf32>
    %squeeze3A_25 = vector.shape_cast %slice3A_24 : vector<1x1x512x128xf32> to vector<512x128xf32>
    %slice3A_26 = vector.extract_strided_slice %squeeze3A_25 {offsets = [0, 0], sizes = [512, 64], strides = [1, 1]} : vector<512x128xf32> to vector<512x64xf32>
    %slice3A_27 = vector.extract_strided_slice %squeeze3A_25 {offsets = [0, 64], sizes = [512, 3], strides = [1, 1]} : vector<512x128xf32> to vector<512x3xf32>
    %sub3A = arith.subf %slice3A_26, %slice3A_4 : vector<512x64xf32>
    %dot_general3A_28 = arith.constant dense<0.000000e+00> : vector<512x128xf32>
    %dot_general3A_29 = tpu.matmul %sub3A, %get3A_11, %dot_general3A_28 {dimension_numbers = #tpu.dot_dimension_numbers<[1], [0], [0], [1], [0, 0, 1, 1], [], []>, transpose_lhs_hint = false} : vector<512x64xf32>, vector<64x128xf32>, vector<512x128xf32> -> vector<512x128xf32>
    %add3A_30 = vector.broadcast %get3A_14 : vector<1x128xf32> to vector<512x128xf32>
    %add3A_31 = arith.addf %dot_general3A_29, %add3A_30 : vector<512x128xf32>
    %max3A_32 = arith.constant 0.000000e+00 : f32
    %max3A_33 = vector.broadcast %max3A_32 : f32 to vector<512x128xf32>
    %max3A_34 = arith.maximumf %add3A_31, %max3A_33 : vector<512x128xf32>
    %dot_general3A_35 = arith.constant dense<0.000000e+00> : vector<512x64xf32>
    %dot_general3A_36 = tpu.matmul %max3A_34, %get3A_17, %dot_general3A_35 {dimension_numbers = #tpu.dot_dimension_numbers<[1], [0], [0], [1], [0, 0, 1, 1], [], []>, transpose_lhs_hint = false} : vector<512x128xf32>, vector<128x64xf32>, vector<512x64xf32> -> vector<512x64xf32>
    %add3A_37 = vector.broadcast %get3A_20 : vector<1x64xf32> to vector<512x64xf32>
    %add3A_38 = arith.addf %dot_general3A_36, %add3A_37 : vector<512x64xf32>
    %sub3A_39 = arith.subf %slice3A_27, %slice3A_5 : vector<512x3xf32>
    %mul3A = arith.mulf %sub3A_39, %sub3A_39 : vector<512x3xf32>
    %reduce_sum3A = arith.constant dense<0.000000e+00> : vector<512xf32>
    %reduce_sum3A_40 = vector.multi_reduction <add>, %mul3A, %reduce_sum3A [1] : vector<512x3xf32> to vector<512xf32>
    %broadcast_in_dim3A = vector.shape_cast %reduce_sum3A_40 : vector<512xf32> to vector<512x1xf32>
    %sqrt3A = math.sqrt %broadcast_in_dim3A : vector<512x1xf32>
    %add3A_41 = arith.constant 9.99999993E-9 : f32
    %add3A_42 = vector.broadcast %add3A_41 : f32 to vector<512x1xf32>
    %add3A_43 = arith.addf %sqrt3A, %add3A_42 : vector<512x1xf32>
    %div3A = arith.constant 1.000000e+00 : f32
    %div3A_44 = vector.broadcast %div3A : f32 to vector<512x1xf32>
    %div3A_45 = arith.divf %div3A_44, %add3A_43 : vector<512x1xf32>
    %dot_general3A_46 = arith.constant dense<0.000000e+00> : vector<512x64xf32>
    %dot_general3A_47 = tpu.matmul %sub3A_39, %get3A_8, %dot_general3A_46 {dimension_numbers = #tpu.dot_dimension_numbers<[1], [0], [0], [1], [0, 0, 1, 1], [], []>, transpose_lhs_hint = false} : vector<512x3xf32>, vector<3x64xf32>, vector<512x64xf32> -> vector<512x64xf32>
    %abs3A = math.absf %dot_general3A_47 : vector<512x64xf32>
    %mul3A_48 = arith.mulf %dot_general3A_47, %abs3A : vector<512x64xf32>
    %mul3A_49 = vector.broadcast %div3A_45 : vector<512x1xf32> to vector<512x64xf32>
    %mul3A_50 = arith.mulf %mul3A_48, %mul3A_49 : vector<512x64xf32>
    %slice3A_51 = vector.extract_strided_slice %get3A_3 {offsets = [2, 0, 0, 0], sizes = [1, 1, 512, 128], strides = [1, 1, 1, 1]} : vector<16x1x512x128xf32> to vector<1x1x512x128xf32>
    %squeeze3A_52 = vector.shape_cast %slice3A_51 : vector<1x1x512x128xf32> to vector<512x128xf32>
    %slice3A_53 = vector.extract_strided_slice %squeeze3A_52 {offsets = [0, 0], sizes = [512, 64], strides = [1, 1]} : vector<512x128xf32> to vector<512x64xf32>
    %slice3A_54 = vector.extract_strided_slice %squeeze3A_52 {offsets = [0, 64], sizes = [512, 3], strides = [1, 1]} : vector<512x128xf32> to vector<512x3xf32>
    %sub3A_55 = arith.subf %slice3A_53, %slice3A_4 : vector<512x64xf32>
    %dot_general3A_56 = arith.constant dense<0.000000e+00> : vector<512x128xf32>
    %dot_general3A_57 = tpu.matmul %sub3A_55, %get3A_11, %dot_general3A_56 {dimension_numbers = #tpu.dot_dimension_numbers<[1], [0], [0], [1], [0, 0, 1, 1], [], []>, transpose_lhs_hint = false} : vector<512x64xf32>, vector<64x128xf32>, vector<512x128xf32> -> vector<512x128xf32>
    %add3A_58 = vector.broadcast %get3A_14 : vector<1x128xf32> to vector<512x128xf32>
    %add3A_59 = arith.addf %dot_general3A_57, %add3A_58 : vector<512x128xf32>
    %max3A_60 = arith.constant 0.000000e+00 : f32
    %max3A_61 = vector.broadcast %max3A_60 : f32 to vector<512x128xf32>
    %max3A_62 = arith.maximumf %add3A_59, %max3A_61 : vector<512x128xf32>
    %dot_general3A_63 = arith.constant dense<0.000000e+00> : vector<512x64xf32>
    %dot_general3A_64 = tpu.matmul %max3A_62, %get3A_17, %dot_general3A_63 {dimension_numbers = #tpu.dot_dimension_numbers<[1], [0], [0], [1], [0, 0, 1, 1], [], []>, transpose_lhs_hint = false} : vector<512x128xf32>, vector<128x64xf32>, vector<512x64xf32> -> vector<512x64xf32>
    %add3A_65 = vector.broadcast %get3A_20 : vector<1x64xf32> to vector<512x64xf32>
    %add3A_66 = arith.addf %dot_general3A_64, %add3A_65 : vector<512x64xf32>
    %sub3A_67 = arith.subf %slice3A_54, %slice3A_5 : vector<512x3xf32>
    %mul3A_68 = arith.mulf %sub3A_67, %sub3A_67 : vector<512x3xf32>
    %reduce_sum3A_69 = arith.constant dense<0.000000e+00> : vector<512xf32>
    %reduce_sum3A_70 = vector.multi_reduction <add>, %mul3A_68, %reduce_sum3A_69 [1] : vector<512x3xf32> to vector<512xf32>
    %broadcast_in_dim3A_71 = vector.shape_cast %reduce_sum3A_70 : vector<512xf32> to vector<512x1xf32>
    %sqrt3A_72 = math.sqrt %broadcast_in_dim3A_71 : vector<512x1xf32>
    %add3A_73 = arith.constant 9.99999993E-9 : f32
    %add3A_74 = vector.broadcast %add3A_73 : f32 to vector<512x1xf32>
    %add3A_75 = arith.addf %sqrt3A_72, %add3A_74 : vector<512x1xf32>
    %div3A_76 = arith.constant 1.000000e+00 : f32
    %div3A_77 = vector.broadcast %div3A_76 : f32 to vector<512x1xf32>
    %div3A_78 = arith.divf %div3A_77, %add3A_75 : vector<512x1xf32>
    %dot_general3A_79 = arith.constant dense<0.000000e+00> : vector<512x64xf32>
    %dot_general3A_80 = tpu.matmul %sub3A_67, %get3A_8, %dot_general3A_79 {dimension_numbers = #tpu.dot_dimension_numbers<[1], [0], [0], [1], [0, 0, 1, 1], [], []>, transpose_lhs_hint = false} : vector<512x3xf32>, vector<3x64xf32>, vector<512x64xf32> -> vector<512x64xf32>
    %abs3A_81 = math.absf %dot_general3A_80 : vector<512x64xf32>
    %mul3A_82 = arith.mulf %dot_general3A_80, %abs3A_81 : vector<512x64xf32>
    %mul3A_83 = vector.broadcast %div3A_78 : vector<512x1xf32> to vector<512x64xf32>
    %mul3A_84 = arith.mulf %mul3A_82, %mul3A_83 : vector<512x64xf32>
    %max3A_85 = arith.maximumf %mul3A_50, %mul3A_84 : vector<512x64xf32>
    %slice3A_86 = vector.extract_strided_slice %get3A_3 {offsets = [3, 0, 0, 0], sizes = [1, 1, 512, 128], strides = [1, 1, 1, 1]} : vector<16x1x512x128xf32> to vector<1x1x512x128xf32>
    %squeeze3A_87 = vector.shape_cast %slice3A_86 : vector<1x1x512x128xf32> to vector<512x128xf32>
    %slice3A_88 = vector.extract_strided_slice %squeeze3A_87 {offsets = [0, 0], sizes = [512, 64], strides = [1, 1]} : vector<512x128xf32> to vector<512x64xf32>
    %slice3A_89 = vector.extract_strided_slice %squeeze3A_87 {offsets = [0, 64], sizes = [512, 3], strides = [1, 1]} : vector<512x128xf32> to vector<512x3xf32>
    %sub3A_90 = arith.subf %slice3A_88, %slice3A_4 : vector<512x64xf32>
    %dot_general3A_91 = arith.constant dense<0.000000e+00> : vector<512x128xf32>
    %dot_general3A_92 = tpu.matmul %sub3A_90, %get3A_11, %dot_general3A_91 {dimension_numbers = #tpu.dot_dimension_numbers<[1], [0], [0], [1], [0, 0, 1, 1], [], []>, transpose_lhs_hint = false} : vector<512x64xf32>, vector<64x128xf32>, vector<512x128xf32> -> vector<512x128xf32>
    %add3A_93 = vector.broadcast %get3A_14 : vector<1x128xf32> to vector<512x128xf32>
    %add3A_94 = arith.addf %dot_general3A_92, %add3A_93 : vector<512x128xf32>
    %max3A_95 = arith.constant 0.000000e+00 : f32
    %max3A_96 = vector.broadcast %max3A_95 : f32 to vector<512x128xf32>
    %max3A_97 = arith.maximumf %add3A_94, %max3A_96 : vector<512x128xf32>
    %dot_general3A_98 = arith.constant dense<0.000000e+00> : vector<512x64xf32>
    %dot_general3A_99 = tpu.matmul %max3A_97, %get3A_17, %dot_general3A_98 {dimension_numbers = #tpu.dot_dimension_numbers<[1], [0], [0], [1], [0, 0, 1, 1], [], []>, transpose_lhs_hint = false} : vector<512x128xf32>, vector<128x64xf32>, vector<512x64xf32> -> vector<512x64xf32>
    %add3A_100 = vector.broadcast %get3A_20 : vector<1x64xf32> to vector<512x64xf32>
    %add3A_101 = arith.addf %dot_general3A_99, %add3A_100 : vector<512x64xf32>
    %sub3A_102 = arith.subf %slice3A_89, %slice3A_5 : vector<512x3xf32>
    %mul3A_103 = arith.mulf %sub3A_102, %sub3A_102 : vector<512x3xf32>
    %reduce_sum3A_104 = arith.constant dense<0.000000e+00> : vector<512xf32>
    %reduce_sum3A_105 = vector.multi_reduction <add>, %mul3A_103, %reduce_sum3A_104 [1] : vector<512x3xf32> to vector<512xf32>
    %broadcast_in_dim3A_106 = vector.shape_cast %reduce_sum3A_105 : vector<512xf32> to vector<512x1xf32>
    %sqrt3A_107 = math.sqrt %broadcast_in_dim3A_106 : vector<512x1xf32>
    %add3A_108 = arith.constant 9.99999993E-9 : f32
    %add3A_109 = vector.broadcast %add3A_108 : f32 to vector<512x1xf32>
    %add3A_110 = arith.addf %sqrt3A_107, %add3A_109 : vector<512x1xf32>
    %div3A_111 = arith.constant 1.000000e+00 : f32
    %div3A_112 = vector.broadcast %div3A_111 : f32 to vector<512x1xf32>
    %div3A_113 = arith.divf %div3A_112, %add3A_110 : vector<512x1xf32>
    %dot_general3A_114 = arith.constant dense<0.000000e+00> : vector<512x64xf32>
    %dot_general3A_115 = tpu.matmul %sub3A_102, %get3A_8, %dot_general3A_114 {dimension_numbers = #tpu.dot_dimension_numbers<[1], [0], [0], [1], [0, 0, 1, 1], [], []>, transpose_lhs_hint = false} : vector<512x3xf32>, vector<3x64xf32>, vector<512x64xf32> -> vector<512x64xf32>
    %abs3A_116 = math.absf %dot_general3A_115 : vector<512x64xf32>
    %mul3A_117 = arith.mulf %dot_general3A_115, %abs3A_116 : vector<512x64xf32>
    %mul3A_118 = vector.broadcast %div3A_113 : vector<512x1xf32> to vector<512x64xf32>
    %mul3A_119 = arith.mulf %mul3A_117, %mul3A_118 : vector<512x64xf32>
    %max3A_120 = arith.maximumf %max3A_85, %mul3A_119 : vector<512x64xf32>
    %slice3A_121 = vector.extract_strided_slice %get3A_3 {offsets = [4, 0, 0, 0], sizes = [1, 1, 512, 128], strides = [1, 1, 1, 1]} : vector<16x1x512x128xf32> to vector<1x1x512x128xf32>
    %squeeze3A_122 = vector.shape_cast %slice3A_121 : vector<1x1x512x128xf32> to vector<512x128xf32>
    %slice3A_123 = vector.extract_strided_slice %squeeze3A_122 {offsets = [0, 0], sizes = [512, 64], strides = [1, 1]} : vector<512x128xf32> to vector<512x64xf32>
    %slice3A_124 = vector.extract_strided_slice %squeeze3A_122 {offsets = [0, 64], sizes = [512, 3], strides = [1, 1]} : vector<512x128xf32> to vector<512x3xf32>
    %sub3A_125 = arith.subf %slice3A_123, %slice3A_4 : vector<512x64xf32>
    %dot_general3A_126 = arith.constant dense<0.000000e+00> : vector<512x128xf32>
    %dot_general3A_127 = tpu.matmul %sub3A_125, %get3A_11, %dot_general3A_126 {dimension_numbers = #tpu.dot_dimension_numbers<[1], [0], [0], [1], [0, 0, 1, 1], [], []>, transpose_lhs_hint = false} : vector<512x64xf32>, vector<64x128xf32>, vector<512x128xf32> -> vector<512x128xf32>
    %add3A_128 = vector.broadcast %get3A_14 : vector<1x128xf32> to vector<512x128xf32>
    %add3A_129 = arith.addf %dot_general3A_127, %add3A_128 : vector<512x128xf32>
    %max3A_130 = arith.constant 0.000000e+00 : f32
    %max3A_131 = vector.broadcast %max3A_130 : f32 to vector<512x128xf32>
    %max3A_132 = arith.maximumf %add3A_129, %max3A_131 : vector<512x128xf32>
    %dot_general3A_133 = arith.constant dense<0.000000e+00> : vector<512x64xf32>
    %dot_general3A_134 = tpu.matmul %max3A_132, %get3A_17, %dot_general3A_133 {dimension_numbers = #tpu.dot_dimension_numbers<[1], [0], [0], [1], [0, 0, 1, 1], [], []>, transpose_lhs_hint = false} : vector<512x128xf32>, vector<128x64xf32>, vector<512x64xf32> -> vector<512x64xf32>
    %add3A_135 = vector.broadcast %get3A_20 : vector<1x64xf32> to vector<512x64xf32>
    %add3A_136 = arith.addf %dot_general3A_134, %add3A_135 : vector<512x64xf32>
    %sub3A_137 = arith.subf %slice3A_124, %slice3A_5 : vector<512x3xf32>
    %mul3A_138 = arith.mulf %sub3A_137, %sub3A_137 : vector<512x3xf32>
    %reduce_sum3A_139 = arith.constant dense<0.000000e+00> : vector<512xf32>
    %reduce_sum3A_140 = vector.multi_reduction <add>, %mul3A_138, %reduce_sum3A_139 [1] : vector<512x3xf32> to vector<512xf32>
    %broadcast_in_dim3A_141 = vector.shape_cast %reduce_sum3A_140 : vector<512xf32> to vector<512x1xf32>
    %sqrt3A_142 = math.sqrt %broadcast_in_dim3A_141 : vector<512x1xf32>
    %add3A_143 = arith.constant 9.99999993E-9 : f32
    %add3A_144 = vector.broadcast %add3A_143 : f32 to vector<512x1xf32>
    %add3A_145 = arith.addf %sqrt3A_142, %add3A_144 : vector<512x1xf32>
    %div3A_146 = arith.constant 1.000000e+00 : f32
    %div3A_147 = vector.broadcast %div3A_146 : f32 to vector<512x1xf32>
    %div3A_148 = arith.divf %div3A_147, %add3A_145 : vector<512x1xf32>
    %dot_general3A_149 = arith.constant dense<0.000000e+00> : vector<512x64xf32>
    %dot_general3A_150 = tpu.matmul %sub3A_137, %get3A_8, %dot_general3A_149 {dimension_numbers = #tpu.dot_dimension_numbers<[1], [0], [0], [1], [0, 0, 1, 1], [], []>, transpose_lhs_hint = false} : vector<512x3xf32>, vector<3x64xf32>, vector<512x64xf32> -> vector<512x64xf32>
    %abs3A_151 = math.absf %dot_general3A_150 : vector<512x64xf32>
    %mul3A_152 = arith.mulf %dot_general3A_150, %abs3A_151 : vector<512x64xf32>
    %mul3A_153 = vector.broadcast %div3A_148 : vector<512x1xf32> to vector<512x64xf32>
    %mul3A_154 = arith.mulf %mul3A_152, %mul3A_153 : vector<512x64xf32>
    %max3A_155 = arith.maximumf %max3A_120, %mul3A_154 : vector<512x64xf32>
    %slice3A_156 = vector.extract_strided_slice %get3A_3 {offsets = [5, 0, 0, 0], sizes = [1, 1, 512, 128], strides = [1, 1, 1, 1]} : vector<16x1x512x128xf32> to vector<1x1x512x128xf32>
    %squeeze3A_157 = vector.shape_cast %slice3A_156 : vector<1x1x512x128xf32> to vector<512x128xf32>
    %slice3A_158 = vector.extract_strided_slice %squeeze3A_157 {offsets = [0, 0], sizes = [512, 64], strides = [1, 1]} : vector<512x128xf32> to vector<512x64xf32>
    %slice3A_159 = vector.extract_strided_slice %squeeze3A_157 {offsets = [0, 64], sizes = [512, 3], strides = [1, 1]} : vector<512x128xf32> to vector<512x3xf32>
    %sub3A_160 = arith.subf %slice3A_158, %slice3A_4 : vector<512x64xf32>
    %dot_general3A_161 = arith.constant dense<0.000000e+00> : vector<512x128xf32>
    %dot_general3A_162 = tpu.matmul %sub3A_160, %get3A_11, %dot_general3A_161 {dimension_numbers = #tpu.dot_dimension_numbers<[1], [0], [0], [1], [0, 0, 1, 1], [], []>, transpose_lhs_hint = false} : vector<512x64xf32>, vector<64x128xf32>, vector<512x128xf32> -> vector<512x128xf32>
    %add3A_163 = vector.broadcast %get3A_14 : vector<1x128xf32> to vector<512x128xf32>
    %add3A_164 = arith.addf %dot_general3A_162, %add3A_163 : vector<512x128xf32>
    %max3A_165 = arith.constant 0.000000e+00 : f32
    %max3A_166 = vector.broadcast %max3A_165 : f32 to vector<512x128xf32>
    %max3A_167 = arith.maximumf %add3A_164, %max3A_166 : vector<512x128xf32>
    %dot_general3A_168 = arith.constant dense<0.000000e+00> : vector<512x64xf32>
    %dot_general3A_169 = tpu.matmul %max3A_167, %get3A_17, %dot_general3A_168 {dimension_numbers = #tpu.dot_dimension_numbers<[1], [0], [0], [1], [0, 0, 1, 1], [], []>, transpose_lhs_hint = false} : vector<512x128xf32>, vector<128x64xf32>, vector<512x64xf32> -> vector<512x64xf32>
    %add3A_170 = vector.broadcast %get3A_20 : vector<1x64xf32> to vector<512x64xf32>
    %add3A_171 = arith.addf %dot_general3A_169, %add3A_170 : vector<512x64xf32>
    %sub3A_172 = arith.subf %slice3A_159, %slice3A_5 : vector<512x3xf32>
    %mul3A_173 = arith.mulf %sub3A_172, %sub3A_172 : vector<512x3xf32>
    %reduce_sum3A_174 = arith.constant dense<0.000000e+00> : vector<512xf32>
    %reduce_sum3A_175 = vector.multi_reduction <add>, %mul3A_173, %reduce_sum3A_174 [1] : vector<512x3xf32> to vector<512xf32>
    %broadcast_in_dim3A_176 = vector.shape_cast %reduce_sum3A_175 : vector<512xf32> to vector<512x1xf32>
    %sqrt3A_177 = math.sqrt %broadcast_in_dim3A_176 : vector<512x1xf32>
    %add3A_178 = arith.constant 9.99999993E-9 : f32
    %add3A_179 = vector.broadcast %add3A_178 : f32 to vector<512x1xf32>
    %add3A_180 = arith.addf %sqrt3A_177, %add3A_179 : vector<512x1xf32>
    %div3A_181 = arith.constant 1.000000e+00 : f32
    %div3A_182 = vector.broadcast %div3A_181 : f32 to vector<512x1xf32>
    %div3A_183 = arith.divf %div3A_182, %add3A_180 : vector<512x1xf32>
    %dot_general3A_184 = arith.constant dense<0.000000e+00> : vector<512x64xf32>
    %dot_general3A_185 = tpu.matmul %sub3A_172, %get3A_8, %dot_general3A_184 {dimension_numbers = #tpu.dot_dimension_numbers<[1], [0], [0], [1], [0, 0, 1, 1], [], []>, transpose_lhs_hint = false} : vector<512x3xf32>, vector<3x64xf32>, vector<512x64xf32> -> vector<512x64xf32>
    %abs3A_186 = math.absf %dot_general3A_185 : vector<512x64xf32>
    %mul3A_187 = arith.mulf %dot_general3A_185, %abs3A_186 : vector<512x64xf32>
    %mul3A_188 = vector.broadcast %div3A_183 : vector<512x1xf32> to vector<512x64xf32>
    %mul3A_189 = arith.mulf %mul3A_187, %mul3A_188 : vector<512x64xf32>
    %max3A_190 = arith.maximumf %max3A_155, %mul3A_189 : vector<512x64xf32>
    %slice3A_191 = vector.extract_strided_slice %get3A_3 {offsets = [6, 0, 0, 0], sizes = [1, 1, 512, 128], strides = [1, 1, 1, 1]} : vector<16x1x512x128xf32> to vector<1x1x512x128xf32>
    %squeeze3A_192 = vector.shape_cast %slice3A_191 : vector<1x1x512x128xf32> to vector<512x128xf32>
    %slice3A_193 = vector.extract_strided_slice %squeeze3A_192 {offsets = [0, 0], sizes = [512, 64], strides = [1, 1]} : vector<512x128xf32> to vector<512x64xf32>
    %slice3A_194 = vector.extract_strided_slice %squeeze3A_192 {offsets = [0, 64], sizes = [512, 3], strides = [1, 1]} : vector<512x128xf32> to vector<512x3xf32>
    %sub3A_195 = arith.subf %slice3A_193, %slice3A_4 : vector<512x64xf32>
    %dot_general3A_196 = arith.constant dense<0.000000e+00> : vector<512x128xf32>
    %dot_general3A_197 = tpu.matmul %sub3A_195, %get3A_11, %dot_general3A_196 {dimension_numbers = #tpu.dot_dimension_numbers<[1], [0], [0], [1], [0, 0, 1, 1], [], []>, transpose_lhs_hint = false} : vector<512x64xf32>, vector<64x128xf32>, vector<512x128xf32> -> vector<512x128xf32>
    %add3A_198 = vector.broadcast %get3A_14 : vector<1x128xf32> to vector<512x128xf32>
    %add3A_199 = arith.addf %dot_general3A_197, %add3A_198 : vector<512x128xf32>
    %max3A_200 = arith.constant 0.000000e+00 : f32
    %max3A_201 = vector.broadcast %max3A_200 : f32 to vector<512x128xf32>
    %max3A_202 = arith.maximumf %add3A_199, %max3A_201 : vector<512x128xf32>
    %dot_general3A_203 = arith.constant dense<0.000000e+00> : vector<512x64xf32>
    %dot_general3A_204 = tpu.matmul %max3A_202, %get3A_17, %dot_general3A_203 {dimension_numbers = #tpu.dot_dimension_numbers<[1], [0], [0], [1], [0, 0, 1, 1], [], []>, transpose_lhs_hint = false} : vector<512x128xf32>, vector<128x64xf32>, vector<512x64xf32> -> vector<512x64xf32>
    %add3A_205 = vector.broadcast %get3A_20 : vector<1x64xf32> to vector<512x64xf32>
    %add3A_206 = arith.addf %dot_general3A_204, %add3A_205 : vector<512x64xf32>
    %sub3A_207 = arith.subf %slice3A_194, %slice3A_5 : vector<512x3xf32>
    %mul3A_208 = arith.mulf %sub3A_207, %sub3A_207 : vector<512x3xf32>
    %reduce_sum3A_209 = arith.constant dense<0.000000e+00> : vector<512xf32>
    %reduce_sum3A_210 = vector.multi_reduction <add>, %mul3A_208, %reduce_sum3A_209 [1] : vector<512x3xf32> to vector<512xf32>
    %broadcast_in_dim3A_211 = vector.shape_cast %reduce_sum3A_210 : vector<512xf32> to vector<512x1xf32>
    %sqrt3A_212 = math.sqrt %broadcast_in_dim3A_211 : vector<512x1xf32>
    %add3A_213 = arith.constant 9.99999993E-9 : f32
    %add3A_214 = vector.broadcast %add3A_213 : f32 to vector<512x1xf32>
    %add3A_215 = arith.addf %sqrt3A_212, %add3A_214 : vector<512x1xf32>
    %div3A_216 = arith.constant 1.000000e+00 : f32
    %div3A_217 = vector.broadcast %div3A_216 : f32 to vector<512x1xf32>
    %div3A_218 = arith.divf %div3A_217, %add3A_215 : vector<512x1xf32>
    %dot_general3A_219 = arith.constant dense<0.000000e+00> : vector<512x64xf32>
    %dot_general3A_220 = tpu.matmul %sub3A_207, %get3A_8, %dot_general3A_219 {dimension_numbers = #tpu.dot_dimension_numbers<[1], [0], [0], [1], [0, 0, 1, 1], [], []>, transpose_lhs_hint = false} : vector<512x3xf32>, vector<3x64xf32>, vector<512x64xf32> -> vector<512x64xf32>
    %abs3A_221 = math.absf %dot_general3A_220 : vector<512x64xf32>
    %mul3A_222 = arith.mulf %dot_general3A_220, %abs3A_221 : vector<512x64xf32>
    %mul3A_223 = vector.broadcast %div3A_218 : vector<512x1xf32> to vector<512x64xf32>
    %mul3A_224 = arith.mulf %mul3A_222, %mul3A_223 : vector<512x64xf32>
    %max3A_225 = arith.maximumf %max3A_190, %mul3A_224 : vector<512x64xf32>
    %slice3A_226 = vector.extract_strided_slice %get3A_3 {offsets = [7, 0, 0, 0], sizes = [1, 1, 512, 128], strides = [1, 1, 1, 1]} : vector<16x1x512x128xf32> to vector<1x1x512x128xf32>
    %squeeze3A_227 = vector.shape_cast %slice3A_226 : vector<1x1x512x128xf32> to vector<512x128xf32>
    %slice3A_228 = vector.extract_strided_slice %squeeze3A_227 {offsets = [0, 0], sizes = [512, 64], strides = [1, 1]} : vector<512x128xf32> to vector<512x64xf32>
    %slice3A_229 = vector.extract_strided_slice %squeeze3A_227 {offsets = [0, 64], sizes = [512, 3], strides = [1, 1]} : vector<512x128xf32> to vector<512x3xf32>
    %sub3A_230 = arith.subf %slice3A_228, %slice3A_4 : vector<512x64xf32>
    %dot_general3A_231 = arith.constant dense<0.000000e+00> : vector<512x128xf32>
    %dot_general3A_232 = tpu.matmul %sub3A_230, %get3A_11, %dot_general3A_231 {dimension_numbers = #tpu.dot_dimension_numbers<[1], [0], [0], [1], [0, 0, 1, 1], [], []>, transpose_lhs_hint = false} : vector<512x64xf32>, vector<64x128xf32>, vector<512x128xf32> -> vector<512x128xf32>
    %add3A_233 = vector.broadcast %get3A_14 : vector<1x128xf32> to vector<512x128xf32>
    %add3A_234 = arith.addf %dot_general3A_232, %add3A_233 : vector<512x128xf32>
    %max3A_235 = arith.constant 0.000000e+00 : f32
    %max3A_236 = vector.broadcast %max3A_235 : f32 to vector<512x128xf32>
    %max3A_237 = arith.maximumf %add3A_234, %max3A_236 : vector<512x128xf32>
    %dot_general3A_238 = arith.constant dense<0.000000e+00> : vector<512x64xf32>
    %dot_general3A_239 = tpu.matmul %max3A_237, %get3A_17, %dot_general3A_238 {dimension_numbers = #tpu.dot_dimension_numbers<[1], [0], [0], [1], [0, 0, 1, 1], [], []>, transpose_lhs_hint = false} : vector<512x128xf32>, vector<128x64xf32>, vector<512x64xf32> -> vector<512x64xf32>
    %add3A_240 = vector.broadcast %get3A_20 : vector<1x64xf32> to vector<512x64xf32>
    %add3A_241 = arith.addf %dot_general3A_239, %add3A_240 : vector<512x64xf32>
    %sub3A_242 = arith.subf %slice3A_229, %slice3A_5 : vector<512x3xf32>
    %mul3A_243 = arith.mulf %sub3A_242, %sub3A_242 : vector<512x3xf32>
    %reduce_sum3A_244 = arith.constant dense<0.000000e+00> : vector<512xf32>
    %reduce_sum3A_245 = vector.multi_reduction <add>, %mul3A_243, %reduce_sum3A_244 [1] : vector<512x3xf32> to vector<512xf32>
    %broadcast_in_dim3A_246 = vector.shape_cast %reduce_sum3A_245 : vector<512xf32> to vector<512x1xf32>
    %sqrt3A_247 = math.sqrt %broadcast_in_dim3A_246 : vector<512x1xf32>
    %add3A_248 = arith.constant 9.99999993E-9 : f32
    %add3A_249 = vector.broadcast %add3A_248 : f32 to vector<512x1xf32>
    %add3A_250 = arith.addf %sqrt3A_247, %add3A_249 : vector<512x1xf32>
    %div3A_251 = arith.constant 1.000000e+00 : f32
    %div3A_252 = vector.broadcast %div3A_251 : f32 to vector<512x1xf32>
    %div3A_253 = arith.divf %div3A_252, %add3A_250 : vector<512x1xf32>
    %dot_general3A_254 = arith.constant dense<0.000000e+00> : vector<512x64xf32>
    %dot_general3A_255 = tpu.matmul %sub3A_242, %get3A_8, %dot_general3A_254 {dimension_numbers = #tpu.dot_dimension_numbers<[1], [0], [0], [1], [0, 0, 1, 1], [], []>, transpose_lhs_hint = false} : vector<512x3xf32>, vector<3x64xf32>, vector<512x64xf32> -> vector<512x64xf32>
    %abs3A_256 = math.absf %dot_general3A_255 : vector<512x64xf32>
    %mul3A_257 = arith.mulf %dot_general3A_255, %abs3A_256 : vector<512x64xf32>
    %mul3A_258 = vector.broadcast %div3A_253 : vector<512x1xf32> to vector<512x64xf32>
    %mul3A_259 = arith.mulf %mul3A_257, %mul3A_258 : vector<512x64xf32>
    %max3A_260 = arith.maximumf %max3A_225, %mul3A_259 : vector<512x64xf32>
    %slice3A_261 = vector.extract_strided_slice %get3A_3 {offsets = [8, 0, 0, 0], sizes = [1, 1, 512, 128], strides = [1, 1, 1, 1]} : vector<16x1x512x128xf32> to vector<1x1x512x128xf32>
    %squeeze3A_262 = vector.shape_cast %slice3A_261 : vector<1x1x512x128xf32> to vector<512x128xf32>
    %slice3A_263 = vector.extract_strided_slice %squeeze3A_262 {offsets = [0, 0], sizes = [512, 64], strides = [1, 1]} : vector<512x128xf32> to vector<512x64xf32>
    %slice3A_264 = vector.extract_strided_slice %squeeze3A_262 {offsets = [0, 64], sizes = [512, 3], strides = [1, 1]} : vector<512x128xf32> to vector<512x3xf32>
    %sub3A_265 = arith.subf %slice3A_263, %slice3A_4 : vector<512x64xf32>
    %dot_general3A_266 = arith.constant dense<0.000000e+00> : vector<512x128xf32>
    %dot_general3A_267 = tpu.matmul %sub3A_265, %get3A_11, %dot_general3A_266 {dimension_numbers = #tpu.dot_dimension_numbers<[1], [0], [0], [1], [0, 0, 1, 1], [], []>, transpose_lhs_hint = false} : vector<512x64xf32>, vector<64x128xf32>, vector<512x128xf32> -> vector<512x128xf32>
    %add3A_268 = vector.broadcast %get3A_14 : vector<1x128xf32> to vector<512x128xf32>
    %add3A_269 = arith.addf %dot_general3A_267, %add3A_268 : vector<512x128xf32>
    %max3A_270 = arith.constant 0.000000e+00 : f32
    %max3A_271 = vector.broadcast %max3A_270 : f32 to vector<512x128xf32>
    %max3A_272 = arith.maximumf %add3A_269, %max3A_271 : vector<512x128xf32>
    %dot_general3A_273 = arith.constant dense<0.000000e+00> : vector<512x64xf32>
    %dot_general3A_274 = tpu.matmul %max3A_272, %get3A_17, %dot_general3A_273 {dimension_numbers = #tpu.dot_dimension_numbers<[1], [0], [0], [1], [0, 0, 1, 1], [], []>, transpose_lhs_hint = false} : vector<512x128xf32>, vector<128x64xf32>, vector<512x64xf32> -> vector<512x64xf32>
    %add3A_275 = vector.broadcast %get3A_20 : vector<1x64xf32> to vector<512x64xf32>
    %add3A_276 = arith.addf %dot_general3A_274, %add3A_275 : vector<512x64xf32>
    %sub3A_277 = arith.subf %slice3A_264, %slice3A_5 : vector<512x3xf32>
    %mul3A_278 = arith.mulf %sub3A_277, %sub3A_277 : vector<512x3xf32>
    %reduce_sum3A_279 = arith.constant dense<0.000000e+00> : vector<512xf32>
    %reduce_sum3A_280 = vector.multi_reduction <add>, %mul3A_278, %reduce_sum3A_279 [1] : vector<512x3xf32> to vector<512xf32>
    %broadcast_in_dim3A_281 = vector.shape_cast %reduce_sum3A_280 : vector<512xf32> to vector<512x1xf32>
    %sqrt3A_282 = math.sqrt %broadcast_in_dim3A_281 : vector<512x1xf32>
    %add3A_283 = arith.constant 9.99999993E-9 : f32
    %add3A_284 = vector.broadcast %add3A_283 : f32 to vector<512x1xf32>
    %add3A_285 = arith.addf %sqrt3A_282, %add3A_284 : vector<512x1xf32>
    %div3A_286 = arith.constant 1.000000e+00 : f32
    %div3A_287 = vector.broadcast %div3A_286 : f32 to vector<512x1xf32>
    %div3A_288 = arith.divf %div3A_287, %add3A_285 : vector<512x1xf32>
    %dot_general3A_289 = arith.constant dense<0.000000e+00> : vector<512x64xf32>
    %dot_general3A_290 = tpu.matmul %sub3A_277, %get3A_8, %dot_general3A_289 {dimension_numbers = #tpu.dot_dimension_numbers<[1], [0], [0], [1], [0, 0, 1, 1], [], []>, transpose_lhs_hint = false} : vector<512x3xf32>, vector<3x64xf32>, vector<512x64xf32> -> vector<512x64xf32>
    %abs3A_291 = math.absf %dot_general3A_290 : vector<512x64xf32>
    %mul3A_292 = arith.mulf %dot_general3A_290, %abs3A_291 : vector<512x64xf32>
    %mul3A_293 = vector.broadcast %div3A_288 : vector<512x1xf32> to vector<512x64xf32>
    %mul3A_294 = arith.mulf %mul3A_292, %mul3A_293 : vector<512x64xf32>
    %max3A_295 = arith.maximumf %max3A_260, %mul3A_294 : vector<512x64xf32>
    %slice3A_296 = vector.extract_strided_slice %get3A_3 {offsets = [9, 0, 0, 0], sizes = [1, 1, 512, 128], strides = [1, 1, 1, 1]} : vector<16x1x512x128xf32> to vector<1x1x512x128xf32>
    %squeeze3A_297 = vector.shape_cast %slice3A_296 : vector<1x1x512x128xf32> to vector<512x128xf32>
    %slice3A_298 = vector.extract_strided_slice %squeeze3A_297 {offsets = [0, 0], sizes = [512, 64], strides = [1, 1]} : vector<512x128xf32> to vector<512x64xf32>
    %slice3A_299 = vector.extract_strided_slice %squeeze3A_297 {offsets = [0, 64], sizes = [512, 3], strides = [1, 1]} : vector<512x128xf32> to vector<512x3xf32>
    %sub3A_300 = arith.subf %slice3A_298, %slice3A_4 : vector<512x64xf32>
    %dot_general3A_301 = arith.constant dense<0.000000e+00> : vector<512x128xf32>
    %dot_general3A_302 = tpu.matmul %sub3A_300, %get3A_11, %dot_general3A_301 {dimension_numbers = #tpu.dot_dimension_numbers<[1], [0], [0], [1], [0, 0, 1, 1], [], []>, transpose_lhs_hint = false} : vector<512x64xf32>, vector<64x128xf32>, vector<512x128xf32> -> vector<512x128xf32>
    %add3A_303 = vector.broadcast %get3A_14 : vector<1x128xf32> to vector<512x128xf32>
    %add3A_304 = arith.addf %dot_general3A_302, %add3A_303 : vector<512x128xf32>
    %max3A_305 = arith.constant 0.000000e+00 : f32
    %max3A_306 = vector.broadcast %max3A_305 : f32 to vector<512x128xf32>
    %max3A_307 = arith.maximumf %add3A_304, %max3A_306 : vector<512x128xf32>
    %dot_general3A_308 = arith.constant dense<0.000000e+00> : vector<512x64xf32>
    %dot_general3A_309 = tpu.matmul %max3A_307, %get3A_17, %dot_general3A_308 {dimension_numbers = #tpu.dot_dimension_numbers<[1], [0], [0], [1], [0, 0, 1, 1], [], []>, transpose_lhs_hint = false} : vector<512x128xf32>, vector<128x64xf32>, vector<512x64xf32> -> vector<512x64xf32>
    %add3A_310 = vector.broadcast %get3A_20 : vector<1x64xf32> to vector<512x64xf32>
    %add3A_311 = arith.addf %dot_general3A_309, %add3A_310 : vector<512x64xf32>
    %sub3A_312 = arith.subf %slice3A_299, %slice3A_5 : vector<512x3xf32>
    %mul3A_313 = arith.mulf %sub3A_312, %sub3A_312 : vector<512x3xf32>
    %reduce_sum3A_314 = arith.constant dense<0.000000e+00> : vector<512xf32>
    %reduce_sum3A_315 = vector.multi_reduction <add>, %mul3A_313, %reduce_sum3A_314 [1] : vector<512x3xf32> to vector<512xf32>
    %broadcast_in_dim3A_316 = vector.shape_cast %reduce_sum3A_315 : vector<512xf32> to vector<512x1xf32>
    %sqrt3A_317 = math.sqrt %broadcast_in_dim3A_316 : vector<512x1xf32>
    %add3A_318 = arith.constant 9.99999993E-9 : f32
    %add3A_319 = vector.broadcast %add3A_318 : f32 to vector<512x1xf32>
    %add3A_320 = arith.addf %sqrt3A_317, %add3A_319 : vector<512x1xf32>
    %div3A_321 = arith.constant 1.000000e+00 : f32
    %div3A_322 = vector.broadcast %div3A_321 : f32 to vector<512x1xf32>
    %div3A_323 = arith.divf %div3A_322, %add3A_320 : vector<512x1xf32>
    %dot_general3A_324 = arith.constant dense<0.000000e+00> : vector<512x64xf32>
    %dot_general3A_325 = tpu.matmul %sub3A_312, %get3A_8, %dot_general3A_324 {dimension_numbers = #tpu.dot_dimension_numbers<[1], [0], [0], [1], [0, 0, 1, 1], [], []>, transpose_lhs_hint = false} : vector<512x3xf32>, vector<3x64xf32>, vector<512x64xf32> -> vector<512x64xf32>
    %abs3A_326 = math.absf %dot_general3A_325 : vector<512x64xf32>
    %mul3A_327 = arith.mulf %dot_general3A_325, %abs3A_326 : vector<512x64xf32>
    %mul3A_328 = vector.broadcast %div3A_323 : vector<512x1xf32> to vector<512x64xf32>
    %mul3A_329 = arith.mulf %mul3A_327, %mul3A_328 : vector<512x64xf32>
    %max3A_330 = arith.maximumf %max3A_295, %mul3A_329 : vector<512x64xf32>
    %slice3A_331 = vector.extract_strided_slice %get3A_3 {offsets = [10, 0, 0, 0], sizes = [1, 1, 512, 128], strides = [1, 1, 1, 1]} : vector<16x1x512x128xf32> to vector<1x1x512x128xf32>
    %squeeze3A_332 = vector.shape_cast %slice3A_331 : vector<1x1x512x128xf32> to vector<512x128xf32>
    %slice3A_333 = vector.extract_strided_slice %squeeze3A_332 {offsets = [0, 0], sizes = [512, 64], strides = [1, 1]} : vector<512x128xf32> to vector<512x64xf32>
    %slice3A_334 = vector.extract_strided_slice %squeeze3A_332 {offsets = [0, 64], sizes = [512, 3], strides = [1, 1]} : vector<512x128xf32> to vector<512x3xf32>
    %sub3A_335 = arith.subf %slice3A_333, %slice3A_4 : vector<512x64xf32>
    %dot_general3A_336 = arith.constant dense<0.000000e+00> : vector<512x128xf32>
    %dot_general3A_337 = tpu.matmul %sub3A_335, %get3A_11, %dot_general3A_336 {dimension_numbers = #tpu.dot_dimension_numbers<[1], [0], [0], [1], [0, 0, 1, 1], [], []>, transpose_lhs_hint = false} : vector<512x64xf32>, vector<64x128xf32>, vector<512x128xf32> -> vector<512x128xf32>
    %add3A_338 = vector.broadcast %get3A_14 : vector<1x128xf32> to vector<512x128xf32>
    %add3A_339 = arith.addf %dot_general3A_337, %add3A_338 : vector<512x128xf32>
    %max3A_340 = arith.constant 0.000000e+00 : f32
    %max3A_341 = vector.broadcast %max3A_340 : f32 to vector<512x128xf32>
    %max3A_342 = arith.maximumf %add3A_339, %max3A_341 : vector<512x128xf32>
    %dot_general3A_343 = arith.constant dense<0.000000e+00> : vector<512x64xf32>
    %dot_general3A_344 = tpu.matmul %max3A_342, %get3A_17, %dot_general3A_343 {dimension_numbers = #tpu.dot_dimension_numbers<[1], [0], [0], [1], [0, 0, 1, 1], [], []>, transpose_lhs_hint = false} : vector<512x128xf32>, vector<128x64xf32>, vector<512x64xf32> -> vector<512x64xf32>
    %add3A_345 = vector.broadcast %get3A_20 : vector<1x64xf32> to vector<512x64xf32>
    %add3A_346 = arith.addf %dot_general3A_344, %add3A_345 : vector<512x64xf32>
    %sub3A_347 = arith.subf %slice3A_334, %slice3A_5 : vector<512x3xf32>
    %mul3A_348 = arith.mulf %sub3A_347, %sub3A_347 : vector<512x3xf32>
    %reduce_sum3A_349 = arith.constant dense<0.000000e+00> : vector<512xf32>
    %reduce_sum3A_350 = vector.multi_reduction <add>, %mul3A_348, %reduce_sum3A_349 [1] : vector<512x3xf32> to vector<512xf32>
    %broadcast_in_dim3A_351 = vector.shape_cast %reduce_sum3A_350 : vector<512xf32> to vector<512x1xf32>
    %sqrt3A_352 = math.sqrt %broadcast_in_dim3A_351 : vector<512x1xf32>
    %add3A_353 = arith.constant 9.99999993E-9 : f32
    %add3A_354 = vector.broadcast %add3A_353 : f32 to vector<512x1xf32>
    %add3A_355 = arith.addf %sqrt3A_352, %add3A_354 : vector<512x1xf32>
    %div3A_356 = arith.constant 1.000000e+00 : f32
    %div3A_357 = vector.broadcast %div3A_356 : f32 to vector<512x1xf32>
    %div3A_358 = arith.divf %div3A_357, %add3A_355 : vector<512x1xf32>
    %dot_general3A_359 = arith.constant dense<0.000000e+00> : vector<512x64xf32>
    %dot_general3A_360 = tpu.matmul %sub3A_347, %get3A_8, %dot_general3A_359 {dimension_numbers = #tpu.dot_dimension_numbers<[1], [0], [0], [1], [0, 0, 1, 1], [], []>, transpose_lhs_hint = false} : vector<512x3xf32>, vector<3x64xf32>, vector<512x64xf32> -> vector<512x64xf32>
    %abs3A_361 = math.absf %dot_general3A_360 : vector<512x64xf32>
    %mul3A_362 = arith.mulf %dot_general3A_360, %abs3A_361 : vector<512x64xf32>
    %mul3A_363 = vector.broadcast %div3A_358 : vector<512x1xf32> to vector<512x64xf32>
    %mul3A_364 = arith.mulf %mul3A_362, %mul3A_363 : vector<512x64xf32>
    %max3A_365 = arith.maximumf %max3A_330, %mul3A_364 : vector<512x64xf32>
    %slice3A_366 = vector.extract_strided_slice %get3A_3 {offsets = [11, 0, 0, 0], sizes = [1, 1, 512, 128], strides = [1, 1, 1, 1]} : vector<16x1x512x128xf32> to vector<1x1x512x128xf32>
    %squeeze3A_367 = vector.shape_cast %slice3A_366 : vector<1x1x512x128xf32> to vector<512x128xf32>
    %slice3A_368 = vector.extract_strided_slice %squeeze3A_367 {offsets = [0, 0], sizes = [512, 64], strides = [1, 1]} : vector<512x128xf32> to vector<512x64xf32>
    %slice3A_369 = vector.extract_strided_slice %squeeze3A_367 {offsets = [0, 64], sizes = [512, 3], strides = [1, 1]} : vector<512x128xf32> to vector<512x3xf32>
    %sub3A_370 = arith.subf %slice3A_368, %slice3A_4 : vector<512x64xf32>
    %dot_general3A_371 = arith.constant dense<0.000000e+00> : vector<512x128xf32>
    %dot_general3A_372 = tpu.matmul %sub3A_370, %get3A_11, %dot_general3A_371 {dimension_numbers = #tpu.dot_dimension_numbers<[1], [0], [0], [1], [0, 0, 1, 1], [], []>, transpose_lhs_hint = false} : vector<512x64xf32>, vector<64x128xf32>, vector<512x128xf32> -> vector<512x128xf32>
    %add3A_373 = vector.broadcast %get3A_14 : vector<1x128xf32> to vector<512x128xf32>
    %add3A_374 = arith.addf %dot_general3A_372, %add3A_373 : vector<512x128xf32>
    %max3A_375 = arith.constant 0.000000e+00 : f32
    %max3A_376 = vector.broadcast %max3A_375 : f32 to vector<512x128xf32>
    %max3A_377 = arith.maximumf %add3A_374, %max3A_376 : vector<512x128xf32>
    %dot_general3A_378 = arith.constant dense<0.000000e+00> : vector<512x64xf32>
    %dot_general3A_379 = tpu.matmul %max3A_377, %get3A_17, %dot_general3A_378 {dimension_numbers = #tpu.dot_dimension_numbers<[1], [0], [0], [1], [0, 0, 1, 1], [], []>, transpose_lhs_hint = false} : vector<512x128xf32>, vector<128x64xf32>, vector<512x64xf32> -> vector<512x64xf32>
    %add3A_380 = vector.broadcast %get3A_20 : vector<1x64xf32> to vector<512x64xf32>
    %add3A_381 = arith.addf %dot_general3A_379, %add3A_380 : vector<512x64xf32>
    %sub3A_382 = arith.subf %slice3A_369, %slice3A_5 : vector<512x3xf32>
    %mul3A_383 = arith.mulf %sub3A_382, %sub3A_382 : vector<512x3xf32>
    %reduce_sum3A_384 = arith.constant dense<0.000000e+00> : vector<512xf32>
    %reduce_sum3A_385 = vector.multi_reduction <add>, %mul3A_383, %reduce_sum3A_384 [1] : vector<512x3xf32> to vector<512xf32>
    %broadcast_in_dim3A_386 = vector.shape_cast %reduce_sum3A_385 : vector<512xf32> to vector<512x1xf32>
    %sqrt3A_387 = math.sqrt %broadcast_in_dim3A_386 : vector<512x1xf32>
    %add3A_388 = arith.constant 9.99999993E-9 : f32
    %add3A_389 = vector.broadcast %add3A_388 : f32 to vector<512x1xf32>
    %add3A_390 = arith.addf %sqrt3A_387, %add3A_389 : vector<512x1xf32>
    %div3A_391 = arith.constant 1.000000e+00 : f32
    %div3A_392 = vector.broadcast %div3A_391 : f32 to vector<512x1xf32>
    %div3A_393 = arith.divf %div3A_392, %add3A_390 : vector<512x1xf32>
    %dot_general3A_394 = arith.constant dense<0.000000e+00> : vector<512x64xf32>
    %dot_general3A_395 = tpu.matmul %sub3A_382, %get3A_8, %dot_general3A_394 {dimension_numbers = #tpu.dot_dimension_numbers<[1], [0], [0], [1], [0, 0, 1, 1], [], []>, transpose_lhs_hint = false} : vector<512x3xf32>, vector<3x64xf32>, vector<512x64xf32> -> vector<512x64xf32>
    %abs3A_396 = math.absf %dot_general3A_395 : vector<512x64xf32>
    %mul3A_397 = arith.mulf %dot_general3A_395, %abs3A_396 : vector<512x64xf32>
    %mul3A_398 = vector.broadcast %div3A_393 : vector<512x1xf32> to vector<512x64xf32>
    %mul3A_399 = arith.mulf %mul3A_397, %mul3A_398 : vector<512x64xf32>
    %max3A_400 = arith.maximumf %max3A_365, %mul3A_399 : vector<512x64xf32>
    %slice3A_401 = vector.extract_strided_slice %get3A_3 {offsets = [12, 0, 0, 0], sizes = [1, 1, 512, 128], strides = [1, 1, 1, 1]} : vector<16x1x512x128xf32> to vector<1x1x512x128xf32>
    %squeeze3A_402 = vector.shape_cast %slice3A_401 : vector<1x1x512x128xf32> to vector<512x128xf32>
    %slice3A_403 = vector.extract_strided_slice %squeeze3A_402 {offsets = [0, 0], sizes = [512, 64], strides = [1, 1]} : vector<512x128xf32> to vector<512x64xf32>
    %slice3A_404 = vector.extract_strided_slice %squeeze3A_402 {offsets = [0, 64], sizes = [512, 3], strides = [1, 1]} : vector<512x128xf32> to vector<512x3xf32>
    %sub3A_405 = arith.subf %slice3A_403, %slice3A_4 : vector<512x64xf32>
    %dot_general3A_406 = arith.constant dense<0.000000e+00> : vector<512x128xf32>
    %dot_general3A_407 = tpu.matmul %sub3A_405, %get3A_11, %dot_general3A_406 {dimension_numbers = #tpu.dot_dimension_numbers<[1], [0], [0], [1], [0, 0, 1, 1], [], []>, transpose_lhs_hint = false} : vector<512x64xf32>, vector<64x128xf32>, vector<512x128xf32> -> vector<512x128xf32>
    %add3A_408 = vector.broadcast %get3A_14 : vector<1x128xf32> to vector<512x128xf32>
    %add3A_409 = arith.addf %dot_general3A_407, %add3A_408 : vector<512x128xf32>
    %max3A_410 = arith.constant 0.000000e+00 : f32
    %max3A_411 = vector.broadcast %max3A_410 : f32 to vector<512x128xf32>
    %max3A_412 = arith.maximumf %add3A_409, %max3A_411 : vector<512x128xf32>
    %dot_general3A_413 = arith.constant dense<0.000000e+00> : vector<512x64xf32>
    %dot_general3A_414 = tpu.matmul %max3A_412, %get3A_17, %dot_general3A_413 {dimension_numbers = #tpu.dot_dimension_numbers<[1], [0], [0], [1], [0, 0, 1, 1], [], []>, transpose_lhs_hint = false} : vector<512x128xf32>, vector<128x64xf32>, vector<512x64xf32> -> vector<512x64xf32>
    %add3A_415 = vector.broadcast %get3A_20 : vector<1x64xf32> to vector<512x64xf32>
    %add3A_416 = arith.addf %dot_general3A_414, %add3A_415 : vector<512x64xf32>
    %sub3A_417 = arith.subf %slice3A_404, %slice3A_5 : vector<512x3xf32>
    %mul3A_418 = arith.mulf %sub3A_417, %sub3A_417 : vector<512x3xf32>
    %reduce_sum3A_419 = arith.constant dense<0.000000e+00> : vector<512xf32>
    %reduce_sum3A_420 = vector.multi_reduction <add>, %mul3A_418, %reduce_sum3A_419 [1] : vector<512x3xf32> to vector<512xf32>
    %broadcast_in_dim3A_421 = vector.shape_cast %reduce_sum3A_420 : vector<512xf32> to vector<512x1xf32>
    %sqrt3A_422 = math.sqrt %broadcast_in_dim3A_421 : vector<512x1xf32>
    %add3A_423 = arith.constant 9.99999993E-9 : f32
    %add3A_424 = vector.broadcast %add3A_423 : f32 to vector<512x1xf32>
    %add3A_425 = arith.addf %sqrt3A_422, %add3A_424 : vector<512x1xf32>
    %div3A_426 = arith.constant 1.000000e+00 : f32
    %div3A_427 = vector.broadcast %div3A_426 : f32 to vector<512x1xf32>
    %div3A_428 = arith.divf %div3A_427, %add3A_425 : vector<512x1xf32>
    %dot_general3A_429 = arith.constant dense<0.000000e+00> : vector<512x64xf32>
    %dot_general3A_430 = tpu.matmul %sub3A_417, %get3A_8, %dot_general3A_429 {dimension_numbers = #tpu.dot_dimension_numbers<[1], [0], [0], [1], [0, 0, 1, 1], [], []>, transpose_lhs_hint = false} : vector<512x3xf32>, vector<3x64xf32>, vector<512x64xf32> -> vector<512x64xf32>
    %abs3A_431 = math.absf %dot_general3A_430 : vector<512x64xf32>
    %mul3A_432 = arith.mulf %dot_general3A_430, %abs3A_431 : vector<512x64xf32>
    %mul3A_433 = vector.broadcast %div3A_428 : vector<512x1xf32> to vector<512x64xf32>
    %mul3A_434 = arith.mulf %mul3A_432, %mul3A_433 : vector<512x64xf32>
    %max3A_435 = arith.maximumf %max3A_400, %mul3A_434 : vector<512x64xf32>
    %slice3A_436 = vector.extract_strided_slice %get3A_3 {offsets = [13, 0, 0, 0], sizes = [1, 1, 512, 128], strides = [1, 1, 1, 1]} : vector<16x1x512x128xf32> to vector<1x1x512x128xf32>
    %squeeze3A_437 = vector.shape_cast %slice3A_436 : vector<1x1x512x128xf32> to vector<512x128xf32>
    %slice3A_438 = vector.extract_strided_slice %squeeze3A_437 {offsets = [0, 0], sizes = [512, 64], strides = [1, 1]} : vector<512x128xf32> to vector<512x64xf32>
    %slice3A_439 = vector.extract_strided_slice %squeeze3A_437 {offsets = [0, 64], sizes = [512, 3], strides = [1, 1]} : vector<512x128xf32> to vector<512x3xf32>
    %sub3A_440 = arith.subf %slice3A_438, %slice3A_4 : vector<512x64xf32>
    %dot_general3A_441 = arith.constant dense<0.000000e+00> : vector<512x128xf32>
    %dot_general3A_442 = tpu.matmul %sub3A_440, %get3A_11, %dot_general3A_441 {dimension_numbers = #tpu.dot_dimension_numbers<[1], [0], [0], [1], [0, 0, 1, 1], [], []>, transpose_lhs_hint = false} : vector<512x64xf32>, vector<64x128xf32>, vector<512x128xf32> -> vector<512x128xf32>
    %add3A_443 = vector.broadcast %get3A_14 : vector<1x128xf32> to vector<512x128xf32>
    %add3A_444 = arith.addf %dot_general3A_442, %add3A_443 : vector<512x128xf32>
    %max3A_445 = arith.constant 0.000000e+00 : f32
    %max3A_446 = vector.broadcast %max3A_445 : f32 to vector<512x128xf32>
    %max3A_447 = arith.maximumf %add3A_444, %max3A_446 : vector<512x128xf32>
    %dot_general3A_448 = arith.constant dense<0.000000e+00> : vector<512x64xf32>
    %dot_general3A_449 = tpu.matmul %max3A_447, %get3A_17, %dot_general3A_448 {dimension_numbers = #tpu.dot_dimension_numbers<[1], [0], [0], [1], [0, 0, 1, 1], [], []>, transpose_lhs_hint = false} : vector<512x128xf32>, vector<128x64xf32>, vector<512x64xf32> -> vector<512x64xf32>
    %add3A_450 = vector.broadcast %get3A_20 : vector<1x64xf32> to vector<512x64xf32>
    %add3A_451 = arith.addf %dot_general3A_449, %add3A_450 : vector<512x64xf32>
    %sub3A_452 = arith.subf %slice3A_439, %slice3A_5 : vector<512x3xf32>
    %mul3A_453 = arith.mulf %sub3A_452, %sub3A_452 : vector<512x3xf32>
    %reduce_sum3A_454 = arith.constant dense<0.000000e+00> : vector<512xf32>
    %reduce_sum3A_455 = vector.multi_reduction <add>, %mul3A_453, %reduce_sum3A_454 [1] : vector<512x3xf32> to vector<512xf32>
    %broadcast_in_dim3A_456 = vector.shape_cast %reduce_sum3A_455 : vector<512xf32> to vector<512x1xf32>
    %sqrt3A_457 = math.sqrt %broadcast_in_dim3A_456 : vector<512x1xf32>
    %add3A_458 = arith.constant 9.99999993E-9 : f32
    %add3A_459 = vector.broadcast %add3A_458 : f32 to vector<512x1xf32>
    %add3A_460 = arith.addf %sqrt3A_457, %add3A_459 : vector<512x1xf32>
    %div3A_461 = arith.constant 1.000000e+00 : f32
    %div3A_462 = vector.broadcast %div3A_461 : f32 to vector<512x1xf32>
    %div3A_463 = arith.divf %div3A_462, %add3A_460 : vector<512x1xf32>
    %dot_general3A_464 = arith.constant dense<0.000000e+00> : vector<512x64xf32>
    %dot_general3A_465 = tpu.matmul %sub3A_452, %get3A_8, %dot_general3A_464 {dimension_numbers = #tpu.dot_dimension_numbers<[1], [0], [0], [1], [0, 0, 1, 1], [], []>, transpose_lhs_hint = false} : vector<512x3xf32>, vector<3x64xf32>, vector<512x64xf32> -> vector<512x64xf32>
    %abs3A_466 = math.absf %dot_general3A_465 : vector<512x64xf32>
    %mul3A_467 = arith.mulf %dot_general3A_465, %abs3A_466 : vector<512x64xf32>
    %mul3A_468 = vector.broadcast %div3A_463 : vector<512x1xf32> to vector<512x64xf32>
    %mul3A_469 = arith.mulf %mul3A_467, %mul3A_468 : vector<512x64xf32>
    %max3A_470 = arith.maximumf %max3A_435, %mul3A_469 : vector<512x64xf32>
    %slice3A_471 = vector.extract_strided_slice %get3A_3 {offsets = [14, 0, 0, 0], sizes = [1, 1, 512, 128], strides = [1, 1, 1, 1]} : vector<16x1x512x128xf32> to vector<1x1x512x128xf32>
    %squeeze3A_472 = vector.shape_cast %slice3A_471 : vector<1x1x512x128xf32> to vector<512x128xf32>
    %slice3A_473 = vector.extract_strided_slice %squeeze3A_472 {offsets = [0, 0], sizes = [512, 64], strides = [1, 1]} : vector<512x128xf32> to vector<512x64xf32>
    %slice3A_474 = vector.extract_strided_slice %squeeze3A_472 {offsets = [0, 64], sizes = [512, 3], strides = [1, 1]} : vector<512x128xf32> to vector<512x3xf32>
    %sub3A_475 = arith.subf %slice3A_473, %slice3A_4 : vector<512x64xf32>
    %dot_general3A_476 = arith.constant dense<0.000000e+00> : vector<512x128xf32>
    %dot_general3A_477 = tpu.matmul %sub3A_475, %get3A_11, %dot_general3A_476 {dimension_numbers = #tpu.dot_dimension_numbers<[1], [0], [0], [1], [0, 0, 1, 1], [], []>, transpose_lhs_hint = false} : vector<512x64xf32>, vector<64x128xf32>, vector<512x128xf32> -> vector<512x128xf32>
    %add3A_478 = vector.broadcast %get3A_14 : vector<1x128xf32> to vector<512x128xf32>
    %add3A_479 = arith.addf %dot_general3A_477, %add3A_478 : vector<512x128xf32>
    %max3A_480 = arith.constant 0.000000e+00 : f32
    %max3A_481 = vector.broadcast %max3A_480 : f32 to vector<512x128xf32>
    %max3A_482 = arith.maximumf %add3A_479, %max3A_481 : vector<512x128xf32>
    %dot_general3A_483 = arith.constant dense<0.000000e+00> : vector<512x64xf32>
    %dot_general3A_484 = tpu.matmul %max3A_482, %get3A_17, %dot_general3A_483 {dimension_numbers = #tpu.dot_dimension_numbers<[1], [0], [0], [1], [0, 0, 1, 1], [], []>, transpose_lhs_hint = false} : vector<512x128xf32>, vector<128x64xf32>, vector<512x64xf32> -> vector<512x64xf32>
    %add3A_485 = vector.broadcast %get3A_20 : vector<1x64xf32> to vector<512x64xf32>
    %add3A_486 = arith.addf %dot_general3A_484, %add3A_485 : vector<512x64xf32>
    %sub3A_487 = arith.subf %slice3A_474, %slice3A_5 : vector<512x3xf32>
    %mul3A_488 = arith.mulf %sub3A_487, %sub3A_487 : vector<512x3xf32>
    %reduce_sum3A_489 = arith.constant dense<0.000000e+00> : vector<512xf32>
    %reduce_sum3A_490 = vector.multi_reduction <add>, %mul3A_488, %reduce_sum3A_489 [1] : vector<512x3xf32> to vector<512xf32>
    %broadcast_in_dim3A_491 = vector.shape_cast %reduce_sum3A_490 : vector<512xf32> to vector<512x1xf32>
    %sqrt3A_492 = math.sqrt %broadcast_in_dim3A_491 : vector<512x1xf32>
    %add3A_493 = arith.constant 9.99999993E-9 : f32
    %add3A_494 = vector.broadcast %add3A_493 : f32 to vector<512x1xf32>
    %add3A_495 = arith.addf %sqrt3A_492, %add3A_494 : vector<512x1xf32>
    %div3A_496 = arith.constant 1.000000e+00 : f32
    %div3A_497 = vector.broadcast %div3A_496 : f32 to vector<512x1xf32>
    %div3A_498 = arith.divf %div3A_497, %add3A_495 : vector<512x1xf32>
    %dot_general3A_499 = arith.constant dense<0.000000e+00> : vector<512x64xf32>
    %dot_general3A_500 = tpu.matmul %sub3A_487, %get3A_8, %dot_general3A_499 {dimension_numbers = #tpu.dot_dimension_numbers<[1], [0], [0], [1], [0, 0, 1, 1], [], []>, transpose_lhs_hint = false} : vector<512x3xf32>, vector<3x64xf32>, vector<512x64xf32> -> vector<512x64xf32>
    %abs3A_501 = math.absf %dot_general3A_500 : vector<512x64xf32>
    %mul3A_502 = arith.mulf %dot_general3A_500, %abs3A_501 : vector<512x64xf32>
    %mul3A_503 = vector.broadcast %div3A_498 : vector<512x1xf32> to vector<512x64xf32>
    %mul3A_504 = arith.mulf %mul3A_502, %mul3A_503 : vector<512x64xf32>
    %max3A_505 = arith.maximumf %max3A_470, %mul3A_504 : vector<512x64xf32>
    %slice3A_506 = vector.extract_strided_slice %get3A_3 {offsets = [15, 0, 0, 0], sizes = [1, 1, 512, 128], strides = [1, 1, 1, 1]} : vector<16x1x512x128xf32> to vector<1x1x512x128xf32>
    %squeeze3A_507 = vector.shape_cast %slice3A_506 : vector<1x1x512x128xf32> to vector<512x128xf32>
    %slice3A_508 = vector.extract_strided_slice %squeeze3A_507 {offsets = [0, 0], sizes = [512, 64], strides = [1, 1]} : vector<512x128xf32> to vector<512x64xf32>
    %slice3A_509 = vector.extract_strided_slice %squeeze3A_507 {offsets = [0, 64], sizes = [512, 3], strides = [1, 1]} : vector<512x128xf32> to vector<512x3xf32>
    %sub3A_510 = arith.subf %slice3A_508, %slice3A_4 : vector<512x64xf32>
    %dot_general3A_511 = arith.constant dense<0.000000e+00> : vector<512x128xf32>
    %dot_general3A_512 = tpu.matmul %sub3A_510, %get3A_11, %dot_general3A_511 {dimension_numbers = #tpu.dot_dimension_numbers<[1], [0], [0], [1], [0, 0, 1, 1], [], []>, transpose_lhs_hint = false} : vector<512x64xf32>, vector<64x128xf32>, vector<512x128xf32> -> vector<512x128xf32>
    %add3A_513 = vector.broadcast %get3A_14 : vector<1x128xf32> to vector<512x128xf32>
    %add3A_514 = arith.addf %dot_general3A_512, %add3A_513 : vector<512x128xf32>
    %max3A_515 = arith.constant 0.000000e+00 : f32
    %max3A_516 = vector.broadcast %max3A_515 : f32 to vector<512x128xf32>
    %max3A_517 = arith.maximumf %add3A_514, %max3A_516 : vector<512x128xf32>
    %dot_general3A_518 = arith.constant dense<0.000000e+00> : vector<512x64xf32>
    %dot_general3A_519 = tpu.matmul %max3A_517, %get3A_17, %dot_general3A_518 {dimension_numbers = #tpu.dot_dimension_numbers<[1], [0], [0], [1], [0, 0, 1, 1], [], []>, transpose_lhs_hint = false} : vector<512x128xf32>, vector<128x64xf32>, vector<512x64xf32> -> vector<512x64xf32>
    %add3A_520 = vector.broadcast %get3A_20 : vector<1x64xf32> to vector<512x64xf32>
    %add3A_521 = arith.addf %dot_general3A_519, %add3A_520 : vector<512x64xf32>
    %sub3A_522 = arith.subf %slice3A_509, %slice3A_5 : vector<512x3xf32>
    %mul3A_523 = arith.mulf %sub3A_522, %sub3A_522 : vector<512x3xf32>
    %reduce_sum3A_524 = arith.constant dense<0.000000e+00> : vector<512xf32>
    %reduce_sum3A_525 = vector.multi_reduction <add>, %mul3A_523, %reduce_sum3A_524 [1] : vector<512x3xf32> to vector<512xf32>
    %broadcast_in_dim3A_526 = vector.shape_cast %reduce_sum3A_525 : vector<512xf32> to vector<512x1xf32>
    %sqrt3A_527 = math.sqrt %broadcast_in_dim3A_526 : vector<512x1xf32>
    %add3A_528 = arith.constant 9.99999993E-9 : f32
    %add3A_529 = vector.broadcast %add3A_528 : f32 to vector<512x1xf32>
    %add3A_530 = arith.addf %sqrt3A_527, %add3A_529 : vector<512x1xf32>
    %div3A_531 = arith.constant 1.000000e+00 : f32
    %div3A_532 = vector.broadcast %div3A_531 : f32 to vector<512x1xf32>
    %div3A_533 = arith.divf %div3A_532, %add3A_530 : vector<512x1xf32>
    %dot_general3A_534 = arith.constant dense<0.000000e+00> : vector<512x64xf32>
    %dot_general3A_535 = tpu.matmul %sub3A_522, %get3A_8, %dot_general3A_534 {dimension_numbers = #tpu.dot_dimension_numbers<[1], [0], [0], [1], [0, 0, 1, 1], [], []>, transpose_lhs_hint = false} : vector<512x3xf32>, vector<3x64xf32>, vector<512x64xf32> -> vector<512x64xf32>
    %abs3A_536 = math.absf %dot_general3A_535 : vector<512x64xf32>
    %mul3A_537 = arith.mulf %dot_general3A_535, %abs3A_536 : vector<512x64xf32>
    %mul3A_538 = vector.broadcast %div3A_533 : vector<512x1xf32> to vector<512x64xf32>
    %mul3A_539 = arith.mulf %mul3A_537, %mul3A_538 : vector<512x64xf32>
    %max3A_540 = arith.maximumf %max3A_505, %mul3A_539 : vector<512x64xf32>
    %max3A_541 = vector.broadcast %add3A : vector<1x64xf32> to vector<512x64xf32>
    %max3A_542 = arith.maximumf %max3A_541, %add3A_38 : vector<512x64xf32>
    %max3A_543 = arith.maximumf %max3A_542, %add3A_66 : vector<512x64xf32>
    %max3A_544 = arith.maximumf %max3A_543, %add3A_101 : vector<512x64xf32>
    %max3A_545 = arith.maximumf %max3A_544, %add3A_136 : vector<512x64xf32>
    %max3A_546 = arith.maximumf %max3A_545, %add3A_171 : vector<512x64xf32>
    %max3A_547 = arith.maximumf %max3A_546, %add3A_206 : vector<512x64xf32>
    %max3A_548 = arith.maximumf %max3A_547, %add3A_241 : vector<512x64xf32>
    %max3A_549 = arith.maximumf %max3A_548, %add3A_276 : vector<512x64xf32>
    %max3A_550 = arith.maximumf %max3A_549, %add3A_311 : vector<512x64xf32>
    %max3A_551 = arith.maximumf %max3A_550, %add3A_346 : vector<512x64xf32>
    %max3A_552 = arith.maximumf %max3A_551, %add3A_381 : vector<512x64xf32>
    %max3A_553 = arith.maximumf %max3A_552, %add3A_416 : vector<512x64xf32>
    %max3A_554 = arith.maximumf %max3A_553, %add3A_451 : vector<512x64xf32>
    %max3A_555 = arith.maximumf %max3A_554, %add3A_486 : vector<512x64xf32>
    %max3A_556 = arith.maximumf %max3A_555, %add3A_521 : vector<512x64xf32>
    %broadcast_in_dim3A_557 = vector.shape_cast %add3A : vector<1x64xf32> to vector<1x64xf32>
    %broadcast_in_dim3A_558 = vector.broadcast %broadcast_in_dim3A_557 : vector<1x64xf32> to vector<512x64xf32>
    %sub3A_559 = arith.subf %broadcast_in_dim3A_558, %max3A_556 : vector<512x64xf32>
    %exp3A = math.exp %sub3A_559 : vector<512x64xf32>
    %sub3A_560 = arith.subf %add3A_38, %max3A_556 : vector<512x64xf32>
    %exp3A_561 = math.exp %sub3A_560 : vector<512x64xf32>
    %add3A_562 = arith.addf %exp3A, %exp3A_561 : vector<512x64xf32>
    %mul3A_563 = arith.mulf %exp3A_561, %sub3A : vector<512x64xf32>
    %sub3A_564 = arith.subf %add3A_66, %max3A_556 : vector<512x64xf32>
    %exp3A_565 = math.exp %sub3A_564 : vector<512x64xf32>
    %add3A_566 = arith.addf %add3A_562, %exp3A_565 : vector<512x64xf32>
    %mul3A_567 = arith.mulf %exp3A_565, %sub3A_55 : vector<512x64xf32>
    %add3A_568 = arith.addf %mul3A_563, %mul3A_567 : vector<512x64xf32>
    %sub3A_569 = arith.subf %add3A_101, %max3A_556 : vector<512x64xf32>
    %exp3A_570 = math.exp %sub3A_569 : vector<512x64xf32>
    %add3A_571 = arith.addf %add3A_566, %exp3A_570 : vector<512x64xf32>
    %mul3A_572 = arith.mulf %exp3A_570, %sub3A_90 : vector<512x64xf32>
    %add3A_573 = arith.addf %add3A_568, %mul3A_572 : vector<512x64xf32>
    %sub3A_574 = arith.subf %add3A_136, %max3A_556 : vector<512x64xf32>
    %exp3A_575 = math.exp %sub3A_574 : vector<512x64xf32>
    %add3A_576 = arith.addf %add3A_571, %exp3A_575 : vector<512x64xf32>
    %mul3A_577 = arith.mulf %exp3A_575, %sub3A_125 : vector<512x64xf32>
    %add3A_578 = arith.addf %add3A_573, %mul3A_577 : vector<512x64xf32>
    %sub3A_579 = arith.subf %add3A_171, %max3A_556 : vector<512x64xf32>
    %exp3A_580 = math.exp %sub3A_579 : vector<512x64xf32>
    %add3A_581 = arith.addf %add3A_576, %exp3A_580 : vector<512x64xf32>
    %mul3A_582 = arith.mulf %exp3A_580, %sub3A_160 : vector<512x64xf32>
    %add3A_583 = arith.addf %add3A_578, %mul3A_582 : vector<512x64xf32>
    %sub3A_584 = arith.subf %add3A_206, %max3A_556 : vector<512x64xf32>
    %exp3A_585 = math.exp %sub3A_584 : vector<512x64xf32>
    %add3A_586 = arith.addf %add3A_581, %exp3A_585 : vector<512x64xf32>
    %mul3A_587 = arith.mulf %exp3A_585, %sub3A_195 : vector<512x64xf32>
    %add3A_588 = arith.addf %add3A_583, %mul3A_587 : vector<512x64xf32>
    %sub3A_589 = arith.subf %add3A_241, %max3A_556 : vector<512x64xf32>
    %exp3A_590 = math.exp %sub3A_589 : vector<512x64xf32>
    %add3A_591 = arith.addf %add3A_586, %exp3A_590 : vector<512x64xf32>
    %mul3A_592 = arith.mulf %exp3A_590, %sub3A_230 : vector<512x64xf32>
    %add3A_593 = arith.addf %add3A_588, %mul3A_592 : vector<512x64xf32>
    %sub3A_594 = arith.subf %add3A_276, %max3A_556 : vector<512x64xf32>
    %exp3A_595 = math.exp %sub3A_594 : vector<512x64xf32>
    %add3A_596 = arith.addf %add3A_591, %exp3A_595 : vector<512x64xf32>
    %mul3A_597 = arith.mulf %exp3A_595, %sub3A_265 : vector<512x64xf32>
    %add3A_598 = arith.addf %add3A_593, %mul3A_597 : vector<512x64xf32>
    %sub3A_599 = arith.subf %add3A_311, %max3A_556 : vector<512x64xf32>
    %exp3A_600 = math.exp %sub3A_599 : vector<512x64xf32>
    %add3A_601 = arith.addf %add3A_596, %exp3A_600 : vector<512x64xf32>
    %mul3A_602 = arith.mulf %exp3A_600, %sub3A_300 : vector<512x64xf32>
    %add3A_603 = arith.addf %add3A_598, %mul3A_602 : vector<512x64xf32>
    %sub3A_604 = arith.subf %add3A_346, %max3A_556 : vector<512x64xf32>
    %exp3A_605 = math.exp %sub3A_604 : vector<512x64xf32>
    %add3A_606 = arith.addf %add3A_601, %exp3A_605 : vector<512x64xf32>
    %mul3A_607 = arith.mulf %exp3A_605, %sub3A_335 : vector<512x64xf32>
    %add3A_608 = arith.addf %add3A_603, %mul3A_607 : vector<512x64xf32>
    %sub3A_609 = arith.subf %add3A_381, %max3A_556 : vector<512x64xf32>
    %exp3A_610 = math.exp %sub3A_609 : vector<512x64xf32>
    %add3A_611 = arith.addf %add3A_606, %exp3A_610 : vector<512x64xf32>
    %mul3A_612 = arith.mulf %exp3A_610, %sub3A_370 : vector<512x64xf32>
    %add3A_613 = arith.addf %add3A_608, %mul3A_612 : vector<512x64xf32>
    %sub3A_614 = arith.subf %add3A_416, %max3A_556 : vector<512x64xf32>
    %exp3A_615 = math.exp %sub3A_614 : vector<512x64xf32>
    %add3A_616 = arith.addf %add3A_611, %exp3A_615 : vector<512x64xf32>
    %mul3A_617 = arith.mulf %exp3A_615, %sub3A_405 : vector<512x64xf32>
    %add3A_618 = arith.addf %add3A_613, %mul3A_617 : vector<512x64xf32>
    %sub3A_619 = arith.subf %add3A_451, %max3A_556 : vector<512x64xf32>
    %exp3A_620 = math.exp %sub3A_619 : vector<512x64xf32>
    %add3A_621 = arith.addf %add3A_616, %exp3A_620 : vector<512x64xf32>
    %mul3A_622 = arith.mulf %exp3A_620, %sub3A_440 : vector<512x64xf32>
    %add3A_623 = arith.addf %add3A_618, %mul3A_622 : vector<512x64xf32>
    %sub3A_624 = arith.subf %add3A_486, %max3A_556 : vector<512x64xf32>
    %exp3A_625 = math.exp %sub3A_624 : vector<512x64xf32>
    %add3A_626 = arith.addf %add3A_621, %exp3A_625 : vector<512x64xf32>
    %mul3A_627 = arith.mulf %exp3A_625, %sub3A_475 : vector<512x64xf32>
    %add3A_628 = arith.addf %add3A_623, %mul3A_627 : vector<512x64xf32>
    %sub3A_629 = arith.subf %add3A_521, %max3A_556 : vector<512x64xf32>
    %exp3A_630 = math.exp %sub3A_629 : vector<512x64xf32>
    %add3A_631 = arith.addf %add3A_626, %exp3A_630 : vector<512x64xf32>
    %mul3A_632 = arith.mulf %exp3A_630, %sub3A_510 : vector<512x64xf32>
    %add3A_633 = arith.addf %add3A_628, %mul3A_632 : vector<512x64xf32>
    %div3A_634 = arith.divf %add3A_633, %add3A_631 : vector<512x64xf32>
    %get3A_635 = arith.constant 0 : index
    %get3A_636 = arith.constant 0 : index
    %get3A_637 = vector.load %arg4[%get3A_635, %get3A_636] : memref<64x64xf32, #tpu.memory_space<vmem>>, vector<64x64xf32>
    %dot_general3A_638 = arith.constant dense<0.000000e+00> : vector<512x64xf32>
    %dot_general3A_639 = tpu.matmul %max3A_540, %get3A_637, %dot_general3A_638 {dimension_numbers = #tpu.dot_dimension_numbers<[1], [0], [0], [1], [0, 0, 1, 1], [], []>, transpose_lhs_hint = false} : vector<512x64xf32>, vector<64x64xf32>, vector<512x64xf32> -> vector<512x64xf32>
    %get3A_640 = arith.constant 0 : index
    %get3A_641 = arith.constant 0 : index
    %get3A_642 = vector.load %arg5[%get3A_640, %get3A_641] : memref<1x64xf32, #tpu.memory_space<vmem>>, vector<1x64xf32>
    %add3A_643 = vector.broadcast %get3A_642 : vector<1x64xf32> to vector<512x64xf32>
    %add3A_644 = arith.addf %dot_general3A_639, %add3A_643 : vector<512x64xf32>
    %get3A_645 = arith.constant 0 : index
    %get3A_646 = arith.constant 0 : index
    %get3A_647 = vector.load %arg10[%get3A_645, %get3A_646] : memref<64x128xf32, #tpu.memory_space<vmem>>, vector<64x128xf32>
    %dot_general3A_648 = arith.constant dense<0.000000e+00> : vector<512x128xf32>
    %dot_general3A_649 = tpu.matmul %div3A_634, %get3A_647, %dot_general3A_648 {dimension_numbers = #tpu.dot_dimension_numbers<[1], [0], [0], [1], [0, 0, 1, 1], [], []>, transpose_lhs_hint = false} : vector<512x64xf32>, vector<64x128xf32>, vector<512x128xf32> -> vector<512x128xf32>
    %get3A_650 = arith.constant 0 : index
    %get3A_651 = arith.constant 0 : index
    %get3A_652 = vector.load %arg11[%get3A_650, %get3A_651] : memref<64x128xf32, #tpu.memory_space<vmem>>, vector<64x128xf32>
    %dot_general3A_653 = arith.constant dense<0.000000e+00> : vector<512x128xf32>
    %dot_general3A_654 = tpu.matmul %add3A_644, %get3A_652, %dot_general3A_653 {dimension_numbers = #tpu.dot_dimension_numbers<[1], [0], [0], [1], [0, 0, 1, 1], [], []>, transpose_lhs_hint = false} : vector<512x64xf32>, vector<64x128xf32>, vector<512x128xf32> -> vector<512x128xf32>
    %add3A_655 = arith.addf %dot_general3A_649, %dot_general3A_654 : vector<512x128xf32>
    %get3A_656 = arith.constant 0 : index
    %get3A_657 = arith.constant 0 : index
    %get3A_658 = vector.load %arg12[%get3A_656, %get3A_657] : memref<1x128xf32, #tpu.memory_space<vmem>>, vector<1x128xf32>
    %add3A_659 = vector.broadcast %get3A_658 : vector<1x128xf32> to vector<512x128xf32>
    %add3A_660 = arith.addf %add3A_655, %add3A_659 : vector<512x128xf32>
    %max3A_661 = arith.constant 0.000000e+00 : f32
    %max3A_662 = vector.broadcast %max3A_661 : f32 to vector<512x128xf32>
    %max3A_663 = arith.maximumf %add3A_660, %max3A_662 : vector<512x128xf32>
    %get3A_664 = arith.constant 0 : index
    %get3A_665 = arith.constant 0 : index
    %get3A_666 = vector.load %arg13[%get3A_664, %get3A_665] : memref<128x6xf32, #tpu.memory_space<vmem>>, vector<128x6xf32>
    %dot_general3A_667 = arith.constant dense<0.000000e+00> : vector<512x6xf32>
    %dot_general3A_668 = tpu.matmul %max3A_663, %get3A_666, %dot_general3A_667 {dimension_numbers = #tpu.dot_dimension_numbers<[1], [0], [0], [1], [0, 0, 1, 1], [], []>, transpose_lhs_hint = false} : vector<512x128xf32>, vector<128x6xf32>, vector<512x6xf32> -> vector<512x6xf32>
    %get3A_669 = arith.constant 0 : index
    %get3A_670 = arith.constant 0 : index
    %get3A_671 = vector.load %arg14[%get3A_669, %get3A_670] : memref<1x6xf32, #tpu.memory_space<vmem>>, vector<1x6xf32>
    %add3A_672 = vector.broadcast %get3A_671 : vector<1x6xf32> to vector<512x6xf32>
    %add3A_673 = arith.addf %dot_general3A_668, %add3A_672 : vector<512x6xf32>
    %slice3A_674 = vector.extract_strided_slice %slice3A_5 {offsets = [0, 0], sizes = [512, 1], strides = [1, 1]} : vector<512x3xf32> to vector<512x1xf32>
    %slice3A_675 = vector.extract_strided_slice %slice3A_5 {offsets = [0, 0], sizes = [512, 1], strides = [1, 1]} : vector<512x3xf32> to vector<512x1xf32>
    %slice3A_676 = vector.extract_strided_slice %slice3A_5 {offsets = [0, 1], sizes = [512, 1], strides = [1, 1]} : vector<512x3xf32> to vector<512x1xf32>
    %slice3A_677 = vector.extract_strided_slice %slice3A_5 {offsets = [0, 1], sizes = [512, 1], strides = [1, 1]} : vector<512x3xf32> to vector<512x1xf32>
    %slice3A_678 = vector.extract_strided_slice %slice3A_5 {offsets = [0, 2], sizes = [512, 1], strides = [1, 1]} : vector<512x3xf32> to vector<512x1xf32>
    %slice3A_679 = vector.extract_strided_slice %slice3A_5 {offsets = [0, 2], sizes = [512, 1], strides = [1, 1]} : vector<512x3xf32> to vector<512x1xf32>
    %concatenate3A = tpu.concatenate %slice3A_674, %slice3A_675, %slice3A_676, %slice3A_677, %slice3A_678, %slice3A_679 in 1 : vector<512x1xf32>, vector<512x1xf32>, vector<512x1xf32>, vector<512x1xf32>, vector<512x1xf32>, vector<512x1xf32> -> vector<512x6xf32>
    %mul3A_680 = arith.constant 1.500000e-01 : f32
    %mul3A_681 = vector.broadcast %mul3A_680 : f32 to vector<512x6xf32>
    %mul3A_682 = arith.mulf %mul3A_681, %add3A_673 : vector<512x6xf32>
    %add3A_683 = arith.addf %concatenate3A, %mul3A_682 : vector<512x6xf32>
    %swap3A = arith.constant 0 : index
    %swap3A_684 = arith.constant 0 : index
    %swap3A_685 = arith.constant 0 : index
    %swap3A_686 = vector.load %arg15[%swap3A, %swap3A_684, %swap3A_685] : memref<1x512x6xf32, #tpu.memory_space<vmem>>, vector<1x512x6xf32>
    %swap3A_687 = vector.shape_cast %swap3A_686 : vector<1x512x6xf32> to vector<512x6xf32>
    %swap3A_688 = vector.shape_cast %add3A_683 : vector<512x6xf32> to vector<1x512x6xf32>
    tpu.vector_store %arg15[%swap3A, %swap3A_684, %swap3A_685], %swap3A_688 {strides = array<i32>} : memref<1x512x6xf32, #tpu.memory_space<vmem>>, vector<1x512x6xf32>,
    return
  }
  func.func @transform_0(%arg0: i32, %arg1: i32) -> (i32, i32, i32, i32) {
    %c0_i32 = arith.constant 0 : i32
    %c0_i32_0 = arith.constant 0 : i32
    %c0_i32_1 = arith.constant 0 : i32
    return %c0_i32, %arg0, %arg1, %c0_i32_0 : i32, i32, i32, i32
  }
  func.func @transform_1(%arg0: i32, %arg1: i32) -> (i32, i32) {
    %c0_i32 = arith.constant 0 : i32
    %c0_i32_0 = arith.constant 0 : i32
    %c0_i32_1 = arith.constant 0 : i32
    return %c0_i32, %c0_i32_0 : i32, i32
  }
  func.func @transform_2(%arg0: i32, %arg1: i32) -> (i32, i32) {
    %c0_i32 = arith.constant 0 : i32
    %c0_i32_0 = arith.constant 0 : i32
    %c0_i32_1 = arith.constant 0 : i32
    return %c0_i32, %c0_i32_0 : i32, i32
  }
  func.func @transform_3(%arg0: i32, %arg1: i32) -> (i32, i32) {
    %c0_i32 = arith.constant 0 : i32
    %c0_i32_0 = arith.constant 0 : i32
    %c0_i32_1 = arith.constant 0 : i32
    return %c0_i32, %c0_i32_0 : i32, i32
  }
  func.func @transform_4(%arg0: i32, %arg1: i32) -> (i32, i32) {
    %c0_i32 = arith.constant 0 : i32
    %c0_i32_0 = arith.constant 0 : i32
    %c0_i32_1 = arith.constant 0 : i32
    return %c0_i32, %c0_i32_0 : i32, i32
  }
  func.func @transform_5(%arg0: i32, %arg1: i32) -> (i32, i32) {
    %c0_i32 = arith.constant 0 : i32
    %c0_i32_0 = arith.constant 0 : i32
    %c0_i32_1 = arith.constant 0 : i32
    return %c0_i32, %c0_i32_0 : i32, i32
  }
  func.func @transform_6(%arg0: i32, %arg1: i32) -> (i32, i32) {
    %c0_i32 = arith.constant 0 : i32
    %c0_i32_0 = arith.constant 0 : i32
    %c0_i32_1 = arith.constant 0 : i32
    return %c0_i32, %c0_i32_0 : i32, i32
  }
  func.func @transform_7(%arg0: i32, %arg1: i32) -> (i32, i32) {
    %c0_i32 = arith.constant 0 : i32
    %c0_i32_0 = arith.constant 0 : i32
    %c0_i32_1 = arith.constant 0 : i32
    return %c0_i32, %c0_i32_0 : i32, i32
  }
  func.func @transform_8(%arg0: i32, %arg1: i32) -> (i32, i32) {
    %c0_i32 = arith.constant 0 : i32
    %c0_i32_0 = arith.constant 0 : i32
    %c0_i32_1 = arith.constant 0 : i32
    return %c0_i32, %c0_i32_0 : i32, i32
  }
  func.func @transform_9(%arg0: i32, %arg1: i32) -> (i32, i32) {
    %c0_i32 = arith.constant 0 : i32
    %c0_i32_0 = arith.constant 0 : i32
    %c0_i32_1 = arith.constant 0 : i32
    return %c0_i32, %c0_i32_0 : i32, i32
  }
  func.func @transform_10(%arg0: i32, %arg1: i32) -> (i32, i32) {
    %c0_i32 = arith.constant 0 : i32
    %c0_i32_0 = arith.constant 0 : i32
    %c0_i32_1 = arith.constant 0 : i32
    return %c0_i32, %c0_i32_0 : i32, i32
  }
  func.func @transform_11(%arg0: i32, %arg1: i32) -> (i32, i32) {
    %c0_i32 = arith.constant 0 : i32
    %c0_i32_0 = arith.constant 0 : i32
    %c0_i32_1 = arith.constant 0 : i32
    return %c0_i32, %c0_i32_0 : i32, i32
  }
  func.func @transform_12(%arg0: i32, %arg1: i32) -> (i32, i32) {
    %c0_i32 = arith.constant 0 : i32
    %c0_i32_0 = arith.constant 0 : i32
    %c0_i32_1 = arith.constant 0 : i32
    return %c0_i32, %c0_i32_0 : i32, i32
  }
  func.func @transform_13(%arg0: i32, %arg1: i32) -> (i32, i32, i32) {
    %c0_i32 = arith.constant 0 : i32
    %c0_i32_0 = arith.constant 0 : i32
    return %arg0, %arg1, %c0_i32 : i32, i32, i32
  }
}

</mosaic_0001>

<sc_bundles>
// kernel: kernel.11.cloned.1.call-start
scs
__scs_entry_jumppad:
0x0: {  	(pc) =	sbr.rel $0x88, $3  }
0x1: {  	(tag) =	ssettag $0x0;
	lr =	simm.s32 $0x1  }
0x2: {  	[smem:$0x3F91] =	sst lr;
	_ =	strace $0xD0000000  }
0x3: {  	_ = 	snop  }
0x4: {  	_ = 	snop  }
0x5: {  	_ = 	snop  }
0x6: {  	_ = 	snop  }
0x7: {  	_ = 	snop  }
__scs_overlays_trampoline_lowered:
0x8: {  	[smem:$0x3FA0] =	sst s0  }
0x9: {  	[smem:$0x3FA1] =	sst s1  }
0xa: {  	[smem:$0x3FA2] =	sst s2  }
0xb: {  	[smem:$0x3FA3] =	sst s3  }
0xc: {  	[smem:$0x3FA4] =	sst s4  }
0xd: {  	[smem:$0x3FA5] =	sst s5  }
0xe: {  	[smem:$0x3FA6] =	sst s6  }
0xf: {  	[smem:$0x3FA7] =	sst s7  }
0x10: {  	[smem:$0x3FA8] =	sst s8  }
0x11: {  	[smem:$0x3FA9] =	sst s9;
	s0 =	simm.s32 @!p0 $0x0  }
0x12: {  	s1 =	sld [smem:$0x3F8F];
	s0 =	simm.s32 @p0 $0x1  }
0x13: {  	[smem:$0x3FAA] =	sst s0;
	s0 =	simm.s32 @!p1 $0x0  }
0x14: {  	s2 =	sld [smem:$0x3F8E];
	s0 =	simm.s32 @p1 $0x1  }
0x15: {  	[smem:$0x3FAB] =	sst s0;
	s0 =	simm.s32 @!p2 $0x0  }
0x16: {  	s3 =	sld [smem:$0x3FDB];
	s0 =	simm.s32 @p2 $0x1  }
0x17: {  	s4 =	simm.s32 $0x1BF5;
	[smem:$0x3FAD] =	sst s0  }
0x18: {  	s0 =	sld [smem:$0x3F90];
	_ =	swait.ge [sflag:s4], $0x0  }
0x19: {  	s7 =	sld [smem:$0x3F91]  }
0x1a: {  	s8 =	sadd.s32 $0xFFFFE003, lr  }
0x1b: {  	s9 =	sadd.s32 $0xFFFFFEF7, lr;
	s5 =	simm.s32 $0xFFFFFFFF;
	p2 =	slt.u32 s8, $0xFFFFF086  }
0x1c: {  	p1 =	slt.u32 s9, $0xF7A;
	s5 =	simm.s32 @!p2 $0x0  }
0x1d: {  	s5 =	simm.s32 @p1 $0x1;
	p0 =	seq.s32 s7, s2  }
0x1e: {  	s7 =	smul.u32 @!p0 $0xF7A, s2;
	p2 =	seq.s32 @!p0 s5, $0x0  }
0x1f: {  	s9 =	smul.u32 $0xF7A, s1;
	s8 =	simm.s32 @!p0 $0x1BF5;
	p2 =	por !p2, p0  }
0x20: {  	[sflag:s8] =	ssyncset.s32 @!p0 $0xFFFFF086;
	s6 =	sadd.s32 @!p0 s3, s7;
	s7 =	simm.s32 @!p0 $0x108  }
0x21: {  	s3 =	sadd.s32 s3, s9;
	s6 =	sadd.s32 @!p0 $0x88, s6;
	s7 =	simm.s32 @p2 $0x1082  }
0x22: {  	[simem:s7], [sflag:s8] =	dma.local @!p0 [hbm:s6], $0xF7A  }
0x23: {  	s9 =	sor.u32 $0xD0000000, s2;
	s6 =	simm.s32 $0x108;
	_ =	swait.ge @!p0 [sflag:s8], $0x0  }
0x24: {  	s3 =	sadd.s32 $0x88, s3;
	s6 =	simm.s32 @!p1 $0x1082;
	[sflag:s4] =	ssyncset.s32 $0xFFFFF086  }
0x25: {  	[simem:s6], [sflag:s4] =	dma.local [hbm:s3], $0xF7A  }
0x26: {  	[smem:$0x3F91] =	sst s1;
	(tag) =	ssettag s2;
	_ =	strace s9  }
0x27: {  	s1 =	sld [smem:$0x3FA1]  }
0x28: {  	s2 =	sld [smem:$0x3FA2]  }
0x29: {  	s4 =	sld [smem:$0x3FA4]  }
0x2a: {  	p0 =	seq.s32 s5, $0x0;
	s5 =	sld [smem:$0x3FA5]  }
0x2b: {  	s6 =	sld [smem:$0x3FA6]  }
0x2c: {  	s7 =	sld [smem:$0x3FA7]  }
0x2d: {  	s3 =	simm.s32 $0x108;
	s8 =	sld [smem:$0x3FA8]  }
0x2e: {  	s3 =	simm.s32 @!p0 $0x1082;
	s9 =	sld [smem:$0x3FA9]  }
0x2f: {  	lr =	sadd.s32 s0, s3;
	s0 =	sld [smem:$0x3FA0]  }
0x30: {  	s3 =	sld [smem:$0x3FA3]  }
0x31: {  	[smem:$0x3FAC] =	sst s10  }
0x32: {  	s10 =	sld [smem:$0x3FAA];
	_ =	sdelay $0x3  }
0x33: {  	p0 =	seq.s32 s10, $0x1;
	s10 =	sld [smem:$0x3FAC];
	_ =	sdelay $0x3  }
0x34: {  	[smem:$0x3FAC] =	sst s10  }
0x35: {  	s10 =	sld [smem:$0x3FAB];
	_ =	sdelay $0x3  }
0x36: {  	p1 =	seq.s32 s10, $0x1;
	s10 =	sld [smem:$0x3FAC];
	_ =	sdelay $0x3  }
0x37: {  	[smem:$0x3FAC] =	sst s10  }
0x38: {  	s10 =	sld [smem:$0x3FAD]  }
0x39: {  	_ = 	snop;
	(pc) =	sbr.ind lr, $3  }
0x3a: {  	_ = 	snop  }
0x3b: {  	_ = 	snop  }
0x3c: {  	p2 =	seq.s32 s10, $0x1;
	s10 =	sld [smem:$0x3FAC]  }
0x3d: {  	_ =	shalt  }
0x3e: {  	_ =	shalt  }
0x3f: {  	_ =	shalt  }
0x40: {  	_ =	shalt  }
0x41: {  	_ =	shalt  }
0x42: {  	_ =	shalt  }
0x43: {  	_ =	shalt  }
0x44: {  	_ =	shalt  }
0x45: {  	_ =	shalt  }
0x46: {  	_ =	shalt  }
0x47: {  	_ =	shalt  }
0x48: {  	_ =	shalt  }
0x49: {  	_ =	shalt  }
0x4a: {  	_ =	shalt  }
0x4b: {  	_ =	shalt  }
0x4c: {  	_ =	shalt  }
0x4d: {  	_ =	shalt  }
0x4e: {  	_ =	shalt  }
0x4f: {  	_ =	shalt  }
0x50: {  	_ =	shalt  }
0x51: {  	_ =	shalt  }
0x52: {  	_ =	shalt  }
0x53: {  	_ =	shalt  }
0x54: {  	_ =	shalt  }
0x55: {  	_ =	shalt  }
0x56: {  	_ =	shalt  }
0x57: {  	_ =	shalt  }
0x58: {  	_ =	shalt  }
0x59: {  	_ =	shalt  }
0x5a: {  	_ =	shalt  }
0x5b: {  	_ =	shalt  }
0x5c: {  	_ =	shalt  }
0x5d: {  	_ =	shalt  }
0x5e: {  	_ =	shalt  }
0x5f: {  	_ =	shalt  }
0x60: {  	_ =	shalt  }
0x61: {  	_ =	shalt  }
0x62: {  	_ =	shalt  }
0x63: {  	_ =	shalt  }
0x64: {  	_ =	shalt  }
0x65: {  	_ =	shalt  }
0x66: {  	_ =	shalt  }
0x67: {  	_ =	shalt  }
0x68: {  	_ =	shalt  }
0x69: {  	_ =	shalt  }
0x6a: {  	_ =	shalt  }
0x6b: {  	_ =	shalt  }
0x6c: {  	_ =	shalt  }
0x6d: {  	_ =	shalt  }
0x6e: {  	_ =	shalt  }
0x6f: {  	_ =	shalt  }
0x70: {  	_ =	shalt  }
0x71: {  	_ =	shalt  }
0x72: {  	_ =	shalt  }
0x73: {  	_ =	shalt  }
0x74: {  	_ =	shalt  }
0x75: {  	_ =	shalt  }
0x76: {  	_ =	shalt  }
0x77: {  	_ =	shalt  }
0x78: {  	_ =	shalt  }
0x79: {  	_ =	shalt  }
0x7a: {  	_ =	shalt  }
0x7b: {  	_ =	shalt  }
0x7c: {  	_ =	shalt  }
0x7d: {  	_ =	shalt  }
0x7e: {  	_ =	shalt  }
0x7f: {  	_ =	shalt  }
0x80: {  	_ =	shalt  }
0x81: {  	_ =	shalt  }
0x82: {  	_ =	shalt  }
0x83: {  	_ =	shalt  }
0x84: {  	_ =	shalt  }
0x85: {  	_ =	shalt  }
0x86: {  	_ =	shalt  }
0x87: {  	_ =	shalt  }
.Lfunc_end0:
.L_simem_size_0:
called_computation.1_lowered:
.L_overlay_start_0:
0x88: {  	s2 =	sld [smem:$0x3FD9]  }
0x89: {  	s3 =	sld [smem:$0x3FFE];
	_ =	sdelay $0x1  }
0x8a: {  	s1 =	srdreg.scid  }
0x8b: {  	s0 =	sand.u32 $0x1, s1  }
0x8c: {  	s17 =	sshll.u32 s0, $0xA;
	s2 =	sadd.s32 s3, s2  }
0x8d: {  	s2 =	sadd.s32 s2, s17  }
0x8e: {  	[smem:$0x3FB8] =	sst s2  }
0x8f: {  	_ = 	snop  }
0x90: {  	(tm) =	ssettm $0x1  }
0x91: {  	s18 =	sld [smem:$0x3FFB];
	_ =	sdelay $0x3  }
0x92: {  	_ =	strace s18  }
0x93: {  	s2 =	sld [smem:$0x3FFC];
	_ =	sdelay $0x3  }
0x94: {  	_ =	strace s2  }
0x95: {  	s2 =	sld [smem:$0x3FFD];
	_ =	sdelay $0x3  }
0x96: {  	_ =	strace s2  }
0x97: {  	_ =	strace $0x8FFFFFFF  }
0x98: {  	s19 =	sld [smem:$0x3FDB];
	_ =	sdelay $0x1  }
0x99: {  	s20 =	simm.s32 $_scs_section_size  }
0x9a: {  	s4 =	simm.s32 $_size__tile_overlayer_lowered;
	s5 =	simm.s32 $_tile_overlayer_lowered  }
0x9b: {  	s6 =	simm.s32 $0x1BFF;
	s21 =	sshll.u32 s5, $0x1;
	s3 =	sadd.s32 s20, s19  }
0x9c: {  	s22 =	simm.s32 $0x0;
	s4 =	sshll.u32 s4, $0x1;
	s5 =	sadd.s32 s21, s3  }
0x9d: {  	[timem:s22], [sflag:s6] =	dma.local [hbm:s5], s4  }
0x9e: {  	_ =	swait.ge [sflag:s6], s4  }
0x9f: {  	s4 =	ssub.s32 $0x0, s4;
	[sflag:s6] =	ssyncset.done $0x0  }
0xa0: {  	[sflag:s6] =	ssyncadd.s32 s4;
	_ =	sdelay $0x1  }
0xa1: {  	s23 =	simm.s32 $0x1B8B  }
0xa2: {  	_ =	swait.ge [sflag:s23], $0x1  }
0xa3: {  	[sflag:s23] =	ssyncset.done $0x0  }
0xa4: {  	[sflag:s23] =	ssyncadd.s32 $0xFFFFFFFF  }
0xa5: {  	s4 =	sld [smem:$0x0]  }
0xa6: {  	s5 =	sand.u32 $0xFFFFFFFE, s1  }
0xa7: {  	p0 =	sne.s32 s1, s5  }
0xa8: {  	s5 =	sshll.u32 @p0 s5, $0xE  }
0xa9: {  	s5 =	sadd.s32 @p0 $0x11B8D, s5;
	s6 =	sshll.u32 @p0 s4, $0x11  }
0xaa: {  	s5 =	sor.u32 @p0 s6, s5  }
0xab: {  	[sflag:s5] =	ssyncadd.remote.s32 @p0 $0x1;
	_ =	sdelay $0x1  }
0xac: {  	s5 =	simm.s32 @p0 $0x1B8D  }
0xad: {  	_ =	swait.eq @p0 [sflag:s5], $0x1  }
0xae: {  	[sflag:s5] =	ssyncadd.s32 @p0 $0xFFFFFFFF  }
0xaf: {  	s6 =	sshll.u32 @!p0 s1, $0xE  }
0xb0: {  	s6 =	sor.u32 @!p0 $0x4000, s6;
	s5 =	simm.s32 @!p0 $0x1B8D  }
0xb1: {  	s4 =	sshll.u32 @!p0 s4, $0x11;
	s6 =	sadd.s32 @!p0 $0x11B8D, s6;
	_ =	swait.eq @!p0 [sflag:s5], $0x1  }
0xb2: {  	s4 =	sor.u32 @!p0 s4, s6;
	[sflag:s5] =	ssyncadd.s32 @!p0 $0xFFFFFFFF  }
0xb3: {  	s25 =	simm.s32 $0x1B8E;
	s24 =	sld [smem:$0x3FFE];
	[sflag:s4] =	ssyncadd.remote.s32 @!p0 $0x1  }
0xb4: {  	s26 =	simm.s32 $execute0_lowered;
	[smem:$0x3FD2] =	sst s25  }
0xb5: {  	s5 =	sshll.u32 s26, $0x1;
	_ =	strace $0x80000049;
	[dreg:$0x1] =	wrdreg $0xFFFFFFFF  }
0xb6: {  	s28 =	simm.s32 $_size_execute0_lowered;
	s3 =	sadd.s32 s3, s5;
	[dreg:$0x0] =	wrdreg $0x0  }
0xb7: {  	s5 =	sshll.u32 s28, $0x1;
	[dreg:$0x2] =	wrdreg s3  }
0xb8: {  	[dreg:$0x3] =	wrdreg s5  }
0xb9: {  	[dreg:$0x4] =	wrdreg $0xC0  }
0xba: {  	_ =	task [dreg:s22], $0x5FFFF  }
0xbb: {  	[dreg:$0x1] =	wrdreg $0xFFFFFFFF  }
0xbc: {  	[dreg:$0x0] =	wrdreg $0x60  }
0xbd: {  	[dreg:$0x2] =	wrdreg s24  }
0xbe: {  	[dreg:$0x3] =	wrdreg $0xA  }
0xbf: {  	_ =	task.clear_ibuf [dreg:s22], $0x4FFFF;
	_ =	strace $0x90000049  }
0xc0: {  	s29 =	simm.s32 $0xA;
	_ =	strace $0x8000004B  }
0xc1: {  	_ =	swait.ge [sflag:s29], $0x1  }
0xc2: {  	[sflag:s29] =	ssyncadd.s32 $0xFFFFFFFF  }
0xc3: {  	_ =	strace $0x9000004B  }
0xc4: {  	_ =	sfence  }
0xc5: {  	s30 =	sld [smem:$0x0];
	_ =	sdelay $0x2  }
0xc6: {  	s31 =	sshll.u32 s1, $0xD;
	s1 =	sshrl.u32 s1, $0x2  }
0xc7: {  	s4 =	sand.u32 $0x4000, s31;
	s1 =	sadd.s32 s1, s30  }
0xc8: {  	s0 =	sor.u32 s4, s0;
	s1 =	sshll.u32 s1, $0x11  }
0xc9: {  	s0 =	sor.u32 s1, s0  }
0xca: {  	s0 =	sadd.s32 $0x8F2B, s0  }
0xcb: {  	[sflag:s0] =	ssyncadd.remote.s32 $0x1  }
0xcc: {  	_ =	sfence.sel $0xFFFF  }
0xcd: {  	[dreg:$0x0] =	wrdreg $0xFFFFFFFF;
	(pc) =	sbr.abs _section_cstart, $3  }
0xce: {  	[dreg:$0x1] =	wrdreg $0xFFFFFFFF  }
0xcf: {  	_ =	task.clear_ibuf [dreg:s22], $0x2FFFF;
	_ =	strace $0x9FFFFFFF  }
0xd0: {  	(tm) =	ssettm $0x7FFFFFFF  }
0xd1: {  	_ =	shalt  }
tec
execute0_lowered:
.L_overlay_start_1:
0x0: {  	(tag) =	ssettag $0x1  }
0x1: {  	s4 =	rddreg [dreg:$0x0]  }
0x2: {  	s2 =	srdreg.scid;
	s0 =	rddreg [dreg:$0x1]  }
0x3: {  	s1 =	stileid.u32;
	s11 =	simm.s32 $0x1000;
	s12 =	simm.s32 $0x5000  }
0x4: {  	s13 =	simm.s32 $0x1;
	s14 =	simm.s32 $0x2;
	s15 =	simm.s32 $0xF80  }
0x5: {  	s16 =	simm.s32 $0x0;
	s8 =	sand.u32 $0x1, s2;
	s2 =	simm.s32 $0x0  }
0x6: {  	s3 =	sshll.u32 s1, $0xD;
	s9 =	sadd.s32 $0x24B600, s4;
	s10 =	sshll.u32 s1, $0x11  }
0x7: {  	s5 =	sshll.u32 s8, $0xC;
	[smem:$0x7FF] =	sst s2;
	s7 =	ssub.s32 $0x2, s8  }
0x8: {  	s8 =	sshll.u32 s8, $0x10;
	s5 =	sor.u32 s5, s3;
	_ =	strace $0x8000004A  }
0x9: {  	s3 =	sadd.s32 $0x227600, s4;
	s30 =	sshrl.u32 s7, $0x1;
	s6 =	sshrl.u32 s5, $0x3  }
0xa: {  	s5 =	sshll.u32 s5, $0x4;
	s7 =	ssub.s32 s7, s30;
	s6 =	sadd.s32 s6, s4  }
0xb: {  	s31 =	sadd.s32 s5, s9;
	s7 =	smax.u32 s7, $0x1;
	s9 =	sadd.s32 s10, s9  }
0xc: {  	s10 =	simm.s32 $0x80;
	s4 =	sadd.s32 $0x247600, s6;
	s5 =	sadd.s32 $0xF000, s31  }
0xd: {  	s6 =	sadd.s32 $0xF800, s31;
	s8 =	sadd.s32 s8, s9;
	s9 =	simm.s32 $0x3  }
.LBB2_1:
0xe: {  	[tilespmem:s2], [sflag:$0x3] =	stream.linear.gather [hbm4b:s4+s2], $0x1000, $0x38;
	[tilespmem:$0x9000] =	vst v63  }
0xf: {  	_ =	swait.ge [sflag:s9], $0x1000  }
0x10: {  	[sflag:s9] =	ssyncset.done $0x0  }
0x11: {  	[sflag:s9] =	ssyncadd.s32 $0xFFFFF000  }
0x12: {  	[tilespmem:s11], [sflag:$0x1] =	stream.indirect.gather [hbm4b:s3+s10], $0x80, s2, s10, $0xb8;
	[tilespmem:$0x9000] =	vst v63  }
0x13: {  	s17 =	simm.s32 $0x80  }
0x14: {  	[tilespmem:s12], [sflag:$0x2] =	stream.indirect.gather [hbm4b:s3+s10], $0x80, s17, s10, $0xb8;
	[tilespmem:$0x9000] =	vst v63  }
0x15: {  	_ =	swait.ge [sflag:s13], $0x4000  }
0x16: {  	[sflag:s13] =	ssyncset.done $0x0  }
0x17: {  	s31 =	sadd.s32 $0x0, s8;
	[sflag:s13] =	ssyncadd.s32 $0xFFFFC000  }
0x18: {  	[hbm4b:s31+s2] =	stream.linear.scatter [tilespmem:s11], [sflag:$0x3], $0x4000, $0x38;
	[tilespmem:$0x9000] =	vst v63  }
0x19: {  	_ =	swait.ge [sflag:s9], $0x4000  }
0x1a: {  	[sflag:s9] =	ssyncset.done $0x0  }
0x1b: {  	s18 =	simm.s32 $0x100;
	[sflag:s9] =	ssyncadd.s32 $0xFFFFC000  }
0x1c: {  	[tilespmem:s11], [sflag:$0x1] =	stream.indirect.gather [hbm4b:s3+s10], $0x80, s18, s10, $0xb8;
	[tilespmem:$0x9000] =	vst v63  }
0x1d: {  	_ =	swait.ge [sflag:s14], $0x4000  }
0x1e: {  	[sflag:s14] =	ssyncset.done $0x0  }
0x1f: {  	s17 =	sadd.s32 $0x800, s31;
	[sflag:s14] =	ssyncadd.s32 $0xFFFFC000  }
0x20: {  	[hbm4b:s17+s2] =	stream.linear.scatter [tilespmem:s12], [sflag:$0x3], $0x4000, $0x38;
	[tilespmem:$0x9000] =	vst v63  }
0x21: {  	s19 =	simm.s32 $0x2000;
	_ =	swait.ge [sflag:s9], $0x4000  }
0x22: {  	s18 =	simm.s32 $0x1000;
	s17 =	simm.s32 $0x200;
	[sflag:s9] =	ssyncset.done $0x0  }
.LBB2_2:
0x23: {  	p0 =	sne.s32 s19, $0xE000;
	s20 =	sadd.s32 $0xFFFFFF80, s17;
	[sflag:s9] =	ssyncadd.s32 $0xFFFFC000  }
0x24: {  	[tilespmem:s12], [sflag:$0x2] =	stream.indirect.gather [hbm4b:s3+s10], $0x80, s20, s10, $0xb8;
	[tilespmem:$0x9000] =	vst v63  }
0x25: {  	s20 =	smov.u32 s19;
	s19 =	sadd.s32 $0x1000, s19;
	_ =	swait.ge [sflag:s13], $0x4000  }
0x26: {  	[sflag:s13] =	ssyncset.done $0x0  }
0x27: {  	s21 =	sadd.s32 s18, s8;
	s18 =	smov.u32 s20;
	[sflag:s13] =	ssyncadd.s32 $0xFFFFC000  }
0x28: {  	[hbm4b:s21+s2] =	stream.linear.scatter [tilespmem:s11], [sflag:$0x3], $0x4000, $0x38;
	[tilespmem:$0x9000] =	vst v63  }
0x29: {  	_ =	swait.ge [sflag:s9], $0x4000  }
0x2a: {  	[sflag:s9] =	ssyncset.done $0x0  }
0x2b: {  	[sflag:s9] =	ssyncadd.s32 $0xFFFFC000  }
0x2c: {  	[tilespmem:s11], [sflag:$0x1] =	stream.indirect.gather [hbm4b:s3+s10], $0x80, s17, s10, $0xb8;
	[tilespmem:$0x9000] =	vst v63  }
0x2d: {  	_ =	swait.ge [sflag:s14], $0x4000  }
.Ltmp0:
0x2e: {  	[sflag:s14] =	ssyncset.done $0x0;
	(pc) =	sbr.rel @p0 .LBB2_2-.Ltmp0, $4  }
0x2f: {  	s20 =	sadd.s32 $0x800, s21;
	[sflag:s14] =	ssyncadd.s32 $0xFFFFC000  }
0x30: {  	[hbm4b:s20+s2] =	stream.linear.scatter [tilespmem:s12], [sflag:$0x3], $0x4000, $0x38;
	[tilespmem:$0x9000] =	vst v63  }
0x31: {  	_ =	swait.ge [sflag:s9], $0x4000  }
0x32: {  	s17 =	sadd.s32 $0x100, s17;
	[sflag:s9] =	ssyncset.done $0x0  }
0x33: {  	s19 =	sadd.s32 $0xFFFFFF80, s17;
	[sflag:s9] =	ssyncadd.s32 $0xFFFFC000  }
0x34: {  	[tilespmem:s12], [sflag:$0x2] =	stream.indirect.gather [hbm4b:s3+s10], $0x80, s19, s10, $0xb8;
	[tilespmem:$0x9000] =	vst v63  }
0x35: {  	_ =	swait.ge [sflag:s13], $0x4000  }
0x36: {  	[sflag:s13] =	ssyncset.done $0x0  }
0x37: {  	s18 =	sadd.s32 s18, s8;
	[sflag:s13] =	ssyncadd.s32 $0xFFFFC000  }
0x38: {  	[hbm4b:s18+s2] =	stream.linear.scatter [tilespmem:s11], [sflag:$0x3], $0x4000, $0x38;
	[tilespmem:$0x9000] =	vst v63  }
0x39: {  	_ =	swait.ge [sflag:s9], $0x4000  }
0x3a: {  	[sflag:s9] =	ssyncset.done $0x0  }
0x3b: {  	[sflag:s9] =	ssyncadd.s32 $0xFFFFC000  }
0x3c: {  	[tilespmem:s11], [sflag:$0x1] =	stream.indirect.gather [hbm4b:s3+s10], $0x80, s17, s10, $0xb8;
	[tilespmem:$0x9000] =	vst v63  }
0x3d: {  	_ =	swait.ge [sflag:s14], $0x4000  }
0x3e: {  	[sflag:s14] =	ssyncset.done $0x0  }
0x3f: {  	s31 =	sadd.s32 $0x800, s18;
	[sflag:s14] =	ssyncadd.s32 $0xFFFFC000  }
0x40: {  	[hbm4b:s31+s2] =	stream.linear.scatter [tilespmem:s12], [sflag:$0x3], $0x4000, $0x38;
	[tilespmem:$0x9000] =	vst v63  }
0x41: {  	_ =	swait.ge [sflag:s9], $0x4000  }
0x42: {  	[sflag:s9] =	ssyncset.done $0x0  }
0x43: {  	[sflag:s9] =	ssyncadd.s32 $0xFFFFC000  }
0x44: {  	[tilespmem:s12], [sflag:$0x2] =	stream.indirect.gather [hbm4b:s3+s10], $0x80, s15, s10, $0xb8;
	[tilespmem:$0x9000] =	vst v63  }
0x45: {  	_ =	swait.ge [sflag:s13], $0x4000  }
0x46: {  	[sflag:s13] =	ssyncset.done $0x0  }
0x47: {  	[sflag:s13] =	ssyncadd.s32 $0xFFFFC000  }
0x48: {  	[hbm4b:s5+s2] =	stream.linear.scatter [tilespmem:s11], [sflag:$0x3], $0x4000, $0x38;
	[tilespmem:$0x9000] =	vst v63  }
0x49: {  	_ =	swait.ge [sflag:s9], $0x4000  }
0x4a: {  	[sflag:s9] =	ssyncset.done $0x0  }
0x4b: {  	[sflag:s9] =	ssyncadd.s32 $0xFFFFC000  }
0x4c: {  	s16 =	sadd.s32 $0x1, s16;
	_ =	swait.ge [sflag:s14], $0x4000  }
0x4d: {  	p0 =	sne.s32 s16, s7;
	[sflag:s14] =	ssyncset.done $0x0  }
.Ltmp1:
0x4e: {  	[sflag:s14] =	ssyncadd.s32 $0xFFFFC000;
	(pc) =	sbr.rel @p0 .LBB2_1-.Ltmp1, $4  }
0x4f: {  	[hbm4b:s6+s2] =	stream.linear.scatter [tilespmem:s12], [sflag:$0x3], $0x4000, $0x38;
	[tilespmem:$0x9000] =	vst v63  }
0x50: {  	_ =	swait.ge [sflag:s9], $0x4000  }
0x51: {  	[sflag:s9] =	ssyncset.done $0x0  }
0x52: {  	[sflag:s9] =	ssyncadd.s32 $0xFFFFC000  }
0x53: {  	_ =	sfence.sel $0x180000  }
0x54: {  	[bflag:$0x0] =	sbarrier.arrive $0xFFFF  }
0x55: {  	p0 =	sne.s32 s1, $0x0;
	_ =	strace $0x9000004A  }
0x56: {  	s0 =	sadd.s32 @!p0 $0x100000, s0;
	[bflag:$0x2] =	sbarrier.arrive $0xFFFF  }
0x57: {  	[sflag:s0] =	ssyncadd.tile.s32 @!p0 $0x1;
	_ =	shalt  }
.Lfunc_end2:
_tile_overlayer_lowered:
.L_overlay_start_2:
0x58: {  	(tag) =	ssettag $0x2  }
0x59: {  	s0 =	rddreg [dreg:$0x0];
	s2 =	stileid.u32  }
0x5a: {  	s1 =	rddreg [dreg:$0x1];
	p0 =	sne.s32 s2, $0x0  }
0x5b: {  	s3 =	rddreg [dreg:$0x2];
	[bflag:$0x3] =	sbarrier.arrive $0xFFFF;
	s2 =	simm.s32 @!p0 $0x1C03  }
0x5c: {  	[timem:s3], [sflag:s2] =	dma.local @!p0 [hbm:s0], s1  }
0x5d: {  	s0 =	simm.s32 @!p0 $0x3  }
0x5e: {  	_ =	swait.ge @!p0 [sflag:s0], s1  }
0x5f: {  	s1 =	ssub.s32 @!p0 $0x0, s1;
	[sflag:s0] =	ssyncset.done @!p0 $0x0  }
0x60: {  	[sflag:s0] =	ssyncadd.s32 @!p0 s1  }
0x61: {  	[bflag:$0x3] =	sbarrier.arrive $0xFFFF  }
0x62: {  	_ =	shalt  }

// kernel: kernel.8.cloned.1.call-start
scs
__scs_entry_jumppad:
0x0: {  	(pc) =	sbr.rel $0x88, $3  }
0x1: {  	(tag) =	ssettag $0x0;
	lr =	simm.s32 $0x1  }
0x2: {  	[smem:$0x3F91] =	sst lr;
	_ =	strace $0xD0000000  }
0x3: {  	_ = 	snop  }
0x4: {  	_ = 	snop  }
0x5: {  	_ = 	snop  }
0x6: {  	_ = 	snop  }
0x7: {  	_ = 	snop  }
__scs_overlays_trampoline_lowered:
0x8: {  	[smem:$0x3FA0] =	sst s0  }
0x9: {  	[smem:$0x3FA1] =	sst s1  }
0xa: {  	[smem:$0x3FA2] =	sst s2  }
0xb: {  	[smem:$0x3FA3] =	sst s3  }
0xc: {  	[smem:$0x3FA4] =	sst s4  }
0xd: {  	[smem:$0x3FA5] =	sst s5  }
0xe: {  	[smem:$0x3FA6] =	sst s6  }
0xf: {  	[smem:$0x3FA7] =	sst s7  }
0x10: {  	[smem:$0x3FA8] =	sst s8  }
0x11: {  	[smem:$0x3FA9] =	sst s9;
	s0 =	simm.s32 @!p0 $0x0  }
0x12: {  	s1 =	sld [smem:$0x3F8F];
	s0 =	simm.s32 @p0 $0x1  }
0x13: {  	[smem:$0x3FAA] =	sst s0;
	s0 =	simm.s32 @!p1 $0x0  }
0x14: {  	s2 =	sld [smem:$0x3F8E];
	s0 =	simm.s32 @p1 $0x1  }
0x15: {  	[smem:$0x3FAB] =	sst s0;
	s0 =	simm.s32 @!p2 $0x0  }
0x16: {  	s3 =	sld [smem:$0x3FDB];
	s0 =	simm.s32 @p2 $0x1  }
0x17: {  	s4 =	simm.s32 $0x1BF5;
	[smem:$0x3FAD] =	sst s0  }
0x18: {  	s0 =	sld [smem:$0x3F90];
	_ =	swait.ge [sflag:s4], $0x0  }
0x19: {  	s7 =	sld [smem:$0x3F91]  }
0x1a: {  	s8 =	sadd.s32 $0xFFFFE003, lr  }
0x1b: {  	s9 =	sadd.s32 $0xFFFFFEF7, lr;
	s5 =	simm.s32 $0xFFFFFFFF;
	p2 =	slt.u32 s8, $0xFFFFF086  }
0x1c: {  	p1 =	slt.u32 s9, $0xF7A;
	s5 =	simm.s32 @!p2 $0x0  }
0x1d: {  	s5 =	simm.s32 @p1 $0x1;
	p0 =	seq.s32 s7, s2  }
0x1e: {  	s7 =	smul.u32 @!p0 $0xF7A, s2;
	p2 =	seq.s32 @!p0 s5, $0x0  }
0x1f: {  	s9 =	smul.u32 $0xF7A, s1;
	s8 =	simm.s32 @!p0 $0x1BF5;
	p2 =	por !p2, p0  }
0x20: {  	[sflag:s8] =	ssyncset.s32 @!p0 $0xFFFFF086;
	s6 =	sadd.s32 @!p0 s3, s7;
	s7 =	simm.s32 @!p0 $0x108  }
0x21: {  	s3 =	sadd.s32 s3, s9;
	s6 =	sadd.s32 @!p0 $0x88, s6;
	s7 =	simm.s32 @p2 $0x1082  }
0x22: {  	[simem:s7], [sflag:s8] =	dma.local @!p0 [hbm:s6], $0xF7A  }
0x23: {  	s9 =	sor.u32 $0xD0000000, s2;
	s6 =	simm.s32 $0x108;
	_ =	swait.ge @!p0 [sflag:s8], $0x0  }
0x24: {  	s3 =	sadd.s32 $0x88, s3;
	s6 =	simm.s32 @!p1 $0x1082;
	[sflag:s4] =	ssyncset.s32 $0xFFFFF086  }
0x25: {  	[simem:s6], [sflag:s4] =	dma.local [hbm:s3], $0xF7A  }
0x26: {  	[smem:$0x3F91] =	sst s1;
	(tag) =	ssettag s2;
	_ =	strace s9  }
0x27: {  	s1 =	sld [smem:$0x3FA1]  }
0x28: {  	s2 =	sld [smem:$0x3FA2]  }
0x29: {  	s4 =	sld [smem:$0x3FA4]  }
0x2a: {  	p0 =	seq.s32 s5, $0x0;
	s5 =	sld [smem:$0x3FA5]  }
0x2b: {  	s6 =	sld [smem:$0x3FA6]  }
0x2c: {  	s7 =	sld [smem:$0x3FA7]  }
0x2d: {  	s3 =	simm.s32 $0x108;
	s8 =	sld [smem:$0x3FA8]  }
0x2e: {  	s3 =	simm.s32 @!p0 $0x1082;
	s9 =	sld [smem:$0x3FA9]  }
0x2f: {  	lr =	sadd.s32 s0, s3;
	s0 =	sld [smem:$0x3FA0]  }
0x30: {  	s3 =	sld [smem:$0x3FA3]  }
0x31: {  	[smem:$0x3FAC] =	sst s10  }
0x32: {  	s10 =	sld [smem:$0x3FAA];
	_ =	sdelay $0x3  }
0x33: {  	p0 =	seq.s32 s10, $0x1;
	s10 =	sld [smem:$0x3FAC];
	_ =	sdelay $0x3  }
0x34: {  	[smem:$0x3FAC] =	sst s10  }
0x35: {  	s10 =	sld [smem:$0x3FAB];
	_ =	sdelay $0x3  }
0x36: {  	p1 =	seq.s32 s10, $0x1;
	s10 =	sld [smem:$0x3FAC];
	_ =	sdelay $0x3  }
0x37: {  	[smem:$0x3FAC] =	sst s10  }
0x38: {  	s10 =	sld [smem:$0x3FAD]  }
0x39: {  	_ = 	snop;
	(pc) =	sbr.ind lr, $3  }
0x3a: {  	_ = 	snop  }
0x3b: {  	_ = 	snop  }
0x3c: {  	p2 =	seq.s32 s10, $0x1;
	s10 =	sld [smem:$0x3FAC]  }
0x3d: {  	_ =	shalt  }
0x3e: {  	_ =	shalt  }
0x3f: {  	_ =	shalt  }
0x40: {  	_ =	shalt  }
0x41: {  	_ =	shalt  }
0x42: {  	_ =	shalt  }
0x43: {  	_ =	shalt  }
0x44: {  	_ =	shalt  }
0x45: {  	_ =	shalt  }
0x46: {  	_ =	shalt  }
0x47: {  	_ =	shalt  }
0x48: {  	_ =	shalt  }
0x49: {  	_ =	shalt  }
0x4a: {  	_ =	shalt  }
0x4b: {  	_ =	shalt  }
0x4c: {  	_ =	shalt  }
0x4d: {  	_ =	shalt  }
0x4e: {  	_ =	shalt  }
0x4f: {  	_ =	shalt  }
0x50: {  	_ =	shalt  }
0x51: {  	_ =	shalt  }
0x52: {  	_ =	shalt  }
0x53: {  	_ =	shalt  }
0x54: {  	_ =	shalt  }
0x55: {  	_ =	shalt  }
0x56: {  	_ =	shalt  }
0x57: {  	_ =	shalt  }
0x58: {  	_ =	shalt  }
0x59: {  	_ =	shalt  }
0x5a: {  	_ =	shalt  }
0x5b: {  	_ =	shalt  }
0x5c: {  	_ =	shalt  }
0x5d: {  	_ =	shalt  }
0x5e: {  	_ =	shalt  }
0x5f: {  	_ =	shalt  }
0x60: {  	_ =	shalt  }
0x61: {  	_ =	shalt  }
0x62: {  	_ =	shalt  }
0x63: {  	_ =	shalt  }
0x64: {  	_ =	shalt  }
0x65: {  	_ =	shalt  }
0x66: {  	_ =	shalt  }
0x67: {  	_ =	shalt  }
0x68: {  	_ =	shalt  }
0x69: {  	_ =	shalt  }
0x6a: {  	_ =	shalt  }
0x6b: {  	_ =	shalt  }
0x6c: {  	_ =	shalt  }
0x6d: {  	_ =	shalt  }
0x6e: {  	_ =	shalt  }
0x6f: {  	_ =	shalt  }
0x70: {  	_ =	shalt  }
0x71: {  	_ =	shalt  }
0x72: {  	_ =	shalt  }
0x73: {  	_ =	shalt  }
0x74: {  	_ =	shalt  }
0x75: {  	_ =	shalt  }
0x76: {  	_ =	shalt  }
0x77: {  	_ =	shalt  }
0x78: {  	_ =	shalt  }
0x79: {  	_ =	shalt  }
0x7a: {  	_ =	shalt  }
0x7b: {  	_ =	shalt  }
0x7c: {  	_ =	shalt  }
0x7d: {  	_ =	shalt  }
0x7e: {  	_ =	shalt  }
0x7f: {  	_ =	shalt  }
0x80: {  	_ =	shalt  }
0x81: {  	_ =	shalt  }
0x82: {  	_ =	shalt  }
0x83: {  	_ =	shalt  }
0x84: {  	_ =	shalt  }
0x85: {  	_ =	shalt  }
0x86: {  	_ =	shalt  }
0x87: {  	_ =	shalt  }
.Lfunc_end0:
.L_simem_size_0:
called_computation_lowered:
.L_overlay_start_0:
0x88: {  	s2 =	sld [smem:$0x3FD9]  }
0x89: {  	s3 =	sld [smem:$0x3FFE];
	_ =	sdelay $0x1  }
0x8a: {  	s1 =	srdreg.scid  }
0x8b: {  	s0 =	sand.u32 $0x1, s1  }
0x8c: {  	s16 =	sshll.u32 s0, $0xA;
	s2 =	sadd.s32 s3, s2  }
0x8d: {  	s2 =	sadd.s32 s2, s16  }
0x8e: {  	[smem:$0x3FB8] =	sst s2  }
0x8f: {  	_ = 	snop  }
0x90: {  	(tm) =	ssettm $0x1  }
0x91: {  	s17 =	sld [smem:$0x3FFB];
	_ =	sdelay $0x3  }
0x92: {  	_ =	strace s17  }
0x93: {  	s2 =	sld [smem:$0x3FFC];
	_ =	sdelay $0x3  }
0x94: {  	_ =	strace s2  }
0x95: {  	s2 =	sld [smem:$0x3FFD];
	_ =	sdelay $0x3  }
0x96: {  	_ =	strace s2  }
0x97: {  	_ =	strace $0x8FFFFFFF  }
0x98: {  	s18 =	sld [smem:$0x3FDB];
	_ =	sdelay $0x1  }
0x99: {  	s19 =	simm.s32 $_scs_section_size  }
0x9a: {  	s4 =	simm.s32 $_size__tile_overlayer_lowered;
	s5 =	simm.s32 $_tile_overlayer_lowered  }
0x9b: {  	s22 =	simm.s32 $0x1BFF;
	s21 =	sshll.u32 s5, $0x1;
	s2 =	sadd.s32 s19, s18  }
0x9c: {  	s6 =	simm.s32 $0x0;
	s20 =	sshll.u32 s4, $0x1;
	s4 =	sadd.s32 s21, s2  }
0x9d: {  	[timem:s6], [sflag:s22] =	dma.local [hbm:s4], s20  }
0x9e: {  	_ =	swait.ge [sflag:s22], s20  }
0x9f: {  	s3 =	ssub.s32 $0x0, s20;
	[sflag:s22] =	ssyncset.done $0x0  }
0xa0: {  	[sflag:s22] =	ssyncadd.s32 s3;
	_ =	sdelay $0x1  }
0xa1: {  	s23 =	simm.s32 $0x1B8B  }
0xa2: {  	_ =	swait.ge [sflag:s23], $0x1  }
0xa3: {  	[sflag:s23] =	ssyncset.done $0x0  }
0xa4: {  	s25 =	simm.s32 $0x1B8E;
	s24 =	sld [smem:$0x3FFE];
	[sflag:s23] =	ssyncadd.s32 $0xFFFFFFFF  }
0xa5: {  	s26 =	simm.s32 $execute0_lowered;
	[smem:$0x3FD2] =	sst s25  }
0xa6: {  	s4 =	sshll.u32 s26, $0x1;
	_ =	strace $0x80000046;
	[dreg:$0x1] =	wrdreg $0xFFFFFFFF  }
0xa7: {  	s28 =	simm.s32 $_size_execute0_lowered;
	s2 =	sadd.s32 s2, s4;
	[dreg:$0x0] =	wrdreg $0x0  }
0xa8: {  	s4 =	sshll.u32 s28, $0x1;
	[dreg:$0x2] =	wrdreg s2  }
0xa9: {  	[dreg:$0x3] =	wrdreg s4  }
0xaa: {  	[dreg:$0x4] =	wrdreg $0xC0  }
0xab: {  	_ =	task [dreg:s6], $0x5FFFF  }
0xac: {  	[dreg:$0x1] =	wrdreg $0xFFFFFFFF  }
0xad: {  	[dreg:$0x0] =	wrdreg $0x60  }
0xae: {  	[dreg:$0x2] =	wrdreg s24  }
0xaf: {  	[dreg:$0x3] =	wrdreg $0x9  }
0xb0: {  	_ =	task.clear_ibuf [dreg:s6], $0x4FFFF;
	_ =	strace $0x90000046  }
0xb1: {  	s29 =	simm.s32 $0x9;
	_ =	strace $0x80000048  }
0xb2: {  	_ =	swait.ge [sflag:s29], $0x1  }
0xb3: {  	[sflag:s29] =	ssyncadd.s32 $0xFFFFFFFF  }
0xb4: {  	_ =	strace $0x90000048  }
0xb5: {  	_ =	sfence  }
0xb6: {  	s30 =	sld [smem:$0x0];
	_ =	sdelay $0x2  }
0xb7: {  	s31 =	sshll.u32 s1, $0xD;
	s1 =	sshrl.u32 s1, $0x2  }
0xb8: {  	s3 =	sand.u32 $0x4000, s31;
	s1 =	sadd.s32 s1, s30  }
0xb9: {  	s0 =	sor.u32 s3, s0;
	s1 =	sshll.u32 s1, $0x11  }
0xba: {  	s0 =	sor.u32 s1, s0  }
0xbb: {  	s0 =	sadd.s32 $0x8F2B, s0  }
0xbc: {  	[sflag:s0] =	ssyncadd.remote.s32 $0x1  }
0xbd: {  	_ =	sfence.sel $0xFFFF  }
0xbe: {  	[dreg:$0x0] =	wrdreg $0xFFFFFFFF;
	(pc) =	sbr.abs _section_cstart, $3  }
0xbf: {  	[dreg:$0x1] =	wrdreg $0xFFFFFFFF  }
0xc0: {  	_ =	task.clear_ibuf [dreg:s6], $0x2FFFF;
	_ =	strace $0x9FFFFFFF  }
0xc1: {  	(tm) =	ssettm $0x7FFFFFFF  }
tec
execute0_lowered:
.L_overlay_start_1:
0x0: {  	(tag) =	ssettag $0x1  }
0x1: {  	s4 =	rddreg [dreg:$0x0]  }
0x2: {  	s2 =	srdreg.scid;
	s0 =	rddreg [dreg:$0x1]  }
0x3: {  	s1 =	stileid.u32;
	s11 =	simm.s32 $0x1000;
	s12 =	simm.s32 $0x5000  }
0x4: {  	s13 =	simm.s32 $0x1;
	s14 =	simm.s32 $0x2;
	s15 =	simm.s32 $0xF80  }
0x5: {  	s16 =	simm.s32 $0x0;
	s8 =	sand.u32 $0x1, s2;
	s2 =	simm.s32 $0x0  }
0x6: {  	s3 =	sshll.u32 s1, $0xD;
	s9 =	sadd.s32 $0x27600, s4;
	s10 =	sshll.u32 s1, $0x11  }
0x7: {  	s5 =	sshll.u32 s8, $0xC;
	[smem:$0x7FF] =	sst s2;
	s7 =	ssub.s32 $0x2, s8  }
0x8: {  	s8 =	sshll.u32 s8, $0x10;
	s5 =	sor.u32 s5, s3;
	_ =	strace $0x80000047  }
0x9: {  	s3 =	sadd.s32 $0x3600, s4;
	s30 =	sshrl.u32 s7, $0x1;
	s6 =	sshrl.u32 s5, $0x3  }
0xa: {  	s5 =	sshll.u32 s5, $0x4;
	s7 =	ssub.s32 s7, s30;
	s6 =	sadd.s32 s6, s4  }
0xb: {  	s31 =	sadd.s32 s5, s9;
	s7 =	smax.u32 s7, $0x1;
	s9 =	sadd.s32 s10, s9  }
0xc: {  	s10 =	simm.s32 $0x80;
	s4 =	sadd.s32 $0x23600, s6;
	s5 =	sadd.s32 $0xF000, s31  }
0xd: {  	s6 =	sadd.s32 $0xF800, s31;
	s8 =	sadd.s32 s8, s9;
	s9 =	simm.s32 $0x3  }
.LBB2_1:
0xe: {  	[tilespmem:s2], [sflag:$0x3] =	stream.linear.gather [hbm4b:s4+s2], $0x1000, $0x38;
	[tilespmem:$0x9000] =	vst v63  }
0xf: {  	_ =	swait.ge [sflag:s9], $0x1000  }
0x10: {  	[sflag:s9] =	ssyncset.done $0x0  }
0x11: {  	[sflag:s9] =	ssyncadd.s32 $0xFFFFF000  }
0x12: {  	[tilespmem:s11], [sflag:$0x1] =	stream.indirect.gather [hbm4b:s3+s10], $0x80, s2, s10, $0xb8;
	[tilespmem:$0x9000] =	vst v63  }
0x13: {  	s17 =	simm.s32 $0x80  }
0x14: {  	[tilespmem:s12], [sflag:$0x2] =	stream.indirect.gather [hbm4b:s3+s10], $0x80, s17, s10, $0xb8;
	[tilespmem:$0x9000] =	vst v63  }
0x15: {  	_ =	swait.ge [sflag:s13], $0x4000  }
0x16: {  	[sflag:s13] =	ssyncset.done $0x0  }
0x17: {  	s31 =	sadd.s32 $0x0, s8;
	[sflag:s13] =	ssyncadd.s32 $0xFFFFC000  }
0x18: {  	[hbm4b:s31+s2] =	stream.linear.scatter [tilespmem:s11], [sflag:$0x3], $0x4000, $0x38;
	[tilespmem:$0x9000] =	vst v63  }
0x19: {  	_ =	swait.ge [sflag:s9], $0x4000  }
0x1a: {  	[sflag:s9] =	ssyncset.done $0x0  }
0x1b: {  	s18 =	simm.s32 $0x100;
	[sflag:s9] =	ssyncadd.s32 $0xFFFFC000  }
0x1c: {  	[tilespmem:s11], [sflag:$0x1] =	stream.indirect.gather [hbm4b:s3+s10], $0x80, s18, s10, $0xb8;
	[tilespmem:$0x9000] =	vst v63  }
0x1d: {  	_ =	swait.ge [sflag:s14], $0x4000  }
0x1e: {  	[sflag:s14] =	ssyncset.done $0x0  }
0x1f: {  	s17 =	sadd.s32 $0x800, s31;
	[sflag:s14] =	ssyncadd.s32 $0xFFFFC000  }
0x20: {  	[hbm4b:s17+s2] =	stream.linear.scatter [tilespmem:s12], [sflag:$0x3], $0x4000, $0x38;
	[tilespmem:$0x9000] =	vst v63  }
0x21: {  	s19 =	simm.s32 $0x2000;
	_ =	swait.ge [sflag:s9], $0x4000  }
0x22: {  	s18 =	simm.s32 $0x1000;
	s17 =	simm.s32 $0x200;
	[sflag:s9] =	ssyncset.done $0x0  }
.LBB2_2:
0x23: {  	p0 =	sne.s32 s19, $0xE000;
	s20 =	sadd.s32 $0xFFFFFF80, s17;
	[sflag:s9] =	ssyncadd.s32 $0xFFFFC000  }
0x24: {  	[tilespmem:s12], [sflag:$0x2] =	stream.indirect.gather [hbm4b:s3+s10], $0x80, s20, s10, $0xb8;
	[tilespmem:$0x9000] =	vst v63  }
0x25: {  	s20 =	smov.u32 s19;
	s19 =	sadd.s32 $0x1000, s19;
	_ =	swait.ge [sflag:s13], $0x4000  }
0x26: {  	[sflag:s13] =	ssyncset.done $0x0  }
0x27: {  	s21 =	sadd.s32 s18, s8;
	s18 =	smov.u32 s20;
	[sflag:s13] =	ssyncadd.s32 $0xFFFFC000  }
0x28: {  	[hbm4b:s21+s2] =	stream.linear.scatter [tilespmem:s11], [sflag:$0x3], $0x4000, $0x38;
	[tilespmem:$0x9000] =	vst v63  }
0x29: {  	_ =	swait.ge [sflag:s9], $0x4000  }
0x2a: {  	[sflag:s9] =	ssyncset.done $0x0  }
0x2b: {  	[sflag:s9] =	ssyncadd.s32 $0xFFFFC000  }
0x2c: {  	[tilespmem:s11], [sflag:$0x1] =	stream.indirect.gather [hbm4b:s3+s10], $0x80, s17, s10, $0xb8;
	[tilespmem:$0x9000] =	vst v63  }
0x2d: {  	_ =	swait.ge [sflag:s14], $0x4000  }
.Ltmp0:
0x2e: {  	[sflag:s14] =	ssyncset.done $0x0;
	(pc) =	sbr.rel @p0 .LBB2_2-.Ltmp0, $4  }
0x2f: {  	s20 =	sadd.s32 $0x800, s21;
	[sflag:s14] =	ssyncadd.s32 $0xFFFFC000  }
0x30: {  	[hbm4b:s20+s2] =	stream.linear.scatter [tilespmem:s12], [sflag:$0x3], $0x4000, $0x38;
	[tilespmem:$0x9000] =	vst v63  }
0x31: {  	_ =	swait.ge [sflag:s9], $0x4000  }
0x32: {  	s17 =	sadd.s32 $0x100, s17;
	[sflag:s9] =	ssyncset.done $0x0  }
0x33: {  	s19 =	sadd.s32 $0xFFFFFF80, s17;
	[sflag:s9] =	ssyncadd.s32 $0xFFFFC000  }
0x34: {  	[tilespmem:s12], [sflag:$0x2] =	stream.indirect.gather [hbm4b:s3+s10], $0x80, s19, s10, $0xb8;
	[tilespmem:$0x9000] =	vst v63  }
0x35: {  	_ =	swait.ge [sflag:s13], $0x4000  }
0x36: {  	[sflag:s13] =	ssyncset.done $0x0  }
0x37: {  	s18 =	sadd.s32 s18, s8;
	[sflag:s13] =	ssyncadd.s32 $0xFFFFC000  }
0x38: {  	[hbm4b:s18+s2] =	stream.linear.scatter [tilespmem:s11], [sflag:$0x3], $0x4000, $0x38;
	[tilespmem:$0x9000] =	vst v63  }
0x39: {  	_ =	swait.ge [sflag:s9], $0x4000  }
0x3a: {  	[sflag:s9] =	ssyncset.done $0x0  }
0x3b: {  	[sflag:s9] =	ssyncadd.s32 $0xFFFFC000  }
0x3c: {  	[tilespmem:s11], [sflag:$0x1] =	stream.indirect.gather [hbm4b:s3+s10], $0x80, s17, s10, $0xb8;
	[tilespmem:$0x9000] =	vst v63  }
0x3d: {  	_ =	swait.ge [sflag:s14], $0x4000  }
0x3e: {  	[sflag:s14] =	ssyncset.done $0x0  }
0x3f: {  	s31 =	sadd.s32 $0x800, s18;
	[sflag:s14] =	ssyncadd.s32 $0xFFFFC000  }
0x40: {  	[hbm4b:s31+s2] =	stream.linear.scatter [tilespmem:s12], [sflag:$0x3], $0x4000, $0x38;
	[tilespmem:$0x9000] =	vst v63  }
0x41: {  	_ =	swait.ge [sflag:s9], $0x4000  }
0x42: {  	[sflag:s9] =	ssyncset.done $0x0  }
0x43: {  	[sflag:s9] =	ssyncadd.s32 $0xFFFFC000  }
0x44: {  	[tilespmem:s12], [sflag:$0x2] =	stream.indirect.gather [hbm4b:s3+s10], $0x80, s15, s10, $0xb8;
	[tilespmem:$0x9000] =	vst v63  }
0x45: {  	_ =	swait.ge [sflag:s13], $0x4000  }
0x46: {  	[sflag:s13] =	ssyncset.done $0x0  }
0x47: {  	[sflag:s13] =	ssyncadd.s32 $0xFFFFC000  }
0x48: {  	[hbm4b:s5+s2] =	stream.linear.scatter [tilespmem:s11], [sflag:$0x3], $0x4000, $0x38;
	[tilespmem:$0x9000] =	vst v63  }
0x49: {  	_ =	swait.ge [sflag:s9], $0x4000  }
0x4a: {  	[sflag:s9] =	ssyncset.done $0x0  }
0x4b: {  	[sflag:s9] =	ssyncadd.s32 $0xFFFFC000  }
0x4c: {  	s16 =	sadd.s32 $0x1, s16;
	_ =	swait.ge [sflag:s14], $0x4000  }
0x4d: {  	p0 =	sne.s32 s16, s7;
	[sflag:s14] =	ssyncset.done $0x0  }
.Ltmp1:
0x4e: {  	[sflag:s14] =	ssyncadd.s32 $0xFFFFC000;
	(pc) =	sbr.rel @p0 .LBB2_1-.Ltmp1, $4  }
0x4f: {  	[hbm4b:s6+s2] =	stream.linear.scatter [tilespmem:s12], [sflag:$0x3], $0x4000, $0x38;
	[tilespmem:$0x9000] =	vst v63  }
0x50: {  	_ =	swait.ge [sflag:s9], $0x4000  }
0x51: {  	[sflag:s9] =	ssyncset.done $0x0  }
0x52: {  	[sflag:s9] =	ssyncadd.s32 $0xFFFFC000  }
0x53: {  	_ =	sfence.sel $0x180000  }
0x54: {  	[bflag:$0x0] =	sbarrier.arrive $0xFFFF  }
0x55: {  	p0 =	sne.s32 s1, $0x0;
	_ =	strace $0x90000047  }
0x56: {  	s0 =	sadd.s32 @!p0 $0x100000, s0;
	[bflag:$0x2] =	sbarrier.arrive $0xFFFF  }
0x57: {  	[sflag:s0] =	ssyncadd.tile.s32 @!p0 $0x1;
	_ =	shalt  }
.Lfunc_end2:
_tile_overlayer_lowered:
.L_overlay_start_2:
0x58: {  	(tag) =	ssettag $0x2  }
0x59: {  	s0 =	rddreg [dreg:$0x0];
	s2 =	stileid.u32  }
0x5a: {  	s1 =	rddreg [dreg:$0x1];
	p0 =	sne.s32 s2, $0x0  }
0x5b: {  	s3 =	rddreg [dreg:$0x2];
	[bflag:$0x3] =	sbarrier.arrive $0xFFFF;
	s2 =	simm.s32 @!p0 $0x1C03  }
0x5c: {  	[timem:s3], [sflag:s2] =	dma.local @!p0 [hbm:s0], s1  }
0x5d: {  	s0 =	simm.s32 @!p0 $0x3  }
0x5e: {  	_ =	swait.ge @!p0 [sflag:s0], s1  }
0x5f: {  	s1 =	ssub.s32 @!p0 $0x0, s1;
	[sflag:s0] =	ssyncset.done @!p0 $0x0  }
0x60: {  	[sflag:s0] =	ssyncadd.s32 @!p0 s1  }
0x61: {  	[bflag:$0x3] =	sbarrier.arrive $0xFFFF  }
0x62: {  	_ =	shalt  }

</sc_bundles>
